<compile_context>
chip_gen: v7x
topology: tpu7x:2x2x1
jax: 0.10.2.dev20260603
libtpu: 0.0.44.dev20260713+nightly
codegen_flags: <defaults>
</compile_context>

<pallas_src>
import functools

import jax
import jax.numpy as jnp
from jax import lax
from jax.experimental import pallas as pl
from jax.experimental.pallas import tpu as pltpu
from jax.experimental.pallas import tpu_sc as plsc

MAX_DIST = 512
HEADS = 16
SEQ = 2048
TBL = 2 * MAX_DIST + 1
TROW = 1152
BLK = 16
DW = 2944
N_PASS = 8
N_K = 8


def _sc_body(bt_hbm, out_hbm, t_ref, d_refs, sems):
    wid = lax.axis_index("s") * 2 + lax.axis_index("c")
    h = wid // 2
    half = wid % 2
    ibase = half * (SEQ // 2)
    xbase = (1 - half) * (SEQ // 2)

    pltpu.sync_copy(bt_hbm.at[pl.ds(h * TROW, TROW)], t_ref)

    lane = lax.iota(jnp.int32, 16)

    def drain_one(sem):
        pltpu.make_async_copy(
            d_refs[0].at[:, pl.ds(0, SEQ)],
            out_hbm.at[0, pl.ds(0, BLK), :],
            sem,
        ).wait()

    for p in range(N_PASS):
        d_ref = d_refs[p % 2]
        sem = sems[p % 2]
        if p >= 2:
            for _ in range(N_K):
                drain_one(sem)

        base_p = (2544 - 16 * p) - xbase

        def row_build(b, _, d_ref=d_ref, base_p=base_p, p=p):
            c = base_p + b

            def bld(cx, _, d_ref=d_ref, b=b, c=c):
                x0 = cx * 16
                idx = jnp.clip((c - x0) - lane, 0, TBL - 1)
                d_ref[b, pl.ds(x0, 16)] = plsc.load_gather(t_ref, [idx])
                return 0

            if p < 2:
                lax.fori_loop(0, DW // 16, bld, 0)
            else:
                n_lo = (c - (TBL - 1)) // 16
                n_hi = (c + 15) // 16
                lax.fori_loop(n_lo, n_hi + 2, bld, 0)
            return 0

        lax.fori_loop(0, BLK, row_build, 0)
        def emit(k, _, d_ref=d_ref, sem=sem, p=p):
            off = pl.multiple_of(896 - 128 * k, 128)
            i0 = pl.multiple_of(
                ibase + ((7 - p) % 8 + 8 * k) * BLK, BLK
            )
            pltpu.async_copy(
                d_ref.at[:, pl.ds(off, SEQ)],
                out_hbm.at[h, pl.ds(i0, BLK), :],
                sem,
            )
            return 0

        lax.fori_loop(0, N_K, emit, 0)
    for s in sems:
        for _ in range(N_K):
            drain_one(s)


@functools.partial(
    pl.kernel,
    out_type=jax.ShapeDtypeStruct((HEADS, SEQ, SEQ), jnp.float32),
    mesh=plsc.VectorSubcoreMesh(core_axis_name="c", subcore_axis_name="s"),
    scratch_types=[
        pltpu.VMEM((TROW,), jnp.float32),
        pltpu.VMEM((BLK, DW), jnp.float32),
        pltpu.VMEM((BLK, DW), jnp.float32),
        pltpu.SemaphoreType.DMA,
        pltpu.SemaphoreType.DMA,
    ],
    compiler_params=pltpu.CompilerParams(needs_layout_passes=False),
)
def _rel_pos_bias_sc(bt_hbm, out_hbm, t_ref, d_a, d_b, sem_a, sem_b):
    _sc_body(bt_hbm, out_hbm, t_ref, (d_a, d_b), (sem_a, sem_b))


def kernel(q_len, k_len, bias_table):
    bt = jnp.pad(bias_table.T, ((0, 0), (0, TROW - TBL))).reshape(-1)
    return _rel_pos_bias_sc(bt)

# --- scband reference (transcript-rebuilt; emitter-appended) ---
"""Pipeline reference for scband-relative-position-bias-7241314861801 (READ-ONLY COPY).

The authoritative reference and input builder live on the scoring server;
editing this copy changes nothing except your own understanding.
"""

import jax, jax.numpy as jnp
import numpy as np

MAX_DISTANCE = 512
NUM_HEADS = 16
SEQ_LEN = 2048

def setup_inputs(seed: int = 0) -> dict:
    key = jax.random.key(seed)
    bias_table = jax.random.normal(key, (2 * MAX_DISTANCE + 1, NUM_HEADS), dtype=jnp.float32)
    return {"q_len": 2048, "k_len": 2048, "bias_table": bias_table}

def reference(q_len, k_len, bias_table):
    q_pos = (jnp.arange(SEQ_LEN) + 0 * q_len)[:, None]
    k_pos = (jnp.arange(SEQ_LEN) + 0 * k_len)[None, :]
    rel = jnp.clip(q_pos - k_pos, -MAX_DISTANCE, MAX_DISTANCE) + MAX_DISTANCE
    bias = jnp.take(bias_table, rel, axis=0)  # [q_len, k_len, num_heads]
    return jnp.transpose(bias, (2, 0, 1))  # [num_heads, q_len, k_len]

if __name__ == "__main__":
    import jax
    _d = setup_inputs()
    print(jax.jit(kernel)(*tuple(_d.values())))

</pallas_src>

<mosaic_0001>
#map = affine_map<(d0, d1) -> (0)>
#map1 = affine_map<(d0, d1) -> (0, 0, 0)>
module attributes {stable_mosaic.version = 14 : i64} {
  func.func @_rel_pos_bias_sc(%arg0: i32, %arg1: i32, %arg2: memref<18432xf32, #tpu.memory_space<hbm>>, %arg3: memref<16x2048x2048xf32, #tpu.memory_space<hbm>>, %arg4: memref<1152xf32, #tpu.memory_space<vmem>>, %arg5: memref<16x2944xf32, #tpu.memory_space<vmem>>, %arg6: memref<16x2944xf32, #tpu.memory_space<vmem>>, %arg7: memref<!tpu.dma_semaphore, #tpu.memory_space<semaphore_mem>>, %arg8: memref<!tpu.dma_semaphore, #tpu.memory_space<semaphore_mem>>) attributes {dimension_semantics = [#tpu.dimension_semantics<core_parallel>, #tpu.dimension_semantics<subcore_parallel>], iteration_bounds = array<i64: 2, 16>, scalar_prefetch = 0 : i64, scratch_operands = 5 : i64, tpu.core_type = #tpu.core_type<sc_vector_subcore>, window_params = [{transform_indices = #map}, {transform_indices = #map1}]} {
    %mul3A = arith.constant 2 : i32
    %mul3A_0 = arith.muli %arg1, %mul3A : i32
    %add3A = arith.addi %mul3A_0, %arg0 : i32
    %jit3A = arith.constant 2 : i32
    %div3A = arith.divsi %add3A, %jit3A : i32
    %sign3A = arith.constant 0 : i32
    %sign3A_1 = arith.cmpi sgt, %add3A, %sign3A : i32
    %sign3A_2 = arith.extui %sign3A_1 : i1 to i32
    %sign3A_3 = arith.constant 0 : i32
    %sign3A_4 = arith.cmpi slt, %add3A, %sign3A_3 : i32
    %sign3A_5 = arith.extui %sign3A_4 : i1 to i32
    %sign3A_6 = arith.subi %sign3A_2, %sign3A_5 : i32
    %sign3A_7 = arith.constant 0 : i32
    %sign3A_8 = arith.cmpi sgt, %jit3A, %sign3A_7 : i32
    %sign3A_9 = arith.extui %sign3A_8 : i1 to i32
    %sign3A_10 = arith.constant 0 : i32
    %sign3A_11 = arith.cmpi slt, %jit3A, %sign3A_10 : i32
    %sign3A_12 = arith.extui %sign3A_11 : i1 to i32
    %sign3A_13 = arith.subi %sign3A_9, %sign3A_12 : i32
    %ne3A = arith.cmpi ne, %sign3A_6, %sign3A_13 : i32
    %rem3A = arith.remsi %add3A, %jit3A : i32
    %ne3A_14 = arith.constant 0 : i32
    %ne3A_15 = arith.cmpi ne, %rem3A, %ne3A_14 : i32
    %and3A = arith.andi %ne3A, %ne3A_15 : i1
    %sub3A = arith.constant 1 : i32
    %sub3A_16 = arith.subi %div3A, %sub3A : i32
    %select_n3A = arith.select %and3A, %sub3A_16, %div3A : i32
    %jit3A_17 = arith.constant 2 : i32
    %eq3A = arith.constant 0 : i32
    %eq3A_18 = arith.cmpi eq, %jit3A_17, %eq3A : i32
    %jit3A_19 = arith.constant 1 : i32
    %select_n3A_20 = arith.select %eq3A_18, %jit3A_19, %jit3A_17 : i32
    %rem3A_21 = arith.remsi %add3A, %select_n3A_20 : i32
    %ne3A_22 = arith.constant 0 : i32
    %ne3A_23 = arith.cmpi ne, %rem3A_21, %ne3A_22 : i32
    %lt3A = arith.constant 0 : i32
    %lt3A_24 = arith.cmpi slt, %rem3A_21, %lt3A : i32
    %lt3A_25 = arith.constant 0 : i32
    %lt3A_26 = arith.cmpi slt, %select_n3A_20, %lt3A_25 : i32
    %ne3A_27 = arith.xori %lt3A_24, %lt3A_26 : i1
    %and3A_28 = arith.andi %ne3A_27, %ne3A_23 : i1
    %add3A_29 = arith.addi %rem3A_21, %select_n3A_20 : i32
    %select_n3A_30 = arith.select %and3A_28, %add3A_29, %rem3A_21 : i32
    %mul3A_31 = arith.constant 1024 : i32
    %mul3A_32 = arith.muli %select_n3A_30, %mul3A_31 : i32
    %sub3A_33 = arith.constant 1 : i32
    %sub3A_34 = arith.subi %sub3A_33, %select_n3A_30 : i32
    %mul3A_35 = arith.constant 1024 : i32
    %mul3A_36 = arith.muli %sub3A_34, %mul3A_35 : i32
    %mul3A_37 = arith.constant 1152 : i32
    %mul3A_38 = arith.muli %select_n3A, %mul3A_37 : i32
    "tpu.region"() ({
      %run_scoped3A = tpu.sem_alloc : memref<!tpu.dma_semaphore, #tpu.memory_space<semaphore_mem>>
      %dma_start3A = tpu.memref_slice %arg2[%mul3A_38] : memref<18432xf32, #tpu.memory_space<hbm>> -> memref<1152xf32, #tpu.memory_space<hbm>>
      %dma_start3A_1125 = tpu.memref_slice %arg2[%mul3A_38] : memref<18432xf32, #tpu.memory_space<hbm>> -> memref<1152xf32, #tpu.memory_space<hbm>>
      tpu.enqueue_dma source(%dma_start3A_1125 : memref<1152xf32, #tpu.memory_space<hbm>>) target(%arg4 : memref<1152xf32, #tpu.memory_space<vmem>>) target_semaphore(%run_scoped3A : memref<!tpu.dma_semaphore, #tpu.memory_space<semaphore_mem>>)
      %dma_wait3A_1126 = tpu.memref_slice %arg2[%mul3A_38] : memref<18432xf32, #tpu.memory_space<hbm>> -> memref<1152xf32, #tpu.memory_space<hbm>>
      %dma_wait3A_1127 = tpu.memref_slice %arg2[%mul3A_38] : memref<18432xf32, #tpu.memory_space<hbm>> -> memref<1152xf32, #tpu.memory_space<hbm>>
      tpu.wait_dma2 semaphore(%run_scoped3A : memref<!tpu.dma_semaphore, #tpu.memory_space<semaphore_mem>>) src(%dma_wait3A_1127 : memref<1152xf32, #tpu.memory_space<hbm>>) dst(%arg4 : memref<1152xf32, #tpu.memory_space<vmem>>)
      tpu.yield
    }) : () -> ()
    %iota3A = tpu.iota {dimensions = array<i32: 0>} : vector<16xi32>
    %sub3A_39 = arith.constant 2544 : i32
    %sub3A_40 = arith.subi %sub3A_39, %mul3A_36 : i32
    %scan3A = arith.constant 0 : i32
    %scan3A_41 = arith.constant 0 : i32
    %scan3A_42 = arith.constant 16 : i32
    %scan3A_43 = arith.addi %scan3A_41, %scan3A_42 : i32
    %scan3A_44 = arith.constant 1 : i32
    %scan3A_45 = scf.for %scan3A_1125 = %scan3A_41 to %scan3A_43 step %scan3A_44 iter_args(%scan3A_1126 = %scan3A) -> (i32)  : i32 {
      %add3A_1127 = arith.addi %sub3A_40, %scan3A_1125 : i32
      %scan3A_1128 = arith.constant 0 : i32
      %scan3A_1129 = arith.constant 0 : i32
      %scan3A_1130 = arith.constant 184 : i32
      %scan3A_1131 = arith.addi %scan3A_1129, %scan3A_1130 : i32
      %scan3A_1132 = arith.constant 1 : i32
      %scan3A_1133 = scf.for %scan3A_1136 = %scan3A_1129 to %scan3A_1131 step %scan3A_1132 iter_args(%scan3A_1137 = %scan3A_1128) -> (i32)  : i32 {
        %mul3A_1138 = arith.constant 16 : i32
        %mul3A_1139 = arith.muli %scan3A_1136, %mul3A_1138 : i32
        %sub3A_1140 = arith.subi %add3A_1127, %mul3A_1139 : i32
        %sub3A_1141 = vector.broadcast %sub3A_1140 : i32 to vector<16xi32>
        %sub3A_1142 = arith.subi %sub3A_1141, %iota3A : vector<16xi32>
        %jit3A_1143 = arith.constant 0 : i32
        %jit3A_1144 = arith.constant 1024 : i32
        %max3A = vector.broadcast %jit3A_1143 : i32 to vector<16xi32>
        %max3A_1145 = arith.maxsi %max3A, %sub3A_1142 : vector<16xi32>
        %min3A = vector.broadcast %jit3A_1144 : i32 to vector<16xi32>
        %min3A_1146 = arith.minsi %min3A, %max3A_1145 : vector<16xi32>
        %gather3A = tpu.vector_load_idx %arg4[%min3A_1146] : memref<1152xf32, #tpu.memory_space<vmem>>[vector<16xi32>], vector<16xf32>,
        %swap3A = arith.index_cast %scan3A_1125 : i32 to index
        %swap3A_1147 = arith.index_cast %mul3A_1139 : i32 to index
        %swap3A_1148 = tpu.vector_load %arg5[%swap3A, %swap3A_1147] {strides = array<i32>} : memref<16x2944xf32, #tpu.memory_space<vmem>>, vector<16xf32>,
        tpu.vector_store %arg5[%swap3A, %swap3A_1147], %gather3A {strides = array<i32>} : memref<16x2944xf32, #tpu.memory_space<vmem>>, vector<16xf32>,
        %scan3A_1149 = arith.constant 0 : i32
        scf.yield %scan3A_1149 : i32
      }
      %scan3A_1134 = arith.constant 184 : i32
      %scan3A_1135 = arith.constant 0 : i32
      scf.yield %scan3A_1135 : i32
    }
    %scan3A_46 = arith.constant 16 : i32
    %scan3A_47 = arith.constant 0 : i32
    %scan3A_48 = arith.constant 0 : i32
    %scan3A_49 = arith.constant 8 : i32
    %scan3A_50 = arith.addi %scan3A_48, %scan3A_49 : i32
    %scan3A_51 = arith.constant 1 : i32
    %scan3A_52 = scf.for %scan3A_1125 = %scan3A_48 to %scan3A_50 step %scan3A_51 iter_args(%scan3A_1126 = %scan3A_47) -> (i32)  : i32 {
      %mul3A_1127 = arith.constant 128 : i32
      %mul3A_1128 = arith.muli %mul3A_1127, %scan3A_1125 : i32
      %sub3A_1129 = arith.constant 896 : i32
      %sub3A_1130 = arith.subi %sub3A_1129, %mul3A_1128 : i32
      %multiple_of3A = tpu.assume_multiple %sub3A_1130, 128 : i32
      %mul3A_1131 = arith.constant 8 : i32
      %mul3A_1132 = arith.muli %mul3A_1131, %scan3A_1125 : i32
      %add3A_1133 = arith.constant 7 : i32
      %add3A_1134 = arith.addi %add3A_1133, %mul3A_1132 : i32
      %mul3A_1135 = arith.constant 16 : i32
      %mul3A_1136 = arith.muli %add3A_1134, %mul3A_1135 : i32
      %add3A_1137 = arith.addi %mul3A_32, %mul3A_1136 : i32
      %multiple_of3A_1138 = tpu.assume_multiple %add3A_1137, 16 : i32
      %dma_start3A = arith.constant 0 : i32
      %dma_start3A_1139 = tpu.memref_slice %arg5[%dma_start3A, %multiple_of3A] : memref<16x2944xf32, #tpu.memory_space<vmem>> -> memref<16x2048xf32, #tpu.memory_space<vmem>>
      %dma_start3A_1140 = arith.constant 0 : i32
      %dma_start3A_1141 = tpu.memref_slice %arg3[%select_n3A, %multiple_of3A_1138, %dma_start3A_1140] : memref<16x2048x2048xf32, #tpu.memory_space<hbm>> -> memref<1x16x2048xf32, #tpu.memory_space<hbm>>
      %dma_start3A_1142 = tpu.memref_squeeze %dma_start3A_1141 : memref<1x16x2048xf32, #tpu.memory_space<hbm>> -> memref<16x2048xf32, #tpu.memory_space<hbm>>
      %dma_start3A_1143 = arith.constant 0 : i32
      %dma_start3A_1144 = tpu.memref_slice %arg3[%select_n3A, %multiple_of3A_1138, %dma_start3A_1143] : memref<16x2048x2048xf32, #tpu.memory_space<hbm>> -> memref<1x16x2048xf32, #tpu.memory_space<hbm>>
      %dma_start3A_1145 = tpu.memref_squeeze %dma_start3A_1144 : memref<1x16x2048xf32, #tpu.memory_space<hbm>> -> memref<16x2048xf32, #tpu.memory_space<hbm>>
      %dma_start3A_1146 = arith.constant 0 : i32
      %dma_start3A_1147 = tpu.memref_slice %arg5[%dma_start3A_1146, %multiple_of3A] : memref<16x2944xf32, #tpu.memory_space<vmem>> -> memref<16x2048xf32, #tpu.memory_space<vmem>>
      tpu.enqueue_dma source(%dma_start3A_1147 : memref<16x2048xf32, #tpu.memory_space<vmem>>) target(%dma_start3A_1145 : memref<16x2048xf32, #tpu.memory_space<hbm>>) target_semaphore(%arg7 : memref<!tpu.dma_semaphore, #tpu.memory_space<semaphore_mem>>)
      %scan3A_1148 = arith.constant 0 : i32
      scf.yield %scan3A_1148 : i32
    }
    %scan3A_53 = arith.constant 8 : i32
    %sub3A_54 = arith.constant 2528 : i32
    %sub3A_55 = arith.subi %sub3A_54, %mul3A_36 : i32
    %scan3A_56 = arith.constant 0 : i32
    %scan3A_57 = arith.constant 0 : i32
    %scan3A_58 = arith.constant 16 : i32
    %scan3A_59 = arith.addi %scan3A_57, %scan3A_58 : i32
    %scan3A_60 = arith.constant 1 : i32
    %scan3A_61 = scf.for %scan3A_1125 = %scan3A_57 to %scan3A_59 step %scan3A_60 iter_args(%scan3A_1126 = %scan3A_56) -> (i32)  : i32 {
      %add3A_1127 = arith.addi %sub3A_55, %scan3A_1125 : i32
      %scan3A_1128 = arith.constant 0 : i32
      %scan3A_1129 = arith.constant 0 : i32
      %scan3A_1130 = arith.constant 184 : i32
      %scan3A_1131 = arith.addi %scan3A_1129, %scan3A_1130 : i32
      %scan3A_1132 = arith.constant 1 : i32
      %scan3A_1133 = scf.for %scan3A_1136 = %scan3A_1129 to %scan3A_1131 step %scan3A_1132 iter_args(%scan3A_1137 = %scan3A_1128) -> (i32)  : i32 {
        %mul3A_1138 = arith.constant 16 : i32
        %mul3A_1139 = arith.muli %scan3A_1136, %mul3A_1138 : i32
        %sub3A_1140 = arith.subi %add3A_1127, %mul3A_1139 : i32
        %sub3A_1141 = vector.broadcast %sub3A_1140 : i32 to vector<16xi32>
        %sub3A_1142 = arith.subi %sub3A_1141, %iota3A : vector<16xi32>
        %jit3A_1143 = arith.constant 0 : i32
        %jit3A_1144 = arith.constant 1024 : i32
        %max3A = vector.broadcast %jit3A_1143 : i32 to vector<16xi32>
        %max3A_1145 = arith.maxsi %max3A, %sub3A_1142 : vector<16xi32>
        %min3A = vector.broadcast %jit3A_1144 : i32 to vector<16xi32>
        %min3A_1146 = arith.minsi %min3A, %max3A_1145 : vector<16xi32>
        %gather3A = tpu.vector_load_idx %arg4[%min3A_1146] : memref<1152xf32, #tpu.memory_space<vmem>>[vector<16xi32>], vector<16xf32>,
        %swap3A = arith.index_cast %scan3A_1125 : i32 to index
        %swap3A_1147 = arith.index_cast %mul3A_1139 : i32 to index
        %swap3A_1148 = tpu.vector_load %arg6[%swap3A, %swap3A_1147] {strides = array<i32>} : memref<16x2944xf32, #tpu.memory_space<vmem>>, vector<16xf32>,
        tpu.vector_store %arg6[%swap3A, %swap3A_1147], %gather3A {strides = array<i32>} : memref<16x2944xf32, #tpu.memory_space<vmem>>, vector<16xf32>,
        %scan3A_1149 = arith.constant 0 : i32
        scf.yield %scan3A_1149 : i32
      }
      %scan3A_1134 = arith.constant 184 : i32
      %scan3A_1135 = arith.constant 0 : i32
      scf.yield %scan3A_1135 : i32
    }
    %scan3A_62 = arith.constant 16 : i32
    %scan3A_63 = arith.constant 0 : i32
    %scan3A_64 = arith.constant 0 : i32
    %scan3A_65 = arith.constant 8 : i32
    %scan3A_66 = arith.addi %scan3A_64, %scan3A_65 : i32
    %scan3A_67 = arith.constant 1 : i32
    %scan3A_68 = scf.for %scan3A_1125 = %scan3A_64 to %scan3A_66 step %scan3A_67 iter_args(%scan3A_1126 = %scan3A_63) -> (i32)  : i32 {
      %mul3A_1127 = arith.constant 128 : i32
      %mul3A_1128 = arith.muli %mul3A_1127, %scan3A_1125 : i32
      %sub3A_1129 = arith.constant 896 : i32
      %sub3A_1130 = arith.subi %sub3A_1129, %mul3A_1128 : i32
      %multiple_of3A = tpu.assume_multiple %sub3A_1130, 128 : i32
      %mul3A_1131 = arith.constant 8 : i32
      %mul3A_1132 = arith.muli %mul3A_1131, %scan3A_1125 : i32
      %add3A_1133 = arith.constant 6 : i32
      %add3A_1134 = arith.addi %add3A_1133, %mul3A_1132 : i32
      %mul3A_1135 = arith.constant 16 : i32
      %mul3A_1136 = arith.muli %add3A_1134, %mul3A_1135 : i32
      %add3A_1137 = arith.addi %mul3A_32, %mul3A_1136 : i32
      %multiple_of3A_1138 = tpu.assume_multiple %add3A_1137, 16 : i32
      %dma_start3A = arith.constant 0 : i32
      %dma_start3A_1139 = tpu.memref_slice %arg6[%dma_start3A, %multiple_of3A] : memref<16x2944xf32, #tpu.memory_space<vmem>> -> memref<16x2048xf32, #tpu.memory_space<vmem>>
      %dma_start3A_1140 = arith.constant 0 : i32
      %dma_start3A_1141 = tpu.memref_slice %arg3[%select_n3A, %multiple_of3A_1138, %dma_start3A_1140] : memref<16x2048x2048xf32, #tpu.memory_space<hbm>> -> memref<1x16x2048xf32, #tpu.memory_space<hbm>>
      %dma_start3A_1142 = tpu.memref_squeeze %dma_start3A_1141 : memref<1x16x2048xf32, #tpu.memory_space<hbm>> -> memref<16x2048xf32, #tpu.memory_space<hbm>>
      %dma_start3A_1143 = arith.constant 0 : i32
      %dma_start3A_1144 = tpu.memref_slice %arg3[%select_n3A, %multiple_of3A_1138, %dma_start3A_1143] : memref<16x2048x2048xf32, #tpu.memory_space<hbm>> -> memref<1x16x2048xf32, #tpu.memory_space<hbm>>
      %dma_start3A_1145 = tpu.memref_squeeze %dma_start3A_1144 : memref<1x16x2048xf32, #tpu.memory_space<hbm>> -> memref<16x2048xf32, #tpu.memory_space<hbm>>
      %dma_start3A_1146 = arith.constant 0 : i32
      %dma_start3A_1147 = tpu.memref_slice %arg6[%dma_start3A_1146, %multiple_of3A] : memref<16x2944xf32, #tpu.memory_space<vmem>> -> memref<16x2048xf32, #tpu.memory_space<vmem>>
      tpu.enqueue_dma source(%dma_start3A_1147 : memref<16x2048xf32, #tpu.memory_space<vmem>>) target(%dma_start3A_1145 : memref<16x2048xf32, #tpu.memory_space<hbm>>) target_semaphore(%arg8 : memref<!tpu.dma_semaphore, #tpu.memory_space<semaphore_mem>>)
      %scan3A_1148 = arith.constant 0 : i32
      scf.yield %scan3A_1148 : i32
    }
    %scan3A_69 = arith.constant 8 : i32
    %dma_wait3A = arith.constant 0 : i32
    %dma_wait3A_70 = arith.constant 0 : i32
    %dma_wait3A_71 = arith.constant 0 : i32
    %dma_wait3A_72 = tpu.memref_slice %arg5[%dma_wait3A_70, %dma_wait3A_71] : memref<16x2944xf32, #tpu.memory_space<vmem>> -> memref<16x2048xf32, #tpu.memory_space<vmem>>
    %dma_wait3A_73 = arith.constant 0 : i32
    %dma_wait3A_74 = arith.constant 0 : i32
    %dma_wait3A_75 = tpu.memref_slice %arg3[%dma_wait3A, %dma_wait3A_73, %dma_wait3A_74] : memref<16x2048x2048xf32, #tpu.memory_space<hbm>> -> memref<1x16x2048xf32, #tpu.memory_space<hbm>>
    %dma_wait3A_76 = tpu.memref_squeeze %dma_wait3A_75 : memref<1x16x2048xf32, #tpu.memory_space<hbm>> -> memref<16x2048xf32, #tpu.memory_space<hbm>>
    %dma_wait3A_77 = arith.constant 0 : i32
    %dma_wait3A_78 = arith.constant 0 : i32
    %dma_wait3A_79 = tpu.memref_slice %arg3[%dma_wait3A, %dma_wait3A_77, %dma_wait3A_78] : memref<16x2048x2048xf32, #tpu.memory_space<hbm>> -> memref<1x16x2048xf32, #tpu.memory_space<hbm>>
    %dma_wait3A_80 = tpu.memref_squeeze %dma_wait3A_79 : memref<1x16x2048xf32, #tpu.memory_space<hbm>> -> memref<16x2048xf32, #tpu.memory_space<hbm>>
    %dma_wait3A_81 = arith.constant 0 : i32
    %dma_wait3A_82 = arith.constant 0 : i32
    %dma_wait3A_83 = tpu.memref_slice %arg5[%dma_wait3A_81, %dma_wait3A_82] : memref<16x2944xf32, #tpu.memory_space<vmem>> -> memref<16x2048xf32, #tpu.memory_space<vmem>>
    tpu.wait_dma2 semaphore(%arg7 : memref<!tpu.dma_semaphore, #tpu.memory_space<semaphore_mem>>) src(%dma_wait3A_83 : memref<16x2048xf32, #tpu.memory_space<vmem>>) dst(%dma_wait3A_80 : memref<16x2048xf32, #tpu.memory_space<hbm>>)
    %dma_wait3A_84 = arith.constant 0 : i32
    %dma_wait3A_85 = arith.constant 0 : i32
    %dma_wait3A_86 = arith.constant 0 : i32
    %dma_wait3A_87 = tpu.memref_slice %arg5[%dma_wait3A_85, %dma_wait3A_86] : memref<16x2944xf32, #tpu.memory_space<vmem>> -> memref<16x2048xf32, #tpu.memory_space<vmem>>
    %dma_wait3A_88 = arith.constant 0 : i32
    %dma_wait3A_89 = arith.constant 0 : i32
    %dma_wait3A_90 = tpu.memref_slice %arg3[%dma_wait3A_84, %dma_wait3A_88, %dma_wait3A_89] : memref<16x2048x2048xf32, #tpu.memory_space<hbm>> -> memref<1x16x2048xf32, #tpu.memory_space<hbm>>
    %dma_wait3A_91 = tpu.memref_squeeze %dma_wait3A_90 : memref<1x16x2048xf32, #tpu.memory_space<hbm>> -> memref<16x2048xf32, #tpu.memory_space<hbm>>
    %dma_wait3A_92 = arith.constant 0 : i32
    %dma_wait3A_93 = arith.constant 0 : i32
    %dma_wait3A_94 = tpu.memref_slice %arg3[%dma_wait3A_84, %dma_wait3A_92, %dma_wait3A_93] : memref<16x2048x2048xf32, #tpu.memory_space<hbm>> -> memref<1x16x2048xf32, #tpu.memory_space<hbm>>
    %dma_wait3A_95 = tpu.memref_squeeze %dma_wait3A_94 : memref<1x16x2048xf32, #tpu.memory_space<hbm>> -> memref<16x2048xf32, #tpu.memory_space<hbm>>
    %dma_wait3A_96 = arith.constant 0 : i32
    %dma_wait3A_97 = arith.constant 0 : i32
    %dma_wait3A_98 = tpu.memref_slice %arg5[%dma_wait3A_96, %dma_wait3A_97] : memref<16x2944xf32, #tpu.memory_space<vmem>> -> memref<16x2048xf32, #tpu.memory_space<vmem>>
    tpu.wait_dma2 semaphore(%arg7 : memref<!tpu.dma_semaphore, #tpu.memory_space<semaphore_mem>>) src(%dma_wait3A_98 : memref<16x2048xf32, #tpu.memory_space<vmem>>) dst(%dma_wait3A_95 : memref<16x2048xf32, #tpu.memory_space<hbm>>)
    %dma_wait3A_99 = arith.constant 0 : i32
    %dma_wait3A_100 = arith.constant 0 : i32
    %dma_wait3A_101 = arith.constant 0 : i32
    %dma_wait3A_102 = tpu.memref_slice %arg5[%dma_wait3A_100, %dma_wait3A_101] : memref<16x2944xf32, #tpu.memory_space<vmem>> -> memref<16x2048xf32, #tpu.memory_space<vmem>>
    %dma_wait3A_103 = arith.constant 0 : i32
    %dma_wait3A_104 = arith.constant 0 : i32
    %dma_wait3A_105 = tpu.memref_slice %arg3[%dma_wait3A_99, %dma_wait3A_103, %dma_wait3A_104] : memref<16x2048x2048xf32, #tpu.memory_space<hbm>> -> memref<1x16x2048xf32, #tpu.memory_space<hbm>>
    %dma_wait3A_106 = tpu.memref_squeeze %dma_wait3A_105 : memref<1x16x2048xf32, #tpu.memory_space<hbm>> -> memref<16x2048xf32, #tpu.memory_space<hbm>>
    %dma_wait3A_107 = arith.constant 0 : i32
    %dma_wait3A_108 = arith.constant 0 : i32
    %dma_wait3A_109 = tpu.memref_slice %arg3[%dma_wait3A_99, %dma_wait3A_107, %dma_wait3A_108] : memref<16x2048x2048xf32, #tpu.memory_space<hbm>> -> memref<1x16x2048xf32, #tpu.memory_space<hbm>>
    %dma_wait3A_110 = tpu.memref_squeeze %dma_wait3A_109 : memref<1x16x2048xf32, #tpu.memory_space<hbm>> -> memref<16x2048xf32, #tpu.memory_space<hbm>>
    %dma_wait3A_111 = arith.constant 0 : i32
    %dma_wait3A_112 = arith.constant 0 : i32
    %dma_wait3A_113 = tpu.memref_slice %arg5[%dma_wait3A_111, %dma_wait3A_112] : memref<16x2944xf32, #tpu.memory_space<vmem>> -> memref<16x2048xf32, #tpu.memory_space<vmem>>
    tpu.wait_dma2 semaphore(%arg7 : memref<!tpu.dma_semaphore, #tpu.memory_space<semaphore_mem>>) src(%dma_wait3A_113 : memref<16x2048xf32, #tpu.memory_space<vmem>>) dst(%dma_wait3A_110 : memref<16x2048xf32, #tpu.memory_space<hbm>>)
    %dma_wait3A_114 = arith.constant 0 : i32
    %dma_wait3A_115 = arith.constant 0 : i32
    %dma_wait3A_116 = arith.constant 0 : i32
    %dma_wait3A_117 = tpu.memref_slice %arg5[%dma_wait3A_115, %dma_wait3A_116] : memref<16x2944xf32, #tpu.memory_space<vmem>> -> memref<16x2048xf32, #tpu.memory_space<vmem>>
    %dma_wait3A_118 = arith.constant 0 : i32
    %dma_wait3A_119 = arith.constant 0 : i32
    %dma_wait3A_120 = tpu.memref_slice %arg3[%dma_wait3A_114, %dma_wait3A_118, %dma_wait3A_119] : memref<16x2048x2048xf32, #tpu.memory_space<hbm>> -> memref<1x16x2048xf32, #tpu.memory_space<hbm>>
    %dma_wait3A_121 = tpu.memref_squeeze %dma_wait3A_120 : memref<1x16x2048xf32, #tpu.memory_space<hbm>> -> memref<16x2048xf32, #tpu.memory_space<hbm>>
    %dma_wait3A_122 = arith.constant 0 : i32
    %dma_wait3A_123 = arith.constant 0 : i32
    %dma_wait3A_124 = tpu.memref_slice %arg3[%dma_wait3A_114, %dma_wait3A_122, %dma_wait3A_123] : memref<16x2048x2048xf32, #tpu.memory_space<hbm>> -> memref<1x16x2048xf32, #tpu.memory_space<hbm>>
    %dma_wait3A_125 = tpu.memref_squeeze %dma_wait3A_124 : memref<1x16x2048xf32, #tpu.memory_space<hbm>> -> memref<16x2048xf32, #tpu.memory_space<hbm>>
    %dma_wait3A_126 = arith.constant 0 : i32
    %dma_wait3A_127 = arith.constant 0 : i32
    %dma_wait3A_128 = tpu.memref_slice %arg5[%dma_wait3A_126, %dma_wait3A_127] : memref<16x2944xf32, #tpu.memory_space<vmem>> -> memref<16x2048xf32, #tpu.memory_space<vmem>>
    tpu.wait_dma2 semaphore(%arg7 : memref<!tpu.dma_semaphore, #tpu.memory_space<semaphore_mem>>) src(%dma_wait3A_128 : memref<16x2048xf32, #tpu.memory_space<vmem>>) dst(%dma_wait3A_125 : memref<16x2048xf32, #tpu.memory_space<hbm>>)
    %dma_wait3A_129 = arith.constant 0 : i32
    %dma_wait3A_130 = arith.constant 0 : i32
    %dma_wait3A_131 = arith.constant 0 : i32
    %dma_wait3A_132 = tpu.memref_slice %arg5[%dma_wait3A_130, %dma_wait3A_131] : memref<16x2944xf32, #tpu.memory_space<vmem>> -> memref<16x2048xf32, #tpu.memory_space<vmem>>
    %dma_wait3A_133 = arith.constant 0 : i32
    %dma_wait3A_134 = arith.constant 0 : i32
    %dma_wait3A_135 = tpu.memref_slice %arg3[%dma_wait3A_129, %dma_wait3A_133, %dma_wait3A_134] : memref<16x2048x2048xf32, #tpu.memory_space<hbm>> -> memref<1x16x2048xf32, #tpu.memory_space<hbm>>
    %dma_wait3A_136 = tpu.memref_squeeze %dma_wait3A_135 : memref<1x16x2048xf32, #tpu.memory_space<hbm>> -> memref<16x2048xf32, #tpu.memory_space<hbm>>
    %dma_wait3A_137 = arith.constant 0 : i32
    %dma_wait3A_138 = arith.constant 0 : i32
    %dma_wait3A_139 = tpu.memref_slice %arg3[%dma_wait3A_129, %dma_wait3A_137, %dma_wait3A_138] : memref<16x2048x2048xf32, #tpu.memory_space<hbm>> -> memref<1x16x2048xf32, #tpu.memory_space<hbm>>
    %dma_wait3A_140 = tpu.memref_squeeze %dma_wait3A_139 : memref<1x16x2048xf32, #tpu.memory_space<hbm>> -> memref<16x2048xf32, #tpu.memory_space<hbm>>
    %dma_wait3A_141 = arith.constant 0 : i32
    %dma_wait3A_142 = arith.constant 0 : i32
    %dma_wait3A_143 = tpu.memref_slice %arg5[%dma_wait3A_141, %dma_wait3A_142] : memref<16x2944xf32, #tpu.memory_space<vmem>> -> memref<16x2048xf32, #tpu.memory_space<vmem>>
    tpu.wait_dma2 semaphore(%arg7 : memref<!tpu.dma_semaphore, #tpu.memory_space<semaphore_mem>>) src(%dma_wait3A_143 : memref<16x2048xf32, #tpu.memory_space<vmem>>) dst(%dma_wait3A_140 : memref<16x2048xf32, #tpu.memory_space<hbm>>)
    %dma_wait3A_144 = arith.constant 0 : i32
    %dma_wait3A_145 = arith.constant 0 : i32
    %dma_wait3A_146 = arith.constant 0 : i32
    %dma_wait3A_147 = tpu.memref_slice %arg5[%dma_wait3A_145, %dma_wait3A_146] : memref<16x2944xf32, #tpu.memory_space<vmem>> -> memref<16x2048xf32, #tpu.memory_space<vmem>>
    %dma_wait3A_148 = arith.constant 0 : i32
    %dma_wait3A_149 = arith.constant 0 : i32
    %dma_wait3A_150 = tpu.memref_slice %arg3[%dma_wait3A_144, %dma_wait3A_148, %dma_wait3A_149] : memref<16x2048x2048xf32, #tpu.memory_space<hbm>> -> memref<1x16x2048xf32, #tpu.memory_space<hbm>>
    %dma_wait3A_151 = tpu.memref_squeeze %dma_wait3A_150 : memref<1x16x2048xf32, #tpu.memory_space<hbm>> -> memref<16x2048xf32, #tpu.memory_space<hbm>>
    %dma_wait3A_152 = arith.constant 0 : i32
    %dma_wait3A_153 = arith.constant 0 : i32
    %dma_wait3A_154 = tpu.memref_slice %arg3[%dma_wait3A_144, %dma_wait3A_152, %dma_wait3A_153] : memref<16x2048x2048xf32, #tpu.memory_space<hbm>> -> memref<1x16x2048xf32, #tpu.memory_space<hbm>>
    %dma_wait3A_155 = tpu.memref_squeeze %dma_wait3A_154 : memref<1x16x2048xf32, #tpu.memory_space<hbm>> -> memref<16x2048xf32, #tpu.memory_space<hbm>>
    %dma_wait3A_156 = arith.constant 0 : i32
    %dma_wait3A_157 = arith.constant 0 : i32
    %dma_wait3A_158 = tpu.memref_slice %arg5[%dma_wait3A_156, %dma_wait3A_157] : memref<16x2944xf32, #tpu.memory_space<vmem>> -> memref<16x2048xf32, #tpu.memory_space<vmem>>
    tpu.wait_dma2 semaphore(%arg7 : memref<!tpu.dma_semaphore, #tpu.memory_space<semaphore_mem>>) src(%dma_wait3A_158 : memref<16x2048xf32, #tpu.memory_space<vmem>>) dst(%dma_wait3A_155 : memref<16x2048xf32, #tpu.memory_space<hbm>>)
    %dma_wait3A_159 = arith.constant 0 : i32
    %dma_wait3A_160 = arith.constant 0 : i32
    %dma_wait3A_161 = arith.constant 0 : i32
    %dma_wait3A_162 = tpu.memref_slice %arg5[%dma_wait3A_160, %dma_wait3A_161] : memref<16x2944xf32, #tpu.memory_space<vmem>> -> memref<16x2048xf32, #tpu.memory_space<vmem>>
    %dma_wait3A_163 = arith.constant 0 : i32
    %dma_wait3A_164 = arith.constant 0 : i32
    %dma_wait3A_165 = tpu.memref_slice %arg3[%dma_wait3A_159, %dma_wait3A_163, %dma_wait3A_164] : memref<16x2048x2048xf32, #tpu.memory_space<hbm>> -> memref<1x16x2048xf32, #tpu.memory_space<hbm>>
    %dma_wait3A_166 = tpu.memref_squeeze %dma_wait3A_165 : memref<1x16x2048xf32, #tpu.memory_space<hbm>> -> memref<16x2048xf32, #tpu.memory_space<hbm>>
    %dma_wait3A_167 = arith.constant 0 : i32
    %dma_wait3A_168 = arith.constant 0 : i32
    %dma_wait3A_169 = tpu.memref_slice %arg3[%dma_wait3A_159, %dma_wait3A_167, %dma_wait3A_168] : memref<16x2048x2048xf32, #tpu.memory_space<hbm>> -> memref<1x16x2048xf32, #tpu.memory_space<hbm>>
    %dma_wait3A_170 = tpu.memref_squeeze %dma_wait3A_169 : memref<1x16x2048xf32, #tpu.memory_space<hbm>> -> memref<16x2048xf32, #tpu.memory_space<hbm>>
    %dma_wait3A_171 = arith.constant 0 : i32
    %dma_wait3A_172 = arith.constant 0 : i32
    %dma_wait3A_173 = tpu.memref_slice %arg5[%dma_wait3A_171, %dma_wait3A_172] : memref<16x2944xf32, #tpu.memory_space<vmem>> -> memref<16x2048xf32, #tpu.memory_space<vmem>>
    tpu.wait_dma2 semaphore(%arg7 : memref<!tpu.dma_semaphore, #tpu.memory_space<semaphore_mem>>) src(%dma_wait3A_173 : memref<16x2048xf32, #tpu.memory_space<vmem>>) dst(%dma_wait3A_170 : memref<16x2048xf32, #tpu.memory_space<hbm>>)
    %dma_wait3A_174 = arith.constant 0 : i32
    %dma_wait3A_175 = arith.constant 0 : i32
    %dma_wait3A_176 = arith.constant 0 : i32
    %dma_wait3A_177 = tpu.memref_slice %arg5[%dma_wait3A_175, %dma_wait3A_176] : memref<16x2944xf32, #tpu.memory_space<vmem>> -> memref<16x2048xf32, #tpu.memory_space<vmem>>
    %dma_wait3A_178 = arith.constant 0 : i32
    %dma_wait3A_179 = arith.constant 0 : i32
    %dma_wait3A_180 = tpu.memref_slice %arg3[%dma_wait3A_174, %dma_wait3A_178, %dma_wait3A_179] : memref<16x2048x2048xf32, #tpu.memory_space<hbm>> -> memref<1x16x2048xf32, #tpu.memory_space<hbm>>
    %dma_wait3A_181 = tpu.memref_squeeze %dma_wait3A_180 : memref<1x16x2048xf32, #tpu.memory_space<hbm>> -> memref<16x2048xf32, #tpu.memory_space<hbm>>
    %dma_wait3A_182 = arith.constant 0 : i32
    %dma_wait3A_183 = arith.constant 0 : i32
    %dma_wait3A_184 = tpu.memref_slice %arg3[%dma_wait3A_174, %dma_wait3A_182, %dma_wait3A_183] : memref<16x2048x2048xf32, #tpu.memory_space<hbm>> -> memref<1x16x2048xf32, #tpu.memory_space<hbm>>
    %dma_wait3A_185 = tpu.memref_squeeze %dma_wait3A_184 : memref<1x16x2048xf32, #tpu.memory_space<hbm>> -> memref<16x2048xf32, #tpu.memory_space<hbm>>
    %dma_wait3A_186 = arith.constant 0 : i32
    %dma_wait3A_187 = arith.constant 0 : i32
    %dma_wait3A_188 = tpu.memref_slice %arg5[%dma_wait3A_186, %dma_wait3A_187] : memref<16x2944xf32, #tpu.memory_space<vmem>> -> memref<16x2048xf32, #tpu.memory_space<vmem>>
    tpu.wait_dma2 semaphore(%arg7 : memref<!tpu.dma_semaphore, #tpu.memory_space<semaphore_mem>>) src(%dma_wait3A_188 : memref<16x2048xf32, #tpu.memory_space<vmem>>) dst(%dma_wait3A_185 : memref<16x2048xf32, #tpu.memory_space<hbm>>)
    %sub3A_189 = arith.constant 2512 : i32
    %sub3A_190 = arith.subi %sub3A_189, %mul3A_36 : i32
    %scan3A_191 = arith.constant 0 : i32
    %scan3A_192 = arith.constant 0 : i32
    %scan3A_193 = arith.constant 16 : i32
    %scan3A_194 = arith.addi %scan3A_192, %scan3A_193 : i32
    %scan3A_195 = arith.constant 1 : i32
    %scan3A_196 = scf.for %scan3A_1125 = %scan3A_192 to %scan3A_194 step %scan3A_195 iter_args(%scan3A_1126 = %scan3A_191) -> (i32)  : i32 {
      %add3A_1127 = arith.addi %sub3A_190, %scan3A_1125 : i32
      %sub3A_1128 = arith.constant 1024 : i32
      %sub3A_1129 = arith.subi %add3A_1127, %sub3A_1128 : i32
      %jit3A_1130 = arith.constant 16 : i32
      %div3A_1131 = arith.divsi %sub3A_1129, %jit3A_1130 : i32
      %sign3A_1132 = arith.constant 0 : i32
      %sign3A_1133 = arith.cmpi sgt, %sub3A_1129, %sign3A_1132 : i32
      %sign3A_1134 = arith.extui %sign3A_1133 : i1 to i32
      %sign3A_1135 = arith.constant 0 : i32
      %sign3A_1136 = arith.cmpi slt, %sub3A_1129, %sign3A_1135 : i32
      %sign3A_1137 = arith.extui %sign3A_1136 : i1 to i32
      %sign3A_1138 = arith.subi %sign3A_1134, %sign3A_1137 : i32
      %sign3A_1139 = arith.constant 0 : i32
      %sign3A_1140 = arith.cmpi sgt, %jit3A_1130, %sign3A_1139 : i32
      %sign3A_1141 = arith.extui %sign3A_1140 : i1 to i32
      %sign3A_1142 = arith.constant 0 : i32
      %sign3A_1143 = arith.cmpi slt, %jit3A_1130, %sign3A_1142 : i32
      %sign3A_1144 = arith.extui %sign3A_1143 : i1 to i32
      %sign3A_1145 = arith.subi %sign3A_1141, %sign3A_1144 : i32
      %ne3A_1146 = arith.cmpi ne, %sign3A_1138, %sign3A_1145 : i32
      %rem3A_1147 = arith.remsi %sub3A_1129, %jit3A_1130 : i32
      %ne3A_1148 = arith.constant 0 : i32
      %ne3A_1149 = arith.cmpi ne, %rem3A_1147, %ne3A_1148 : i32
      %and3A_1150 = arith.andi %ne3A_1146, %ne3A_1149 : i1
      %sub3A_1151 = arith.constant 1 : i32
      %sub3A_1152 = arith.subi %div3A_1131, %sub3A_1151 : i32
      %select_n3A_1153 = arith.select %and3A_1150, %sub3A_1152, %div3A_1131 : i32
      %add3A_1154 = arith.constant 15 : i32
      %add3A_1155 = arith.addi %add3A_1127, %add3A_1154 : i32
      %jit3A_1156 = arith.constant 16 : i32
      %div3A_1157 = arith.divsi %add3A_1155, %jit3A_1156 : i32
      %sign3A_1158 = arith.constant 0 : i32
      %sign3A_1159 = arith.cmpi sgt, %add3A_1155, %sign3A_1158 : i32
      %sign3A_1160 = arith.extui %sign3A_1159 : i1 to i32
      %sign3A_1161 = arith.constant 0 : i32
      %sign3A_1162 = arith.cmpi slt, %add3A_1155, %sign3A_1161 : i32
      %sign3A_1163 = arith.extui %sign3A_1162 : i1 to i32
      %sign3A_1164 = arith.subi %sign3A_1160, %sign3A_1163 : i32
      %sign3A_1165 = arith.constant 0 : i32
      %sign3A_1166 = arith.cmpi sgt, %jit3A_1156, %sign3A_1165 : i32
      %sign3A_1167 = arith.extui %sign3A_1166 : i1 to i32
      %sign3A_1168 = arith.constant 0 : i32
      %sign3A_1169 = arith.cmpi slt, %jit3A_1156, %sign3A_1168 : i32
      %sign3A_1170 = arith.extui %sign3A_1169 : i1 to i32
      %sign3A_1171 = arith.subi %sign3A_1167, %sign3A_1170 : i32
      %ne3A_1172 = arith.cmpi ne, %sign3A_1164, %sign3A_1171 : i32
      %rem3A_1173 = arith.remsi %add3A_1155, %jit3A_1156 : i32
      %ne3A_1174 = arith.constant 0 : i32
      %ne3A_1175 = arith.cmpi ne, %rem3A_1173, %ne3A_1174 : i32
      %and3A_1176 = arith.andi %ne3A_1172, %ne3A_1175 : i1
      %sub3A_1177 = arith.constant 1 : i32
      %sub3A_1178 = arith.subi %div3A_1157, %sub3A_1177 : i32
      %select_n3A_1179 = arith.select %and3A_1176, %sub3A_1178, %div3A_1157 : i32
      %add3A_1180 = arith.constant 2 : i32
      %add3A_1181 = arith.addi %select_n3A_1179, %add3A_1180 : i32
      %while3A = arith.constant 0 : i32
      %while3A_1182 = arith.subi %add3A_1181, %select_n3A_1153 : i32
      %while3A_1183 = arith.addi %select_n3A_1153, %while3A_1182 : i32
      %while3A_1184 = arith.constant 1 : i32
      %while3A_1185 = arith.divsi %while3A_1182, %while3A_1184 : i32
      %while3A_1186 = arith.muli %while3A_1185, %while3A_1184 : i32
      %while3A_1187 = arith.addi %select_n3A_1153, %while3A_1186 : i32
      %while3A_1188 = arith.constant 1 : i32
      %while3A_1189 = scf.for %while3A_1193 = %select_n3A_1153 to %while3A_1187 step %while3A_1188 iter_args(%while3A_1194 = %while3A) -> (i32)  : i32 {
        %mul3A_1195 = arith.constant 16 : i32
        %mul3A_1196 = arith.muli %while3A_1193, %mul3A_1195 : i32
        %sub3A_1197 = arith.subi %add3A_1127, %mul3A_1196 : i32
        %sub3A_1198 = vector.broadcast %sub3A_1197 : i32 to vector<16xi32>
        %sub3A_1199 = arith.subi %sub3A_1198, %iota3A : vector<16xi32>
        %jit3A_1200 = arith.constant 0 : i32
        %jit3A_1201 = arith.constant 1024 : i32
        %max3A = vector.broadcast %jit3A_1200 : i32 to vector<16xi32>
        %max3A_1202 = arith.maxsi %max3A, %sub3A_1199 : vector<16xi32>
        %min3A = vector.broadcast %jit3A_1201 : i32 to vector<16xi32>
        %min3A_1203 = arith.minsi %min3A, %max3A_1202 : vector<16xi32>
        %gather3A = tpu.vector_load_idx %arg4[%min3A_1203] : memref<1152xf32, #tpu.memory_space<vmem>>[vector<16xi32>], vector<16xf32>,
        %swap3A = arith.index_cast %scan3A_1125 : i32 to index
        %swap3A_1204 = arith.index_cast %mul3A_1196 : i32 to index
        %swap3A_1205 = tpu.vector_load %arg5[%swap3A, %swap3A_1204] {strides = array<i32>} : memref<16x2944xf32, #tpu.memory_space<vmem>>, vector<16xf32>,
        tpu.vector_store %arg5[%swap3A, %swap3A_1204], %gather3A {strides = array<i32>} : memref<16x2944xf32, #tpu.memory_space<vmem>>, vector<16xf32>,
        %while3A_1206 = arith.constant 0 : i32
        scf.yield %while3A_1206 : i32
      }
      %while3A_1190 = arith.constant 1 : i32
      %while3A_1191 = scf.for %while3A_1193 = %while3A_1187 to %while3A_1183 step %while3A_1190 iter_args(%while3A_1194 = %while3A_1189) -> (i32)  : i32 {
        %mul3A_1195 = arith.constant 16 : i32
        %mul3A_1196 = arith.muli %while3A_1193, %mul3A_1195 : i32
        %sub3A_1197 = arith.subi %add3A_1127, %mul3A_1196 : i32
        %sub3A_1198 = vector.broadcast %sub3A_1197 : i32 to vector<16xi32>
        %sub3A_1199 = arith.subi %sub3A_1198, %iota3A : vector<16xi32>
        %jit3A_1200 = arith.constant 0 : i32
        %jit3A_1201 = arith.constant 1024 : i32
        %max3A = vector.broadcast %jit3A_1200 : i32 to vector<16xi32>
        %max3A_1202 = arith.maxsi %max3A, %sub3A_1199 : vector<16xi32>
        %min3A = vector.broadcast %jit3A_1201 : i32 to vector<16xi32>
        %min3A_1203 = arith.minsi %min3A, %max3A_1202 : vector<16xi32>
        %gather3A = tpu.vector_load_idx %arg4[%min3A_1203] : memref<1152xf32, #tpu.memory_space<vmem>>[vector<16xi32>], vector<16xf32>,
        %swap3A = arith.index_cast %scan3A_1125 : i32 to index
        %swap3A_1204 = arith.index_cast %mul3A_1196 : i32 to index
        %swap3A_1205 = tpu.vector_load %arg5[%swap3A, %swap3A_1204] {strides = array<i32>} : memref<16x2944xf32, #tpu.memory_space<vmem>>, vector<16xf32>,
        tpu.vector_store %arg5[%swap3A, %swap3A_1204], %gather3A {strides = array<i32>} : memref<16x2944xf32, #tpu.memory_space<vmem>>, vector<16xf32>,
        %while3A_1206 = arith.constant 0 : i32
        scf.yield %while3A_1206 : i32
      }
      %scan3A_1192 = arith.constant 0 : i32
      scf.yield %scan3A_1192 : i32
    }
    %scan3A_197 = arith.constant 16 : i32
    %scan3A_198 = arith.constant 0 : i32
    %scan3A_199 = arith.constant 0 : i32
    %scan3A_200 = arith.constant 8 : i32
    %scan3A_201 = arith.addi %scan3A_199, %scan3A_200 : i32
    %scan3A_202 = arith.constant 1 : i32
    %scan3A_203 = scf.for %scan3A_1125 = %scan3A_199 to %scan3A_201 step %scan3A_202 iter_args(%scan3A_1126 = %scan3A_198) -> (i32)  : i32 {
      %mul3A_1127 = arith.constant 128 : i32
      %mul3A_1128 = arith.muli %mul3A_1127, %scan3A_1125 : i32
      %sub3A_1129 = arith.constant 896 : i32
      %sub3A_1130 = arith.subi %sub3A_1129, %mul3A_1128 : i32
      %multiple_of3A = tpu.assume_multiple %sub3A_1130, 128 : i32
      %mul3A_1131 = arith.constant 8 : i32
      %mul3A_1132 = arith.muli %mul3A_1131, %scan3A_1125 : i32
      %add3A_1133 = arith.constant 5 : i32
      %add3A_1134 = arith.addi %add3A_1133, %mul3A_1132 : i32
      %mul3A_1135 = arith.constant 16 : i32
      %mul3A_1136 = arith.muli %add3A_1134, %mul3A_1135 : i32
      %add3A_1137 = arith.addi %mul3A_32, %mul3A_1136 : i32
      %multiple_of3A_1138 = tpu.assume_multiple %add3A_1137, 16 : i32
      %dma_start3A = arith.constant 0 : i32
      %dma_start3A_1139 = tpu.memref_slice %arg5[%dma_start3A, %multiple_of3A] : memref<16x2944xf32, #tpu.memory_space<vmem>> -> memref<16x2048xf32, #tpu.memory_space<vmem>>
      %dma_start3A_1140 = arith.constant 0 : i32
      %dma_start3A_1141 = tpu.memref_slice %arg3[%select_n3A, %multiple_of3A_1138, %dma_start3A_1140] : memref<16x2048x2048xf32, #tpu.memory_space<hbm>> -> memref<1x16x2048xf32, #tpu.memory_space<hbm>>
      %dma_start3A_1142 = tpu.memref_squeeze %dma_start3A_1141 : memref<1x16x2048xf32, #tpu.memory_space<hbm>> -> memref<16x2048xf32, #tpu.memory_space<hbm>>
      %dma_start3A_1143 = arith.constant 0 : i32
      %dma_start3A_1144 = tpu.memref_slice %arg3[%select_n3A, %multiple_of3A_1138, %dma_start3A_1143] : memref<16x2048x2048xf32, #tpu.memory_space<hbm>> -> memref<1x16x2048xf32, #tpu.memory_space<hbm>>
      %dma_start3A_1145 = tpu.memref_squeeze %dma_start3A_1144 : memref<1x16x2048xf32, #tpu.memory_space<hbm>> -> memref<16x2048xf32, #tpu.memory_space<hbm>>
      %dma_start3A_1146 = arith.constant 0 : i32
      %dma_start3A_1147 = tpu.memref_slice %arg5[%dma_start3A_1146, %multiple_of3A] : memref<16x2944xf32, #tpu.memory_space<vmem>> -> memref<16x2048xf32, #tpu.memory_space<vmem>>
      tpu.enqueue_dma source(%dma_start3A_1147 : memref<16x2048xf32, #tpu.memory_space<vmem>>) target(%dma_start3A_1145 : memref<16x2048xf32, #tpu.memory_space<hbm>>) target_semaphore(%arg7 : memref<!tpu.dma_semaphore, #tpu.memory_space<semaphore_mem>>)
      %scan3A_1148 = arith.constant 0 : i32
      scf.yield %scan3A_1148 : i32
    }
    %scan3A_204 = arith.constant 8 : i32
    %dma_wait3A_205 = arith.constant 0 : i32
    %dma_wait3A_206 = arith.constant 0 : i32
    %dma_wait3A_207 = arith.constant 0 : i32
    %dma_wait3A_208 = tpu.memref_slice %arg5[%dma_wait3A_206, %dma_wait3A_207] : memref<16x2944xf32, #tpu.memory_space<vmem>> -> memref<16x2048xf32, #tpu.memory_space<vmem>>
    %dma_wait3A_209 = arith.constant 0 : i32
    %dma_wait3A_210 = arith.constant 0 : i32
    %dma_wait3A_211 = tpu.memref_slice %arg3[%dma_wait3A_205, %dma_wait3A_209, %dma_wait3A_210] : memref<16x2048x2048xf32, #tpu.memory_space<hbm>> -> memref<1x16x2048xf32, #tpu.memory_space<hbm>>
    %dma_wait3A_212 = tpu.memref_squeeze %dma_wait3A_211 : memref<1x16x2048xf32, #tpu.memory_space<hbm>> -> memref<16x2048xf32, #tpu.memory_space<hbm>>
    %dma_wait3A_213 = arith.constant 0 : i32
    %dma_wait3A_214 = arith.constant 0 : i32
    %dma_wait3A_215 = tpu.memref_slice %arg3[%dma_wait3A_205, %dma_wait3A_213, %dma_wait3A_214] : memref<16x2048x2048xf32, #tpu.memory_space<hbm>> -> memref<1x16x2048xf32, #tpu.memory_space<hbm>>
    %dma_wait3A_216 = tpu.memref_squeeze %dma_wait3A_215 : memref<1x16x2048xf32, #tpu.memory_space<hbm>> -> memref<16x2048xf32, #tpu.memory_space<hbm>>
    %dma_wait3A_217 = arith.constant 0 : i32
    %dma_wait3A_218 = arith.constant 0 : i32
    %dma_wait3A_219 = tpu.memref_slice %arg5[%dma_wait3A_217, %dma_wait3A_218] : memref<16x2944xf32, #tpu.memory_space<vmem>> -> memref<16x2048xf32, #tpu.memory_space<vmem>>
    tpu.wait_dma2 semaphore(%arg8 : memref<!tpu.dma_semaphore, #tpu.memory_space<semaphore_mem>>) src(%dma_wait3A_219 : memref<16x2048xf32, #tpu.memory_space<vmem>>) dst(%dma_wait3A_216 : memref<16x2048xf32, #tpu.memory_space<hbm>>)
    %dma_wait3A_220 = arith.constant 0 : i32
    %dma_wait3A_221 = arith.constant 0 : i32
    %dma_wait3A_222 = arith.constant 0 : i32
    %dma_wait3A_223 = tpu.memref_slice %arg5[%dma_wait3A_221, %dma_wait3A_222] : memref<16x2944xf32, #tpu.memory_space<vmem>> -> memref<16x2048xf32, #tpu.memory_space<vmem>>
    %dma_wait3A_224 = arith.constant 0 : i32
    %dma_wait3A_225 = arith.constant 0 : i32
    %dma_wait3A_226 = tpu.memref_slice %arg3[%dma_wait3A_220, %dma_wait3A_224, %dma_wait3A_225] : memref<16x2048x2048xf32, #tpu.memory_space<hbm>> -> memref<1x16x2048xf32, #tpu.memory_space<hbm>>
    %dma_wait3A_227 = tpu.memref_squeeze %dma_wait3A_226 : memref<1x16x2048xf32, #tpu.memory_space<hbm>> -> memref<16x2048xf32, #tpu.memory_space<hbm>>
    %dma_wait3A_228 = arith.constant 0 : i32
    %dma_wait3A_229 = arith.constant 0 : i32
    %dma_wait3A_230 = tpu.memref_slice %arg3[%dma_wait3A_220, %dma_wait3A_228, %dma_wait3A_229] : memref<16x2048x2048xf32, #tpu.memory_space<hbm>> -> memref<1x16x2048xf32, #tpu.memory_space<hbm>>
    %dma_wait3A_231 = tpu.memref_squeeze %dma_wait3A_230 : memref<1x16x2048xf32, #tpu.memory_space<hbm>> -> memref<16x2048xf32, #tpu.memory_space<hbm>>
    %dma_wait3A_232 = arith.constant 0 : i32
    %dma_wait3A_233 = arith.constant 0 : i32
    %dma_wait3A_234 = tpu.memref_slice %arg5[%dma_wait3A_232, %dma_wait3A_233] : memref<16x2944xf32, #tpu.memory_space<vmem>> -> memref<16x2048xf32, #tpu.memory_space<vmem>>
    tpu.wait_dma2 semaphore(%arg8 : memref<!tpu.dma_semaphore, #tpu.memory_space<semaphore_mem>>) src(%dma_wait3A_234 : memref<16x2048xf32, #tpu.memory_space<vmem>>) dst(%dma_wait3A_231 : memref<16x2048xf32, #tpu.memory_space<hbm>>)
    %dma_wait3A_235 = arith.constant 0 : i32
    %dma_wait3A_236 = arith.constant 0 : i32
    %dma_wait3A_237 = arith.constant 0 : i32
    %dma_wait3A_238 = tpu.memref_slice %arg5[%dma_wait3A_236, %dma_wait3A_237] : memref<16x2944xf32, #tpu.memory_space<vmem>> -> memref<16x2048xf32, #tpu.memory_space<vmem>>
    %dma_wait3A_239 = arith.constant 0 : i32
    %dma_wait3A_240 = arith.constant 0 : i32
    %dma_wait3A_241 = tpu.memref_slice %arg3[%dma_wait3A_235, %dma_wait3A_239, %dma_wait3A_240] : memref<16x2048x2048xf32, #tpu.memory_space<hbm>> -> memref<1x16x2048xf32, #tpu.memory_space<hbm>>
    %dma_wait3A_242 = tpu.memref_squeeze %dma_wait3A_241 : memref<1x16x2048xf32, #tpu.memory_space<hbm>> -> memref<16x2048xf32, #tpu.memory_space<hbm>>
    %dma_wait3A_243 = arith.constant 0 : i32
    %dma_wait3A_244 = arith.constant 0 : i32
    %dma_wait3A_245 = tpu.memref_slice %arg3[%dma_wait3A_235, %dma_wait3A_243, %dma_wait3A_244] : memref<16x2048x2048xf32, #tpu.memory_space<hbm>> -> memref<1x16x2048xf32, #tpu.memory_space<hbm>>
    %dma_wait3A_246 = tpu.memref_squeeze %dma_wait3A_245 : memref<1x16x2048xf32, #tpu.memory_space<hbm>> -> memref<16x2048xf32, #tpu.memory_space<hbm>>
    %dma_wait3A_247 = arith.constant 0 : i32
    %dma_wait3A_248 = arith.constant 0 : i32
    %dma_wait3A_249 = tpu.memref_slice %arg5[%dma_wait3A_247, %dma_wait3A_248] : memref<16x2944xf32, #tpu.memory_space<vmem>> -> memref<16x2048xf32, #tpu.memory_space<vmem>>
    tpu.wait_dma2 semaphore(%arg8 : memref<!tpu.dma_semaphore, #tpu.memory_space<semaphore_mem>>) src(%dma_wait3A_249 : memref<16x2048xf32, #tpu.memory_space<vmem>>) dst(%dma_wait3A_246 : memref<16x2048xf32, #tpu.memory_space<hbm>>)
    %dma_wait3A_250 = arith.constant 0 : i32
    %dma_wait3A_251 = arith.constant 0 : i32
    %dma_wait3A_252 = arith.constant 0 : i32
    %dma_wait3A_253 = tpu.memref_slice %arg5[%dma_wait3A_251, %dma_wait3A_252] : memref<16x2944xf32, #tpu.memory_space<vmem>> -> memref<16x2048xf32, #tpu.memory_space<vmem>>
    %dma_wait3A_254 = arith.constant 0 : i32
    %dma_wait3A_255 = arith.constant 0 : i32
    %dma_wait3A_256 = tpu.memref_slice %arg3[%dma_wait3A_250, %dma_wait3A_254, %dma_wait3A_255] : memref<16x2048x2048xf32, #tpu.memory_space<hbm>> -> memref<1x16x2048xf32, #tpu.memory_space<hbm>>
    %dma_wait3A_257 = tpu.memref_squeeze %dma_wait3A_256 : memref<1x16x2048xf32, #tpu.memory_space<hbm>> -> memref<16x2048xf32, #tpu.memory_space<hbm>>
    %dma_wait3A_258 = arith.constant 0 : i32
    %dma_wait3A_259 = arith.constant 0 : i32
    %dma_wait3A_260 = tpu.memref_slice %arg3[%dma_wait3A_250, %dma_wait3A_258, %dma_wait3A_259] : memref<16x2048x2048xf32, #tpu.memory_space<hbm>> -> memref<1x16x2048xf32, #tpu.memory_space<hbm>>
    %dma_wait3A_261 = tpu.memref_squeeze %dma_wait3A_260 : memref<1x16x2048xf32, #tpu.memory_space<hbm>> -> memref<16x2048xf32, #tpu.memory_space<hbm>>
    %dma_wait3A_262 = arith.constant 0 : i32
    %dma_wait3A_263 = arith.constant 0 : i32
    %dma_wait3A_264 = tpu.memref_slice %arg5[%dma_wait3A_262, %dma_wait3A_263] : memref<16x2944xf32, #tpu.memory_space<vmem>> -> memref<16x2048xf32, #tpu.memory_space<vmem>>
    tpu.wait_dma2 semaphore(%arg8 : memref<!tpu.dma_semaphore, #tpu.memory_space<semaphore_mem>>) src(%dma_wait3A_264 : memref<16x2048xf32, #tpu.memory_space<vmem>>) dst(%dma_wait3A_261 : memref<16x2048xf32, #tpu.memory_space<hbm>>)
    %dma_wait3A_265 = arith.constant 0 : i32
    %dma_wait3A_266 = arith.constant 0 : i32
    %dma_wait3A_267 = arith.constant 0 : i32
    %dma_wait3A_268 = tpu.memref_slice %arg5[%dma_wait3A_266, %dma_wait3A_267] : memref<16x2944xf32, #tpu.memory_space<vmem>> -> memref<16x2048xf32, #tpu.memory_space<vmem>>
    %dma_wait3A_269 = arith.constant 0 : i32
    %dma_wait3A_270 = arith.constant 0 : i32
    %dma_wait3A_271 = tpu.memref_slice %arg3[%dma_wait3A_265, %dma_wait3A_269, %dma_wait3A_270] : memref<16x2048x2048xf32, #tpu.memory_space<hbm>> -> memref<1x16x2048xf32, #tpu.memory_space<hbm>>
    %dma_wait3A_272 = tpu.memref_squeeze %dma_wait3A_271 : memref<1x16x2048xf32, #tpu.memory_space<hbm>> -> memref<16x2048xf32, #tpu.memory_space<hbm>>
    %dma_wait3A_273 = arith.constant 0 : i32
    %dma_wait3A_274 = arith.constant 0 : i32
    %dma_wait3A_275 = tpu.memref_slice %arg3[%dma_wait3A_265, %dma_wait3A_273, %dma_wait3A_274] : memref<16x2048x2048xf32, #tpu.memory_space<hbm>> -> memref<1x16x2048xf32, #tpu.memory_space<hbm>>
    %dma_wait3A_276 = tpu.memref_squeeze %dma_wait3A_275 : memref<1x16x2048xf32, #tpu.memory_space<hbm>> -> memref<16x2048xf32, #tpu.memory_space<hbm>>
    %dma_wait3A_277 = arith.constant 0 : i32
    %dma_wait3A_278 = arith.constant 0 : i32
    %dma_wait3A_279 = tpu.memref_slice %arg5[%dma_wait3A_277, %dma_wait3A_278] : memref<16x2944xf32, #tpu.memory_space<vmem>> -> memref<16x2048xf32, #tpu.memory_space<vmem>>
    tpu.wait_dma2 semaphore(%arg8 : memref<!tpu.dma_semaphore, #tpu.memory_space<semaphore_mem>>) src(%dma_wait3A_279 : memref<16x2048xf32, #tpu.memory_space<vmem>>) dst(%dma_wait3A_276 : memref<16x2048xf32, #tpu.memory_space<hbm>>)
    %dma_wait3A_280 = arith.constant 0 : i32
    %dma_wait3A_281 = arith.constant 0 : i32
    %dma_wait3A_282 = arith.constant 0 : i32
    %dma_wait3A_283 = tpu.memref_slice %arg5[%dma_wait3A_281, %dma_wait3A_282] : memref<16x2944xf32, #tpu.memory_space<vmem>> -> memref<16x2048xf32, #tpu.memory_space<vmem>>
    %dma_wait3A_284 = arith.constant 0 : i32
    %dma_wait3A_285 = arith.constant 0 : i32
    %dma_wait3A_286 = tpu.memref_slice %arg3[%dma_wait3A_280, %dma_wait3A_284, %dma_wait3A_285] : memref<16x2048x2048xf32, #tpu.memory_space<hbm>> -> memref<1x16x2048xf32, #tpu.memory_space<hbm>>
    %dma_wait3A_287 = tpu.memref_squeeze %dma_wait3A_286 : memref<1x16x2048xf32, #tpu.memory_space<hbm>> -> memref<16x2048xf32, #tpu.memory_space<hbm>>
    %dma_wait3A_288 = arith.constant 0 : i32
    %dma_wait3A_289 = arith.constant 0 : i32
    %dma_wait3A_290 = tpu.memref_slice %arg3[%dma_wait3A_280, %dma_wait3A_288, %dma_wait3A_289] : memref<16x2048x2048xf32, #tpu.memory_space<hbm>> -> memref<1x16x2048xf32, #tpu.memory_space<hbm>>
    %dma_wait3A_291 = tpu.memref_squeeze %dma_wait3A_290 : memref<1x16x2048xf32, #tpu.memory_space<hbm>> -> memref<16x2048xf32, #tpu.memory_space<hbm>>
    %dma_wait3A_292 = arith.constant 0 : i32
    %dma_wait3A_293 = arith.constant 0 : i32
    %dma_wait3A_294 = tpu.memref_slice %arg5[%dma_wait3A_292, %dma_wait3A_293] : memref<16x2944xf32, #tpu.memory_space<vmem>> -> memref<16x2048xf32, #tpu.memory_space<vmem>>
    tpu.wait_dma2 semaphore(%arg8 : memref<!tpu.dma_semaphore, #tpu.memory_space<semaphore_mem>>) src(%dma_wait3A_294 : memref<16x2048xf32, #tpu.memory_space<vmem>>) dst(%dma_wait3A_291 : memref<16x2048xf32, #tpu.memory_space<hbm>>)
    %dma_wait3A_295 = arith.constant 0 : i32
    %dma_wait3A_296 = arith.constant 0 : i32
    %dma_wait3A_297 = arith.constant 0 : i32
    %dma_wait3A_298 = tpu.memref_slice %arg5[%dma_wait3A_296, %dma_wait3A_297] : memref<16x2944xf32, #tpu.memory_space<vmem>> -> memref<16x2048xf32, #tpu.memory_space<vmem>>
    %dma_wait3A_299 = arith.constant 0 : i32
    %dma_wait3A_300 = arith.constant 0 : i32
    %dma_wait3A_301 = tpu.memref_slice %arg3[%dma_wait3A_295, %dma_wait3A_299, %dma_wait3A_300] : memref<16x2048x2048xf32, #tpu.memory_space<hbm>> -> memref<1x16x2048xf32, #tpu.memory_space<hbm>>
    %dma_wait3A_302 = tpu.memref_squeeze %dma_wait3A_301 : memref<1x16x2048xf32, #tpu.memory_space<hbm>> -> memref<16x2048xf32, #tpu.memory_space<hbm>>
    %dma_wait3A_303 = arith.constant 0 : i32
    %dma_wait3A_304 = arith.constant 0 : i32
    %dma_wait3A_305 = tpu.memref_slice %arg3[%dma_wait3A_295, %dma_wait3A_303, %dma_wait3A_304] : memref<16x2048x2048xf32, #tpu.memory_space<hbm>> -> memref<1x16x2048xf32, #tpu.memory_space<hbm>>
    %dma_wait3A_306 = tpu.memref_squeeze %dma_wait3A_305 : memref<1x16x2048xf32, #tpu.memory_space<hbm>> -> memref<16x2048xf32, #tpu.memory_space<hbm>>
    %dma_wait3A_307 = arith.constant 0 : i32
    %dma_wait3A_308 = arith.constant 0 : i32
    %dma_wait3A_309 = tpu.memref_slice %arg5[%dma_wait3A_307, %dma_wait3A_308] : memref<16x2944xf32, #tpu.memory_space<vmem>> -> memref<16x2048xf32, #tpu.memory_space<vmem>>
    tpu.wait_dma2 semaphore(%arg8 : memref<!tpu.dma_semaphore, #tpu.memory_space<semaphore_mem>>) src(%dma_wait3A_309 : memref<16x2048xf32, #tpu.memory_space<vmem>>) dst(%dma_wait3A_306 : memref<16x2048xf32, #tpu.memory_space<hbm>>)
    %dma_wait3A_310 = arith.constant 0 : i32
    %dma_wait3A_311 = arith.constant 0 : i32
    %dma_wait3A_312 = arith.constant 0 : i32
    %dma_wait3A_313 = tpu.memref_slice %arg5[%dma_wait3A_311, %dma_wait3A_312] : memref<16x2944xf32, #tpu.memory_space<vmem>> -> memref<16x2048xf32, #tpu.memory_space<vmem>>
    %dma_wait3A_314 = arith.constant 0 : i32
    %dma_wait3A_315 = arith.constant 0 : i32
    %dma_wait3A_316 = tpu.memref_slice %arg3[%dma_wait3A_310, %dma_wait3A_314, %dma_wait3A_315] : memref<16x2048x2048xf32, #tpu.memory_space<hbm>> -> memref<1x16x2048xf32, #tpu.memory_space<hbm>>
    %dma_wait3A_317 = tpu.memref_squeeze %dma_wait3A_316 : memref<1x16x2048xf32, #tpu.memory_space<hbm>> -> memref<16x2048xf32, #tpu.memory_space<hbm>>
    %dma_wait3A_318 = arith.constant 0 : i32
    %dma_wait3A_319 = arith.constant 0 : i32
    %dma_wait3A_320 = tpu.memref_slice %arg3[%dma_wait3A_310, %dma_wait3A_318, %dma_wait3A_319] : memref<16x2048x2048xf32, #tpu.memory_space<hbm>> -> memref<1x16x2048xf32, #tpu.memory_space<hbm>>
    %dma_wait3A_321 = tpu.memref_squeeze %dma_wait3A_320 : memref<1x16x2048xf32, #tpu.memory_space<hbm>> -> memref<16x2048xf32, #tpu.memory_space<hbm>>
    %dma_wait3A_322 = arith.constant 0 : i32
    %dma_wait3A_323 = arith.constant 0 : i32
    %dma_wait3A_324 = tpu.memref_slice %arg5[%dma_wait3A_322, %dma_wait3A_323] : memref<16x2944xf32, #tpu.memory_space<vmem>> -> memref<16x2048xf32, #tpu.memory_space<vmem>>
    tpu.wait_dma2 semaphore(%arg8 : memref<!tpu.dma_semaphore, #tpu.memory_space<semaphore_mem>>) src(%dma_wait3A_324 : memref<16x2048xf32, #tpu.memory_space<vmem>>) dst(%dma_wait3A_321 : memref<16x2048xf32, #tpu.memory_space<hbm>>)
    %sub3A_325 = arith.constant 2496 : i32
    %sub3A_326 = arith.subi %sub3A_325, %mul3A_36 : i32
    %scan3A_327 = arith.constant 0 : i32
    %scan3A_328 = arith.constant 0 : i32
    %scan3A_329 = arith.constant 16 : i32
    %scan3A_330 = arith.addi %scan3A_328, %scan3A_329 : i32
    %scan3A_331 = arith.constant 1 : i32
    %scan3A_332 = scf.for %scan3A_1125 = %scan3A_328 to %scan3A_330 step %scan3A_331 iter_args(%scan3A_1126 = %scan3A_327) -> (i32)  : i32 {
      %add3A_1127 = arith.addi %sub3A_326, %scan3A_1125 : i32
      %sub3A_1128 = arith.constant 1024 : i32
      %sub3A_1129 = arith.subi %add3A_1127, %sub3A_1128 : i32
      %jit3A_1130 = arith.constant 16 : i32
      %div3A_1131 = arith.divsi %sub3A_1129, %jit3A_1130 : i32
      %sign3A_1132 = arith.constant 0 : i32
      %sign3A_1133 = arith.cmpi sgt, %sub3A_1129, %sign3A_1132 : i32
      %sign3A_1134 = arith.extui %sign3A_1133 : i1 to i32
      %sign3A_1135 = arith.constant 0 : i32
      %sign3A_1136 = arith.cmpi slt, %sub3A_1129, %sign3A_1135 : i32
      %sign3A_1137 = arith.extui %sign3A_1136 : i1 to i32
      %sign3A_1138 = arith.subi %sign3A_1134, %sign3A_1137 : i32
      %sign3A_1139 = arith.constant 0 : i32
      %sign3A_1140 = arith.cmpi sgt, %jit3A_1130, %sign3A_1139 : i32
      %sign3A_1141 = arith.extui %sign3A_1140 : i1 to i32
      %sign3A_1142 = arith.constant 0 : i32
      %sign3A_1143 = arith.cmpi slt, %jit3A_1130, %sign3A_1142 : i32
      %sign3A_1144 = arith.extui %sign3A_1143 : i1 to i32
      %sign3A_1145 = arith.subi %sign3A_1141, %sign3A_1144 : i32
      %ne3A_1146 = arith.cmpi ne, %sign3A_1138, %sign3A_1145 : i32
      %rem3A_1147 = arith.remsi %sub3A_1129, %jit3A_1130 : i32
      %ne3A_1148 = arith.constant 0 : i32
      %ne3A_1149 = arith.cmpi ne, %rem3A_1147, %ne3A_1148 : i32
      %and3A_1150 = arith.andi %ne3A_1146, %ne3A_1149 : i1
      %sub3A_1151 = arith.constant 1 : i32
      %sub3A_1152 = arith.subi %div3A_1131, %sub3A_1151 : i32
      %select_n3A_1153 = arith.select %and3A_1150, %sub3A_1152, %div3A_1131 : i32
      %add3A_1154 = arith.constant 15 : i32
      %add3A_1155 = arith.addi %add3A_1127, %add3A_1154 : i32
      %jit3A_1156 = arith.constant 16 : i32
      %div3A_1157 = arith.divsi %add3A_1155, %jit3A_1156 : i32
      %sign3A_1158 = arith.constant 0 : i32
      %sign3A_1159 = arith.cmpi sgt, %add3A_1155, %sign3A_1158 : i32
      %sign3A_1160 = arith.extui %sign3A_1159 : i1 to i32
      %sign3A_1161 = arith.constant 0 : i32
      %sign3A_1162 = arith.cmpi slt, %add3A_1155, %sign3A_1161 : i32
      %sign3A_1163 = arith.extui %sign3A_1162 : i1 to i32
      %sign3A_1164 = arith.subi %sign3A_1160, %sign3A_1163 : i32
      %sign3A_1165 = arith.constant 0 : i32
      %sign3A_1166 = arith.cmpi sgt, %jit3A_1156, %sign3A_1165 : i32
      %sign3A_1167 = arith.extui %sign3A_1166 : i1 to i32
      %sign3A_1168 = arith.constant 0 : i32
      %sign3A_1169 = arith.cmpi slt, %jit3A_1156, %sign3A_1168 : i32
      %sign3A_1170 = arith.extui %sign3A_1169 : i1 to i32
      %sign3A_1171 = arith.subi %sign3A_1167, %sign3A_1170 : i32
      %ne3A_1172 = arith.cmpi ne, %sign3A_1164, %sign3A_1171 : i32
      %rem3A_1173 = arith.remsi %add3A_1155, %jit3A_1156 : i32
      %ne3A_1174 = arith.constant 0 : i32
      %ne3A_1175 = arith.cmpi ne, %rem3A_1173, %ne3A_1174 : i32
      %and3A_1176 = arith.andi %ne3A_1172, %ne3A_1175 : i1
      %sub3A_1177 = arith.constant 1 : i32
      %sub3A_1178 = arith.subi %div3A_1157, %sub3A_1177 : i32
      %select_n3A_1179 = arith.select %and3A_1176, %sub3A_1178, %div3A_1157 : i32
      %add3A_1180 = arith.constant 2 : i32
      %add3A_1181 = arith.addi %select_n3A_1179, %add3A_1180 : i32
      %while3A = arith.constant 0 : i32
      %while3A_1182 = arith.subi %add3A_1181, %select_n3A_1153 : i32
      %while3A_1183 = arith.addi %select_n3A_1153, %while3A_1182 : i32
      %while3A_1184 = arith.constant 1 : i32
      %while3A_1185 = arith.divsi %while3A_1182, %while3A_1184 : i32
      %while3A_1186 = arith.muli %while3A_1185, %while3A_1184 : i32
      %while3A_1187 = arith.addi %select_n3A_1153, %while3A_1186 : i32
      %while3A_1188 = arith.constant 1 : i32
      %while3A_1189 = scf.for %while3A_1193 = %select_n3A_1153 to %while3A_1187 step %while3A_1188 iter_args(%while3A_1194 = %while3A) -> (i32)  : i32 {
        %mul3A_1195 = arith.constant 16 : i32
        %mul3A_1196 = arith.muli %while3A_1193, %mul3A_1195 : i32
        %sub3A_1197 = arith.subi %add3A_1127, %mul3A_1196 : i32
        %sub3A_1198 = vector.broadcast %sub3A_1197 : i32 to vector<16xi32>
        %sub3A_1199 = arith.subi %sub3A_1198, %iota3A : vector<16xi32>
        %jit3A_1200 = arith.constant 0 : i32
        %jit3A_1201 = arith.constant 1024 : i32
        %max3A = vector.broadcast %jit3A_1200 : i32 to vector<16xi32>
        %max3A_1202 = arith.maxsi %max3A, %sub3A_1199 : vector<16xi32>
        %min3A = vector.broadcast %jit3A_1201 : i32 to vector<16xi32>
        %min3A_1203 = arith.minsi %min3A, %max3A_1202 : vector<16xi32>
        %gather3A = tpu.vector_load_idx %arg4[%min3A_1203] : memref<1152xf32, #tpu.memory_space<vmem>>[vector<16xi32>], vector<16xf32>,
        %swap3A = arith.index_cast %scan3A_1125 : i32 to index
        %swap3A_1204 = arith.index_cast %mul3A_1196 : i32 to index
        %swap3A_1205 = tpu.vector_load %arg6[%swap3A, %swap3A_1204] {strides = array<i32>} : memref<16x2944xf32, #tpu.memory_space<vmem>>, vector<16xf32>,
        tpu.vector_store %arg6[%swap3A, %swap3A_1204], %gather3A {strides = array<i32>} : memref<16x2944xf32, #tpu.memory_space<vmem>>, vector<16xf32>,
        %while3A_1206 = arith.constant 0 : i32
        scf.yield %while3A_1206 : i32
      }
      %while3A_1190 = arith.constant 1 : i32
      %while3A_1191 = scf.for %while3A_1193 = %while3A_1187 to %while3A_1183 step %while3A_1190 iter_args(%while3A_1194 = %while3A_1189) -> (i32)  : i32 {
        %mul3A_1195 = arith.constant 16 : i32
        %mul3A_1196 = arith.muli %while3A_1193, %mul3A_1195 : i32
        %sub3A_1197 = arith.subi %add3A_1127, %mul3A_1196 : i32
        %sub3A_1198 = vector.broadcast %sub3A_1197 : i32 to vector<16xi32>
        %sub3A_1199 = arith.subi %sub3A_1198, %iota3A : vector<16xi32>
        %jit3A_1200 = arith.constant 0 : i32
        %jit3A_1201 = arith.constant 1024 : i32
        %max3A = vector.broadcast %jit3A_1200 : i32 to vector<16xi32>
        %max3A_1202 = arith.maxsi %max3A, %sub3A_1199 : vector<16xi32>
        %min3A = vector.broadcast %jit3A_1201 : i32 to vector<16xi32>
        %min3A_1203 = arith.minsi %min3A, %max3A_1202 : vector<16xi32>
        %gather3A = tpu.vector_load_idx %arg4[%min3A_1203] : memref<1152xf32, #tpu.memory_space<vmem>>[vector<16xi32>], vector<16xf32>,
        %swap3A = arith.index_cast %scan3A_1125 : i32 to index
        %swap3A_1204 = arith.index_cast %mul3A_1196 : i32 to index
        %swap3A_1205 = tpu.vector_load %arg6[%swap3A, %swap3A_1204] {strides = array<i32>} : memref<16x2944xf32, #tpu.memory_space<vmem>>, vector<16xf32>,
        tpu.vector_store %arg6[%swap3A, %swap3A_1204], %gather3A {strides = array<i32>} : memref<16x2944xf32, #tpu.memory_space<vmem>>, vector<16xf32>,
        %while3A_1206 = arith.constant 0 : i32
        scf.yield %while3A_1206 : i32
      }
      %scan3A_1192 = arith.constant 0 : i32
      scf.yield %scan3A_1192 : i32
    }
    %scan3A_333 = arith.constant 16 : i32
    %scan3A_334 = arith.constant 0 : i32
    %scan3A_335 = arith.constant 0 : i32
    %scan3A_336 = arith.constant 8 : i32
    %scan3A_337 = arith.addi %scan3A_335, %scan3A_336 : i32
    %scan3A_338 = arith.constant 1 : i32
    %scan3A_339 = scf.for %scan3A_1125 = %scan3A_335 to %scan3A_337 step %scan3A_338 iter_args(%scan3A_1126 = %scan3A_334) -> (i32)  : i32 {
      %mul3A_1127 = arith.constant 128 : i32
      %mul3A_1128 = arith.muli %mul3A_1127, %scan3A_1125 : i32
      %sub3A_1129 = arith.constant 896 : i32
      %sub3A_1130 = arith.subi %sub3A_1129, %mul3A_1128 : i32
      %multiple_of3A = tpu.assume_multiple %sub3A_1130, 128 : i32
      %mul3A_1131 = arith.constant 8 : i32
      %mul3A_1132 = arith.muli %mul3A_1131, %scan3A_1125 : i32
      %add3A_1133 = arith.constant 4 : i32
      %add3A_1134 = arith.addi %add3A_1133, %mul3A_1132 : i32
      %mul3A_1135 = arith.constant 16 : i32
      %mul3A_1136 = arith.muli %add3A_1134, %mul3A_1135 : i32
      %add3A_1137 = arith.addi %mul3A_32, %mul3A_1136 : i32
      %multiple_of3A_1138 = tpu.assume_multiple %add3A_1137, 16 : i32
      %dma_start3A = arith.constant 0 : i32
      %dma_start3A_1139 = tpu.memref_slice %arg6[%dma_start3A, %multiple_of3A] : memref<16x2944xf32, #tpu.memory_space<vmem>> -> memref<16x2048xf32, #tpu.memory_space<vmem>>
      %dma_start3A_1140 = arith.constant 0 : i32
      %dma_start3A_1141 = tpu.memref_slice %arg3[%select_n3A, %multiple_of3A_1138, %dma_start3A_1140] : memref<16x2048x2048xf32, #tpu.memory_space<hbm>> -> memref<1x16x2048xf32, #tpu.memory_space<hbm>>
      %dma_start3A_1142 = tpu.memref_squeeze %dma_start3A_1141 : memref<1x16x2048xf32, #tpu.memory_space<hbm>> -> memref<16x2048xf32, #tpu.memory_space<hbm>>
      %dma_start3A_1143 = arith.constant 0 : i32
      %dma_start3A_1144 = tpu.memref_slice %arg3[%select_n3A, %multiple_of3A_1138, %dma_start3A_1143] : memref<16x2048x2048xf32, #tpu.memory_space<hbm>> -> memref<1x16x2048xf32, #tpu.memory_space<hbm>>
      %dma_start3A_1145 = tpu.memref_squeeze %dma_start3A_1144 : memref<1x16x2048xf32, #tpu.memory_space<hbm>> -> memref<16x2048xf32, #tpu.memory_space<hbm>>
      %dma_start3A_1146 = arith.constant 0 : i32
      %dma_start3A_1147 = tpu.memref_slice %arg6[%dma_start3A_1146, %multiple_of3A] : memref<16x2944xf32, #tpu.memory_space<vmem>> -> memref<16x2048xf32, #tpu.memory_space<vmem>>
      tpu.enqueue_dma source(%dma_start3A_1147 : memref<16x2048xf32, #tpu.memory_space<vmem>>) target(%dma_start3A_1145 : memref<16x2048xf32, #tpu.memory_space<hbm>>) target_semaphore(%arg8 : memref<!tpu.dma_semaphore, #tpu.memory_space<semaphore_mem>>)
      %scan3A_1148 = arith.constant 0 : i32
      scf.yield %scan3A_1148 : i32
    }
    %scan3A_340 = arith.constant 8 : i32
    %dma_wait3A_341 = arith.constant 0 : i32
    %dma_wait3A_342 = arith.constant 0 : i32
    %dma_wait3A_343 = arith.constant 0 : i32
    %dma_wait3A_344 = tpu.memref_slice %arg5[%dma_wait3A_342, %dma_wait3A_343] : memref<16x2944xf32, #tpu.memory_space<vmem>> -> memref<16x2048xf32, #tpu.memory_space<vmem>>
    %dma_wait3A_345 = arith.constant 0 : i32
    %dma_wait3A_346 = arith.constant 0 : i32
    %dma_wait3A_347 = tpu.memref_slice %arg3[%dma_wait3A_341, %dma_wait3A_345, %dma_wait3A_346] : memref<16x2048x2048xf32, #tpu.memory_space<hbm>> -> memref<1x16x2048xf32, #tpu.memory_space<hbm>>
    %dma_wait3A_348 = tpu.memref_squeeze %dma_wait3A_347 : memref<1x16x2048xf32, #tpu.memory_space<hbm>> -> memref<16x2048xf32, #tpu.memory_space<hbm>>
    %dma_wait3A_349 = arith.constant 0 : i32
    %dma_wait3A_350 = arith.constant 0 : i32
    %dma_wait3A_351 = tpu.memref_slice %arg3[%dma_wait3A_341, %dma_wait3A_349, %dma_wait3A_350] : memref<16x2048x2048xf32, #tpu.memory_space<hbm>> -> memref<1x16x2048xf32, #tpu.memory_space<hbm>>
    %dma_wait3A_352 = tpu.memref_squeeze %dma_wait3A_351 : memref<1x16x2048xf32, #tpu.memory_space<hbm>> -> memref<16x2048xf32, #tpu.memory_space<hbm>>
    %dma_wait3A_353 = arith.constant 0 : i32
    %dma_wait3A_354 = arith.constant 0 : i32
    %dma_wait3A_355 = tpu.memref_slice %arg5[%dma_wait3A_353, %dma_wait3A_354] : memref<16x2944xf32, #tpu.memory_space<vmem>> -> memref<16x2048xf32, #tpu.memory_space<vmem>>
    tpu.wait_dma2 semaphore(%arg7 : memref<!tpu.dma_semaphore, #tpu.memory_space<semaphore_mem>>) src(%dma_wait3A_355 : memref<16x2048xf32, #tpu.memory_space<vmem>>) dst(%dma_wait3A_352 : memref<16x2048xf32, #tpu.memory_space<hbm>>)
    %dma_wait3A_356 = arith.constant 0 : i32
    %dma_wait3A_357 = arith.constant 0 : i32
    %dma_wait3A_358 = arith.constant 0 : i32
    %dma_wait3A_359 = tpu.memref_slice %arg5[%dma_wait3A_357, %dma_wait3A_358] : memref<16x2944xf32, #tpu.memory_space<vmem>> -> memref<16x2048xf32, #tpu.memory_space<vmem>>
    %dma_wait3A_360 = arith.constant 0 : i32
    %dma_wait3A_361 = arith.constant 0 : i32
    %dma_wait3A_362 = tpu.memref_slice %arg3[%dma_wait3A_356, %dma_wait3A_360, %dma_wait3A_361] : memref<16x2048x2048xf32, #tpu.memory_space<hbm>> -> memref<1x16x2048xf32, #tpu.memory_space<hbm>>
    %dma_wait3A_363 = tpu.memref_squeeze %dma_wait3A_362 : memref<1x16x2048xf32, #tpu.memory_space<hbm>> -> memref<16x2048xf32, #tpu.memory_space<hbm>>
    %dma_wait3A_364 = arith.constant 0 : i32
    %dma_wait3A_365 = arith.constant 0 : i32
    %dma_wait3A_366 = tpu.memref_slice %arg3[%dma_wait3A_356, %dma_wait3A_364, %dma_wait3A_365] : memref<16x2048x2048xf32, #tpu.memory_space<hbm>> -> memref<1x16x2048xf32, #tpu.memory_space<hbm>>
    %dma_wait3A_367 = tpu.memref_squeeze %dma_wait3A_366 : memref<1x16x2048xf32, #tpu.memory_space<hbm>> -> memref<16x2048xf32, #tpu.memory_space<hbm>>
    %dma_wait3A_368 = arith.constant 0 : i32
    %dma_wait3A_369 = arith.constant 0 : i32
    %dma_wait3A_370 = tpu.memref_slice %arg5[%dma_wait3A_368, %dma_wait3A_369] : memref<16x2944xf32, #tpu.memory_space<vmem>> -> memref<16x2048xf32, #tpu.memory_space<vmem>>
    tpu.wait_dma2 semaphore(%arg7 : memref<!tpu.dma_semaphore, #tpu.memory_space<semaphore_mem>>) src(%dma_wait3A_370 : memref<16x2048xf32, #tpu.memory_space<vmem>>) dst(%dma_wait3A_367 : memref<16x2048xf32, #tpu.memory_space<hbm>>)
    %dma_wait3A_371 = arith.constant 0 : i32
    %dma_wait3A_372 = arith.constant 0 : i32
    %dma_wait3A_373 = arith.constant 0 : i32
    %dma_wait3A_374 = tpu.memref_slice %arg5[%dma_wait3A_372, %dma_wait3A_373] : memref<16x2944xf32, #tpu.memory_space<vmem>> -> memref<16x2048xf32, #tpu.memory_space<vmem>>
    %dma_wait3A_375 = arith.constant 0 : i32
    %dma_wait3A_376 = arith.constant 0 : i32
    %dma_wait3A_377 = tpu.memref_slice %arg3[%dma_wait3A_371, %dma_wait3A_375, %dma_wait3A_376] : memref<16x2048x2048xf32, #tpu.memory_space<hbm>> -> memref<1x16x2048xf32, #tpu.memory_space<hbm>>
    %dma_wait3A_378 = tpu.memref_squeeze %dma_wait3A_377 : memref<1x16x2048xf32, #tpu.memory_space<hbm>> -> memref<16x2048xf32, #tpu.memory_space<hbm>>
    %dma_wait3A_379 = arith.constant 0 : i32
    %dma_wait3A_380 = arith.constant 0 : i32
    %dma_wait3A_381 = tpu.memref_slice %arg3[%dma_wait3A_371, %dma_wait3A_379, %dma_wait3A_380] : memref<16x2048x2048xf32, #tpu.memory_space<hbm>> -> memref<1x16x2048xf32, #tpu.memory_space<hbm>>
    %dma_wait3A_382 = tpu.memref_squeeze %dma_wait3A_381 : memref<1x16x2048xf32, #tpu.memory_space<hbm>> -> memref<16x2048xf32, #tpu.memory_space<hbm>>
    %dma_wait3A_383 = arith.constant 0 : i32
    %dma_wait3A_384 = arith.constant 0 : i32
    %dma_wait3A_385 = tpu.memref_slice %arg5[%dma_wait3A_383, %dma_wait3A_384] : memref<16x2944xf32, #tpu.memory_space<vmem>> -> memref<16x2048xf32, #tpu.memory_space<vmem>>
    tpu.wait_dma2 semaphore(%arg7 : memref<!tpu.dma_semaphore, #tpu.memory_space<semaphore_mem>>) src(%dma_wait3A_385 : memref<16x2048xf32, #tpu.memory_space<vmem>>) dst(%dma_wait3A_382 : memref<16x2048xf32, #tpu.memory_space<hbm>>)
    %dma_wait3A_386 = arith.constant 0 : i32
    %dma_wait3A_387 = arith.constant 0 : i32
    %dma_wait3A_388 = arith.constant 0 : i32
    %dma_wait3A_389 = tpu.memref_slice %arg5[%dma_wait3A_387, %dma_wait3A_388] : memref<16x2944xf32, #tpu.memory_space<vmem>> -> memref<16x2048xf32, #tpu.memory_space<vmem>>
    %dma_wait3A_390 = arith.constant 0 : i32
    %dma_wait3A_391 = arith.constant 0 : i32
    %dma_wait3A_392 = tpu.memref_slice %arg3[%dma_wait3A_386, %dma_wait3A_390, %dma_wait3A_391] : memref<16x2048x2048xf32, #tpu.memory_space<hbm>> -> memref<1x16x2048xf32, #tpu.memory_space<hbm>>
    %dma_wait3A_393 = tpu.memref_squeeze %dma_wait3A_392 : memref<1x16x2048xf32, #tpu.memory_space<hbm>> -> memref<16x2048xf32, #tpu.memory_space<hbm>>
    %dma_wait3A_394 = arith.constant 0 : i32
    %dma_wait3A_395 = arith.constant 0 : i32
    %dma_wait3A_396 = tpu.memref_slice %arg3[%dma_wait3A_386, %dma_wait3A_394, %dma_wait3A_395] : memref<16x2048x2048xf32, #tpu.memory_space<hbm>> -> memref<1x16x2048xf32, #tpu.memory_space<hbm>>
    %dma_wait3A_397 = tpu.memref_squeeze %dma_wait3A_396 : memref<1x16x2048xf32, #tpu.memory_space<hbm>> -> memref<16x2048xf32, #tpu.memory_space<hbm>>
    %dma_wait3A_398 = arith.constant 0 : i32
    %dma_wait3A_399 = arith.constant 0 : i32
    %dma_wait3A_400 = tpu.memref_slice %arg5[%dma_wait3A_398, %dma_wait3A_399] : memref<16x2944xf32, #tpu.memory_space<vmem>> -> memref<16x2048xf32, #tpu.memory_space<vmem>>
    tpu.wait_dma2 semaphore(%arg7 : memref<!tpu.dma_semaphore, #tpu.memory_space<semaphore_mem>>) src(%dma_wait3A_400 : memref<16x2048xf32, #tpu.memory_space<vmem>>) dst(%dma_wait3A_397 : memref<16x2048xf32, #tpu.memory_space<hbm>>)
    %dma_wait3A_401 = arith.constant 0 : i32
    %dma_wait3A_402 = arith.constant 0 : i32
    %dma_wait3A_403 = arith.constant 0 : i32
    %dma_wait3A_404 = tpu.memref_slice %arg5[%dma_wait3A_402, %dma_wait3A_403] : memref<16x2944xf32, #tpu.memory_space<vmem>> -> memref<16x2048xf32, #tpu.memory_space<vmem>>
    %dma_wait3A_405 = arith.constant 0 : i32
    %dma_wait3A_406 = arith.constant 0 : i32
    %dma_wait3A_407 = tpu.memref_slice %arg3[%dma_wait3A_401, %dma_wait3A_405, %dma_wait3A_406] : memref<16x2048x2048xf32, #tpu.memory_space<hbm>> -> memref<1x16x2048xf32, #tpu.memory_space<hbm>>
    %dma_wait3A_408 = tpu.memref_squeeze %dma_wait3A_407 : memref<1x16x2048xf32, #tpu.memory_space<hbm>> -> memref<16x2048xf32, #tpu.memory_space<hbm>>
    %dma_wait3A_409 = arith.constant 0 : i32
    %dma_wait3A_410 = arith.constant 0 : i32
    %dma_wait3A_411 = tpu.memref_slice %arg3[%dma_wait3A_401, %dma_wait3A_409, %dma_wait3A_410] : memref<16x2048x2048xf32, #tpu.memory_space<hbm>> -> memref<1x16x2048xf32, #tpu.memory_space<hbm>>
    %dma_wait3A_412 = tpu.memref_squeeze %dma_wait3A_411 : memref<1x16x2048xf32, #tpu.memory_space<hbm>> -> memref<16x2048xf32, #tpu.memory_space<hbm>>
    %dma_wait3A_413 = arith.constant 0 : i32
    %dma_wait3A_414 = arith.constant 0 : i32
    %dma_wait3A_415 = tpu.memref_slice %arg5[%dma_wait3A_413, %dma_wait3A_414] : memref<16x2944xf32, #tpu.memory_space<vmem>> -> memref<16x2048xf32, #tpu.memory_space<vmem>>
    tpu.wait_dma2 semaphore(%arg7 : memref<!tpu.dma_semaphore, #tpu.memory_space<semaphore_mem>>) src(%dma_wait3A_415 : memref<16x2048xf32, #tpu.memory_space<vmem>>) dst(%dma_wait3A_412 : memref<16x2048xf32, #tpu.memory_space<hbm>>)
    %dma_wait3A_416 = arith.constant 0 : i32
    %dma_wait3A_417 = arith.constant 0 : i32
    %dma_wait3A_418 = arith.constant 0 : i32
    %dma_wait3A_419 = tpu.memref_slice %arg5[%dma_wait3A_417, %dma_wait3A_418] : memref<16x2944xf32, #tpu.memory_space<vmem>> -> memref<16x2048xf32, #tpu.memory_space<vmem>>
    %dma_wait3A_420 = arith.constant 0 : i32
    %dma_wait3A_421 = arith.constant 0 : i32
    %dma_wait3A_422 = tpu.memref_slice %arg3[%dma_wait3A_416, %dma_wait3A_420, %dma_wait3A_421] : memref<16x2048x2048xf32, #tpu.memory_space<hbm>> -> memref<1x16x2048xf32, #tpu.memory_space<hbm>>
    %dma_wait3A_423 = tpu.memref_squeeze %dma_wait3A_422 : memref<1x16x2048xf32, #tpu.memory_space<hbm>> -> memref<16x2048xf32, #tpu.memory_space<hbm>>
    %dma_wait3A_424 = arith.constant 0 : i32
    %dma_wait3A_425 = arith.constant 0 : i32
    %dma_wait3A_426 = tpu.memref_slice %arg3[%dma_wait3A_416, %dma_wait3A_424, %dma_wait3A_425] : memref<16x2048x2048xf32, #tpu.memory_space<hbm>> -> memref<1x16x2048xf32, #tpu.memory_space<hbm>>
    %dma_wait3A_427 = tpu.memref_squeeze %dma_wait3A_426 : memref<1x16x2048xf32, #tpu.memory_space<hbm>> -> memref<16x2048xf32, #tpu.memory_space<hbm>>
    %dma_wait3A_428 = arith.constant 0 : i32
    %dma_wait3A_429 = arith.constant 0 : i32
    %dma_wait3A_430 = tpu.memref_slice %arg5[%dma_wait3A_428, %dma_wait3A_429] : memref<16x2944xf32, #tpu.memory_space<vmem>> -> memref<16x2048xf32, #tpu.memory_space<vmem>>
    tpu.wait_dma2 semaphore(%arg7 : memref<!tpu.dma_semaphore, #tpu.memory_space<semaphore_mem>>) src(%dma_wait3A_430 : memref<16x2048xf32, #tpu.memory_space<vmem>>) dst(%dma_wait3A_427 : memref<16x2048xf32, #tpu.memory_space<hbm>>)
    %dma_wait3A_431 = arith.constant 0 : i32
    %dma_wait3A_432 = arith.constant 0 : i32
    %dma_wait3A_433 = arith.constant 0 : i32
    %dma_wait3A_434 = tpu.memref_slice %arg5[%dma_wait3A_432, %dma_wait3A_433] : memref<16x2944xf32, #tpu.memory_space<vmem>> -> memref<16x2048xf32, #tpu.memory_space<vmem>>
    %dma_wait3A_435 = arith.constant 0 : i32
    %dma_wait3A_436 = arith.constant 0 : i32
    %dma_wait3A_437 = tpu.memref_slice %arg3[%dma_wait3A_431, %dma_wait3A_435, %dma_wait3A_436] : memref<16x2048x2048xf32, #tpu.memory_space<hbm>> -> memref<1x16x2048xf32, #tpu.memory_space<hbm>>
    %dma_wait3A_438 = tpu.memref_squeeze %dma_wait3A_437 : memref<1x16x2048xf32, #tpu.memory_space<hbm>> -> memref<16x2048xf32, #tpu.memory_space<hbm>>
    %dma_wait3A_439 = arith.constant 0 : i32
    %dma_wait3A_440 = arith.constant 0 : i32
    %dma_wait3A_441 = tpu.memref_slice %arg3[%dma_wait3A_431, %dma_wait3A_439, %dma_wait3A_440] : memref<16x2048x2048xf32, #tpu.memory_space<hbm>> -> memref<1x16x2048xf32, #tpu.memory_space<hbm>>
    %dma_wait3A_442 = tpu.memref_squeeze %dma_wait3A_441 : memref<1x16x2048xf32, #tpu.memory_space<hbm>> -> memref<16x2048xf32, #tpu.memory_space<hbm>>
    %dma_wait3A_443 = arith.constant 0 : i32
    %dma_wait3A_444 = arith.constant 0 : i32
    %dma_wait3A_445 = tpu.memref_slice %arg5[%dma_wait3A_443, %dma_wait3A_444] : memref<16x2944xf32, #tpu.memory_space<vmem>> -> memref<16x2048xf32, #tpu.memory_space<vmem>>
    tpu.wait_dma2 semaphore(%arg7 : memref<!tpu.dma_semaphore, #tpu.memory_space<semaphore_mem>>) src(%dma_wait3A_445 : memref<16x2048xf32, #tpu.memory_space<vmem>>) dst(%dma_wait3A_442 : memref<16x2048xf32, #tpu.memory_space<hbm>>)
    %dma_wait3A_446 = arith.constant 0 : i32
    %dma_wait3A_447 = arith.constant 0 : i32
    %dma_wait3A_448 = arith.constant 0 : i32
    %dma_wait3A_449 = tpu.memref_slice %arg5[%dma_wait3A_447, %dma_wait3A_448] : memref<16x2944xf32, #tpu.memory_space<vmem>> -> memref<16x2048xf32, #tpu.memory_space<vmem>>
    %dma_wait3A_450 = arith.constant 0 : i32
    %dma_wait3A_451 = arith.constant 0 : i32
    %dma_wait3A_452 = tpu.memref_slice %arg3[%dma_wait3A_446, %dma_wait3A_450, %dma_wait3A_451] : memref<16x2048x2048xf32, #tpu.memory_space<hbm>> -> memref<1x16x2048xf32, #tpu.memory_space<hbm>>
    %dma_wait3A_453 = tpu.memref_squeeze %dma_wait3A_452 : memref<1x16x2048xf32, #tpu.memory_space<hbm>> -> memref<16x2048xf32, #tpu.memory_space<hbm>>
    %dma_wait3A_454 = arith.constant 0 : i32
    %dma_wait3A_455 = arith.constant 0 : i32
    %dma_wait3A_456 = tpu.memref_slice %arg3[%dma_wait3A_446, %dma_wait3A_454, %dma_wait3A_455] : memref<16x2048x2048xf32, #tpu.memory_space<hbm>> -> memref<1x16x2048xf32, #tpu.memory_space<hbm>>
    %dma_wait3A_457 = tpu.memref_squeeze %dma_wait3A_456 : memref<1x16x2048xf32, #tpu.memory_space<hbm>> -> memref<16x2048xf32, #tpu.memory_space<hbm>>
    %dma_wait3A_458 = arith.constant 0 : i32
    %dma_wait3A_459 = arith.constant 0 : i32
    %dma_wait3A_460 = tpu.memref_slice %arg5[%dma_wait3A_458, %dma_wait3A_459] : memref<16x2944xf32, #tpu.memory_space<vmem>> -> memref<16x2048xf32, #tpu.memory_space<vmem>>
    tpu.wait_dma2 semaphore(%arg7 : memref<!tpu.dma_semaphore, #tpu.memory_space<semaphore_mem>>) src(%dma_wait3A_460 : memref<16x2048xf32, #tpu.memory_space<vmem>>) dst(%dma_wait3A_457 : memref<16x2048xf32, #tpu.memory_space<hbm>>)
    %sub3A_461 = arith.constant 2480 : i32
    %sub3A_462 = arith.subi %sub3A_461, %mul3A_36 : i32
    %scan3A_463 = arith.constant 0 : i32
    %scan3A_464 = arith.constant 0 : i32
    %scan3A_465 = arith.constant 16 : i32
    %scan3A_466 = arith.addi %scan3A_464, %scan3A_465 : i32
    %scan3A_467 = arith.constant 1 : i32
    %scan3A_468 = scf.for %scan3A_1125 = %scan3A_464 to %scan3A_466 step %scan3A_467 iter_args(%scan3A_1126 = %scan3A_463) -> (i32)  : i32 {
      %add3A_1127 = arith.addi %sub3A_462, %scan3A_1125 : i32
      %sub3A_1128 = arith.constant 1024 : i32
      %sub3A_1129 = arith.subi %add3A_1127, %sub3A_1128 : i32
      %jit3A_1130 = arith.constant 16 : i32
      %div3A_1131 = arith.divsi %sub3A_1129, %jit3A_1130 : i32
      %sign3A_1132 = arith.constant 0 : i32
      %sign3A_1133 = arith.cmpi sgt, %sub3A_1129, %sign3A_1132 : i32
      %sign3A_1134 = arith.extui %sign3A_1133 : i1 to i32
      %sign3A_1135 = arith.constant 0 : i32
      %sign3A_1136 = arith.cmpi slt, %sub3A_1129, %sign3A_1135 : i32
      %sign3A_1137 = arith.extui %sign3A_1136 : i1 to i32
      %sign3A_1138 = arith.subi %sign3A_1134, %sign3A_1137 : i32
      %sign3A_1139 = arith.constant 0 : i32
      %sign3A_1140 = arith.cmpi sgt, %jit3A_1130, %sign3A_1139 : i32
      %sign3A_1141 = arith.extui %sign3A_1140 : i1 to i32
      %sign3A_1142 = arith.constant 0 : i32
      %sign3A_1143 = arith.cmpi slt, %jit3A_1130, %sign3A_1142 : i32
      %sign3A_1144 = arith.extui %sign3A_1143 : i1 to i32
      %sign3A_1145 = arith.subi %sign3A_1141, %sign3A_1144 : i32
      %ne3A_1146 = arith.cmpi ne, %sign3A_1138, %sign3A_1145 : i32
      %rem3A_1147 = arith.remsi %sub3A_1129, %jit3A_1130 : i32
      %ne3A_1148 = arith.constant 0 : i32
      %ne3A_1149 = arith.cmpi ne, %rem3A_1147, %ne3A_1148 : i32
      %and3A_1150 = arith.andi %ne3A_1146, %ne3A_1149 : i1
      %sub3A_1151 = arith.constant 1 : i32
      %sub3A_1152 = arith.subi %div3A_1131, %sub3A_1151 : i32
      %select_n3A_1153 = arith.select %and3A_1150, %sub3A_1152, %div3A_1131 : i32
      %add3A_1154 = arith.constant 15 : i32
      %add3A_1155 = arith.addi %add3A_1127, %add3A_1154 : i32
      %jit3A_1156 = arith.constant 16 : i32
      %div3A_1157 = arith.divsi %add3A_1155, %jit3A_1156 : i32
      %sign3A_1158 = arith.constant 0 : i32
      %sign3A_1159 = arith.cmpi sgt, %add3A_1155, %sign3A_1158 : i32
      %sign3A_1160 = arith.extui %sign3A_1159 : i1 to i32
      %sign3A_1161 = arith.constant 0 : i32
      %sign3A_1162 = arith.cmpi slt, %add3A_1155, %sign3A_1161 : i32
      %sign3A_1163 = arith.extui %sign3A_1162 : i1 to i32
      %sign3A_1164 = arith.subi %sign3A_1160, %sign3A_1163 : i32
      %sign3A_1165 = arith.constant 0 : i32
      %sign3A_1166 = arith.cmpi sgt, %jit3A_1156, %sign3A_1165 : i32
      %sign3A_1167 = arith.extui %sign3A_1166 : i1 to i32
      %sign3A_1168 = arith.constant 0 : i32
      %sign3A_1169 = arith.cmpi slt, %jit3A_1156, %sign3A_1168 : i32
      %sign3A_1170 = arith.extui %sign3A_1169 : i1 to i32
      %sign3A_1171 = arith.subi %sign3A_1167, %sign3A_1170 : i32
      %ne3A_1172 = arith.cmpi ne, %sign3A_1164, %sign3A_1171 : i32
      %rem3A_1173 = arith.remsi %add3A_1155, %jit3A_1156 : i32
      %ne3A_1174 = arith.constant 0 : i32
      %ne3A_1175 = arith.cmpi ne, %rem3A_1173, %ne3A_1174 : i32
      %and3A_1176 = arith.andi %ne3A_1172, %ne3A_1175 : i1
      %sub3A_1177 = arith.constant 1 : i32
      %sub3A_1178 = arith.subi %div3A_1157, %sub3A_1177 : i32
      %select_n3A_1179 = arith.select %and3A_1176, %sub3A_1178, %div3A_1157 : i32
      %add3A_1180 = arith.constant 2 : i32
      %add3A_1181 = arith.addi %select_n3A_1179, %add3A_1180 : i32
      %while3A = arith.constant 0 : i32
      %while3A_1182 = arith.subi %add3A_1181, %select_n3A_1153 : i32
      %while3A_1183 = arith.addi %select_n3A_1153, %while3A_1182 : i32
      %while3A_1184 = arith.constant 1 : i32
      %while3A_1185 = arith.divsi %while3A_1182, %while3A_1184 : i32
      %while3A_1186 = arith.muli %while3A_1185, %while3A_1184 : i32
      %while3A_1187 = arith.addi %select_n3A_1153, %while3A_1186 : i32
      %while3A_1188 = arith.constant 1 : i32
      %while3A_1189 = scf.for %while3A_1193 = %select_n3A_1153 to %while3A_1187 step %while3A_1188 iter_args(%while3A_1194 = %while3A) -> (i32)  : i32 {
        %mul3A_1195 = arith.constant 16 : i32
        %mul3A_1196 = arith.muli %while3A_1193, %mul3A_1195 : i32
        %sub3A_1197 = arith.subi %add3A_1127, %mul3A_1196 : i32
        %sub3A_1198 = vector.broadcast %sub3A_1197 : i32 to vector<16xi32>
        %sub3A_1199 = arith.subi %sub3A_1198, %iota3A : vector<16xi32>
        %jit3A_1200 = arith.constant 0 : i32
        %jit3A_1201 = arith.constant 1024 : i32
        %max3A = vector.broadcast %jit3A_1200 : i32 to vector<16xi32>
        %max3A_1202 = arith.maxsi %max3A, %sub3A_1199 : vector<16xi32>
        %min3A = vector.broadcast %jit3A_1201 : i32 to vector<16xi32>
        %min3A_1203 = arith.minsi %min3A, %max3A_1202 : vector<16xi32>
        %gather3A = tpu.vector_load_idx %arg4[%min3A_1203] : memref<1152xf32, #tpu.memory_space<vmem>>[vector<16xi32>], vector<16xf32>,
        %swap3A = arith.index_cast %scan3A_1125 : i32 to index
        %swap3A_1204 = arith.index_cast %mul3A_1196 : i32 to index
        %swap3A_1205 = tpu.vector_load %arg5[%swap3A, %swap3A_1204] {strides = array<i32>} : memref<16x2944xf32, #tpu.memory_space<vmem>>, vector<16xf32>,
        tpu.vector_store %arg5[%swap3A, %swap3A_1204], %gather3A {strides = array<i32>} : memref<16x2944xf32, #tpu.memory_space<vmem>>, vector<16xf32>,
        %while3A_1206 = arith.constant 0 : i32
        scf.yield %while3A_1206 : i32
      }
      %while3A_1190 = arith.constant 1 : i32
      %while3A_1191 = scf.for %while3A_1193 = %while3A_1187 to %while3A_1183 step %while3A_1190 iter_args(%while3A_1194 = %while3A_1189) -> (i32)  : i32 {
        %mul3A_1195 = arith.constant 16 : i32
        %mul3A_1196 = arith.muli %while3A_1193, %mul3A_1195 : i32
        %sub3A_1197 = arith.subi %add3A_1127, %mul3A_1196 : i32
        %sub3A_1198 = vector.broadcast %sub3A_1197 : i32 to vector<16xi32>
        %sub3A_1199 = arith.subi %sub3A_1198, %iota3A : vector<16xi32>
        %jit3A_1200 = arith.constant 0 : i32
        %jit3A_1201 = arith.constant 1024 : i32
        %max3A = vector.broadcast %jit3A_1200 : i32 to vector<16xi32>
        %max3A_1202 = arith.maxsi %max3A, %sub3A_1199 : vector<16xi32>
        %min3A = vector.broadcast %jit3A_1201 : i32 to vector<16xi32>
        %min3A_1203 = arith.minsi %min3A, %max3A_1202 : vector<16xi32>
        %gather3A = tpu.vector_load_idx %arg4[%min3A_1203] : memref<1152xf32, #tpu.memory_space<vmem>>[vector<16xi32>], vector<16xf32>,
        %swap3A = arith.index_cast %scan3A_1125 : i32 to index
        %swap3A_1204 = arith.index_cast %mul3A_1196 : i32 to index
        %swap3A_1205 = tpu.vector_load %arg5[%swap3A, %swap3A_1204] {strides = array<i32>} : memref<16x2944xf32, #tpu.memory_space<vmem>>, vector<16xf32>,
        tpu.vector_store %arg5[%swap3A, %swap3A_1204], %gather3A {strides = array<i32>} : memref<16x2944xf32, #tpu.memory_space<vmem>>, vector<16xf32>,
        %while3A_1206 = arith.constant 0 : i32
        scf.yield %while3A_1206 : i32
      }
      %scan3A_1192 = arith.constant 0 : i32
      scf.yield %scan3A_1192 : i32
    }
    %scan3A_469 = arith.constant 16 : i32
    %scan3A_470 = arith.constant 0 : i32
    %scan3A_471 = arith.constant 0 : i32
    %scan3A_472 = arith.constant 8 : i32
    %scan3A_473 = arith.addi %scan3A_471, %scan3A_472 : i32
    %scan3A_474 = arith.constant 1 : i32
    %scan3A_475 = scf.for %scan3A_1125 = %scan3A_471 to %scan3A_473 step %scan3A_474 iter_args(%scan3A_1126 = %scan3A_470) -> (i32)  : i32 {
      %mul3A_1127 = arith.constant 128 : i32
      %mul3A_1128 = arith.muli %mul3A_1127, %scan3A_1125 : i32
      %sub3A_1129 = arith.constant 896 : i32
      %sub3A_1130 = arith.subi %sub3A_1129, %mul3A_1128 : i32
      %multiple_of3A = tpu.assume_multiple %sub3A_1130, 128 : i32
      %mul3A_1131 = arith.constant 8 : i32
      %mul3A_1132 = arith.muli %mul3A_1131, %scan3A_1125 : i32
      %add3A_1133 = arith.constant 3 : i32
      %add3A_1134 = arith.addi %add3A_1133, %mul3A_1132 : i32
      %mul3A_1135 = arith.constant 16 : i32
      %mul3A_1136 = arith.muli %add3A_1134, %mul3A_1135 : i32
      %add3A_1137 = arith.addi %mul3A_32, %mul3A_1136 : i32
      %multiple_of3A_1138 = tpu.assume_multiple %add3A_1137, 16 : i32
      %dma_start3A = arith.constant 0 : i32
      %dma_start3A_1139 = tpu.memref_slice %arg5[%dma_start3A, %multiple_of3A] : memref<16x2944xf32, #tpu.memory_space<vmem>> -> memref<16x2048xf32, #tpu.memory_space<vmem>>
      %dma_start3A_1140 = arith.constant 0 : i32
      %dma_start3A_1141 = tpu.memref_slice %arg3[%select_n3A, %multiple_of3A_1138, %dma_start3A_1140] : memref<16x2048x2048xf32, #tpu.memory_space<hbm>> -> memref<1x16x2048xf32, #tpu.memory_space<hbm>>
      %dma_start3A_1142 = tpu.memref_squeeze %dma_start3A_1141 : memref<1x16x2048xf32, #tpu.memory_space<hbm>> -> memref<16x2048xf32, #tpu.memory_space<hbm>>
      %dma_start3A_1143 = arith.constant 0 : i32
      %dma_start3A_1144 = tpu.memref_slice %arg3[%select_n3A, %multiple_of3A_1138, %dma_start3A_1143] : memref<16x2048x2048xf32, #tpu.memory_space<hbm>> -> memref<1x16x2048xf32, #tpu.memory_space<hbm>>
      %dma_start3A_1145 = tpu.memref_squeeze %dma_start3A_1144 : memref<1x16x2048xf32, #tpu.memory_space<hbm>> -> memref<16x2048xf32, #tpu.memory_space<hbm>>
      %dma_start3A_1146 = arith.constant 0 : i32
      %dma_start3A_1147 = tpu.memref_slice %arg5[%dma_start3A_1146, %multiple_of3A] : memref<16x2944xf32, #tpu.memory_space<vmem>> -> memref<16x2048xf32, #tpu.memory_space<vmem>>
      tpu.enqueue_dma source(%dma_start3A_1147 : memref<16x2048xf32, #tpu.memory_space<vmem>>) target(%dma_start3A_1145 : memref<16x2048xf32, #tpu.memory_space<hbm>>) target_semaphore(%arg7 : memref<!tpu.dma_semaphore, #tpu.memory_space<semaphore_mem>>)
      %scan3A_1148 = arith.constant 0 : i32
      scf.yield %scan3A_1148 : i32
    }
    %scan3A_476 = arith.constant 8 : i32
    %dma_wait3A_477 = arith.constant 0 : i32
    %dma_wait3A_478 = arith.constant 0 : i32
    %dma_wait3A_479 = arith.constant 0 : i32
    %dma_wait3A_480 = tpu.memref_slice %arg5[%dma_wait3A_478, %dma_wait3A_479] : memref<16x2944xf32, #tpu.memory_space<vmem>> -> memref<16x2048xf32, #tpu.memory_space<vmem>>
    %dma_wait3A_481 = arith.constant 0 : i32
    %dma_wait3A_482 = arith.constant 0 : i32
    %dma_wait3A_483 = tpu.memref_slice %arg3[%dma_wait3A_477, %dma_wait3A_481, %dma_wait3A_482] : memref<16x2048x2048xf32, #tpu.memory_space<hbm>> -> memref<1x16x2048xf32, #tpu.memory_space<hbm>>
    %dma_wait3A_484 = tpu.memref_squeeze %dma_wait3A_483 : memref<1x16x2048xf32, #tpu.memory_space<hbm>> -> memref<16x2048xf32, #tpu.memory_space<hbm>>
    %dma_wait3A_485 = arith.constant 0 : i32
    %dma_wait3A_486 = arith.constant 0 : i32
    %dma_wait3A_487 = tpu.memref_slice %arg3[%dma_wait3A_477, %dma_wait3A_485, %dma_wait3A_486] : memref<16x2048x2048xf32, #tpu.memory_space<hbm>> -> memref<1x16x2048xf32, #tpu.memory_space<hbm>>
    %dma_wait3A_488 = tpu.memref_squeeze %dma_wait3A_487 : memref<1x16x2048xf32, #tpu.memory_space<hbm>> -> memref<16x2048xf32, #tpu.memory_space<hbm>>
    %dma_wait3A_489 = arith.constant 0 : i32
    %dma_wait3A_490 = arith.constant 0 : i32
    %dma_wait3A_491 = tpu.memref_slice %arg5[%dma_wait3A_489, %dma_wait3A_490] : memref<16x2944xf32, #tpu.memory_space<vmem>> -> memref<16x2048xf32, #tpu.memory_space<vmem>>
    tpu.wait_dma2 semaphore(%arg8 : memref<!tpu.dma_semaphore, #tpu.memory_space<semaphore_mem>>) src(%dma_wait3A_491 : memref<16x2048xf32, #tpu.memory_space<vmem>>) dst(%dma_wait3A_488 : memref<16x2048xf32, #tpu.memory_space<hbm>>)
    %dma_wait3A_492 = arith.constant 0 : i32
    %dma_wait3A_493 = arith.constant 0 : i32
    %dma_wait3A_494 = arith.constant 0 : i32
    %dma_wait3A_495 = tpu.memref_slice %arg5[%dma_wait3A_493, %dma_wait3A_494] : memref<16x2944xf32, #tpu.memory_space<vmem>> -> memref<16x2048xf32, #tpu.memory_space<vmem>>
    %dma_wait3A_496 = arith.constant 0 : i32
    %dma_wait3A_497 = arith.constant 0 : i32
    %dma_wait3A_498 = tpu.memref_slice %arg3[%dma_wait3A_492, %dma_wait3A_496, %dma_wait3A_497] : memref<16x2048x2048xf32, #tpu.memory_space<hbm>> -> memref<1x16x2048xf32, #tpu.memory_space<hbm>>
    %dma_wait3A_499 = tpu.memref_squeeze %dma_wait3A_498 : memref<1x16x2048xf32, #tpu.memory_space<hbm>> -> memref<16x2048xf32, #tpu.memory_space<hbm>>
    %dma_wait3A_500 = arith.constant 0 : i32
    %dma_wait3A_501 = arith.constant 0 : i32
    %dma_wait3A_502 = tpu.memref_slice %arg3[%dma_wait3A_492, %dma_wait3A_500, %dma_wait3A_501] : memref<16x2048x2048xf32, #tpu.memory_space<hbm>> -> memref<1x16x2048xf32, #tpu.memory_space<hbm>>
    %dma_wait3A_503 = tpu.memref_squeeze %dma_wait3A_502 : memref<1x16x2048xf32, #tpu.memory_space<hbm>> -> memref<16x2048xf32, #tpu.memory_space<hbm>>
    %dma_wait3A_504 = arith.constant 0 : i32
    %dma_wait3A_505 = arith.constant 0 : i32
    %dma_wait3A_506 = tpu.memref_slice %arg5[%dma_wait3A_504, %dma_wait3A_505] : memref<16x2944xf32, #tpu.memory_space<vmem>> -> memref<16x2048xf32, #tpu.memory_space<vmem>>
    tpu.wait_dma2 semaphore(%arg8 : memref<!tpu.dma_semaphore, #tpu.memory_space<semaphore_mem>>) src(%dma_wait3A_506 : memref<16x2048xf32, #tpu.memory_space<vmem>>) dst(%dma_wait3A_503 : memref<16x2048xf32, #tpu.memory_space<hbm>>)
    %dma_wait3A_507 = arith.constant 0 : i32
    %dma_wait3A_508 = arith.constant 0 : i32
    %dma_wait3A_509 = arith.constant 0 : i32
    %dma_wait3A_510 = tpu.memref_slice %arg5[%dma_wait3A_508, %dma_wait3A_509] : memref<16x2944xf32, #tpu.memory_space<vmem>> -> memref<16x2048xf32, #tpu.memory_space<vmem>>
    %dma_wait3A_511 = arith.constant 0 : i32
    %dma_wait3A_512 = arith.constant 0 : i32
    %dma_wait3A_513 = tpu.memref_slice %arg3[%dma_wait3A_507, %dma_wait3A_511, %dma_wait3A_512] : memref<16x2048x2048xf32, #tpu.memory_space<hbm>> -> memref<1x16x2048xf32, #tpu.memory_space<hbm>>
    %dma_wait3A_514 = tpu.memref_squeeze %dma_wait3A_513 : memref<1x16x2048xf32, #tpu.memory_space<hbm>> -> memref<16x2048xf32, #tpu.memory_space<hbm>>
    %dma_wait3A_515 = arith.constant 0 : i32
    %dma_wait3A_516 = arith.constant 0 : i32
    %dma_wait3A_517 = tpu.memref_slice %arg3[%dma_wait3A_507, %dma_wait3A_515, %dma_wait3A_516] : memref<16x2048x2048xf32, #tpu.memory_space<hbm>> -> memref<1x16x2048xf32, #tpu.memory_space<hbm>>
    %dma_wait3A_518 = tpu.memref_squeeze %dma_wait3A_517 : memref<1x16x2048xf32, #tpu.memory_space<hbm>> -> memref<16x2048xf32, #tpu.memory_space<hbm>>
    %dma_wait3A_519 = arith.constant 0 : i32
    %dma_wait3A_520 = arith.constant 0 : i32
    %dma_wait3A_521 = tpu.memref_slice %arg5[%dma_wait3A_519, %dma_wait3A_520] : memref<16x2944xf32, #tpu.memory_space<vmem>> -> memref<16x2048xf32, #tpu.memory_space<vmem>>
    tpu.wait_dma2 semaphore(%arg8 : memref<!tpu.dma_semaphore, #tpu.memory_space<semaphore_mem>>) src(%dma_wait3A_521 : memref<16x2048xf32, #tpu.memory_space<vmem>>) dst(%dma_wait3A_518 : memref<16x2048xf32, #tpu.memory_space<hbm>>)
    %dma_wait3A_522 = arith.constant 0 : i32
    %dma_wait3A_523 = arith.constant 0 : i32
    %dma_wait3A_524 = arith.constant 0 : i32
    %dma_wait3A_525 = tpu.memref_slice %arg5[%dma_wait3A_523, %dma_wait3A_524] : memref<16x2944xf32, #tpu.memory_space<vmem>> -> memref<16x2048xf32, #tpu.memory_space<vmem>>
    %dma_wait3A_526 = arith.constant 0 : i32
    %dma_wait3A_527 = arith.constant 0 : i32
    %dma_wait3A_528 = tpu.memref_slice %arg3[%dma_wait3A_522, %dma_wait3A_526, %dma_wait3A_527] : memref<16x2048x2048xf32, #tpu.memory_space<hbm>> -> memref<1x16x2048xf32, #tpu.memory_space<hbm>>
    %dma_wait3A_529 = tpu.memref_squeeze %dma_wait3A_528 : memref<1x16x2048xf32, #tpu.memory_space<hbm>> -> memref<16x2048xf32, #tpu.memory_space<hbm>>
    %dma_wait3A_530 = arith.constant 0 : i32
    %dma_wait3A_531 = arith.constant 0 : i32
    %dma_wait3A_532 = tpu.memref_slice %arg3[%dma_wait3A_522, %dma_wait3A_530, %dma_wait3A_531] : memref<16x2048x2048xf32, #tpu.memory_space<hbm>> -> memref<1x16x2048xf32, #tpu.memory_space<hbm>>
    %dma_wait3A_533 = tpu.memref_squeeze %dma_wait3A_532 : memref<1x16x2048xf32, #tpu.memory_space<hbm>> -> memref<16x2048xf32, #tpu.memory_space<hbm>>
    %dma_wait3A_534 = arith.constant 0 : i32
    %dma_wait3A_535 = arith.constant 0 : i32
    %dma_wait3A_536 = tpu.memref_slice %arg5[%dma_wait3A_534, %dma_wait3A_535] : memref<16x2944xf32, #tpu.memory_space<vmem>> -> memref<16x2048xf32, #tpu.memory_space<vmem>>
    tpu.wait_dma2 semaphore(%arg8 : memref<!tpu.dma_semaphore, #tpu.memory_space<semaphore_mem>>) src(%dma_wait3A_536 : memref<16x2048xf32, #tpu.memory_space<vmem>>) dst(%dma_wait3A_533 : memref<16x2048xf32, #tpu.memory_space<hbm>>)
    %dma_wait3A_537 = arith.constant 0 : i32
    %dma_wait3A_538 = arith.constant 0 : i32
    %dma_wait3A_539 = arith.constant 0 : i32
    %dma_wait3A_540 = tpu.memref_slice %arg5[%dma_wait3A_538, %dma_wait3A_539] : memref<16x2944xf32, #tpu.memory_space<vmem>> -> memref<16x2048xf32, #tpu.memory_space<vmem>>
    %dma_wait3A_541 = arith.constant 0 : i32
    %dma_wait3A_542 = arith.constant 0 : i32
    %dma_wait3A_543 = tpu.memref_slice %arg3[%dma_wait3A_537, %dma_wait3A_541, %dma_wait3A_542] : memref<16x2048x2048xf32, #tpu.memory_space<hbm>> -> memref<1x16x2048xf32, #tpu.memory_space<hbm>>
    %dma_wait3A_544 = tpu.memref_squeeze %dma_wait3A_543 : memref<1x16x2048xf32, #tpu.memory_space<hbm>> -> memref<16x2048xf32, #tpu.memory_space<hbm>>
    %dma_wait3A_545 = arith.constant 0 : i32
    %dma_wait3A_546 = arith.constant 0 : i32
    %dma_wait3A_547 = tpu.memref_slice %arg3[%dma_wait3A_537, %dma_wait3A_545, %dma_wait3A_546] : memref<16x2048x2048xf32, #tpu.memory_space<hbm>> -> memref<1x16x2048xf32, #tpu.memory_space<hbm>>
    %dma_wait3A_548 = tpu.memref_squeeze %dma_wait3A_547 : memref<1x16x2048xf32, #tpu.memory_space<hbm>> -> memref<16x2048xf32, #tpu.memory_space<hbm>>
    %dma_wait3A_549 = arith.constant 0 : i32
    %dma_wait3A_550 = arith.constant 0 : i32
    %dma_wait3A_551 = tpu.memref_slice %arg5[%dma_wait3A_549, %dma_wait3A_550] : memref<16x2944xf32, #tpu.memory_space<vmem>> -> memref<16x2048xf32, #tpu.memory_space<vmem>>
    tpu.wait_dma2 semaphore(%arg8 : memref<!tpu.dma_semaphore, #tpu.memory_space<semaphore_mem>>) src(%dma_wait3A_551 : memref<16x2048xf32, #tpu.memory_space<vmem>>) dst(%dma_wait3A_548 : memref<16x2048xf32, #tpu.memory_space<hbm>>)
    %dma_wait3A_552 = arith.constant 0 : i32
    %dma_wait3A_553 = arith.constant 0 : i32
    %dma_wait3A_554 = arith.constant 0 : i32
    %dma_wait3A_555 = tpu.memref_slice %arg5[%dma_wait3A_553, %dma_wait3A_554] : memref<16x2944xf32, #tpu.memory_space<vmem>> -> memref<16x2048xf32, #tpu.memory_space<vmem>>
    %dma_wait3A_556 = arith.constant 0 : i32
    %dma_wait3A_557 = arith.constant 0 : i32
    %dma_wait3A_558 = tpu.memref_slice %arg3[%dma_wait3A_552, %dma_wait3A_556, %dma_wait3A_557] : memref<16x2048x2048xf32, #tpu.memory_space<hbm>> -> memref<1x16x2048xf32, #tpu.memory_space<hbm>>
    %dma_wait3A_559 = tpu.memref_squeeze %dma_wait3A_558 : memref<1x16x2048xf32, #tpu.memory_space<hbm>> -> memref<16x2048xf32, #tpu.memory_space<hbm>>
    %dma_wait3A_560 = arith.constant 0 : i32
    %dma_wait3A_561 = arith.constant 0 : i32
    %dma_wait3A_562 = tpu.memref_slice %arg3[%dma_wait3A_552, %dma_wait3A_560, %dma_wait3A_561] : memref<16x2048x2048xf32, #tpu.memory_space<hbm>> -> memref<1x16x2048xf32, #tpu.memory_space<hbm>>
    %dma_wait3A_563 = tpu.memref_squeeze %dma_wait3A_562 : memref<1x16x2048xf32, #tpu.memory_space<hbm>> -> memref<16x2048xf32, #tpu.memory_space<hbm>>
    %dma_wait3A_564 = arith.constant 0 : i32
    %dma_wait3A_565 = arith.constant 0 : i32
    %dma_wait3A_566 = tpu.memref_slice %arg5[%dma_wait3A_564, %dma_wait3A_565] : memref<16x2944xf32, #tpu.memory_space<vmem>> -> memref<16x2048xf32, #tpu.memory_space<vmem>>
    tpu.wait_dma2 semaphore(%arg8 : memref<!tpu.dma_semaphore, #tpu.memory_space<semaphore_mem>>) src(%dma_wait3A_566 : memref<16x2048xf32, #tpu.memory_space<vmem>>) dst(%dma_wait3A_563 : memref<16x2048xf32, #tpu.memory_space<hbm>>)
    %dma_wait3A_567 = arith.constant 0 : i32
    %dma_wait3A_568 = arith.constant 0 : i32
    %dma_wait3A_569 = arith.constant 0 : i32
    %dma_wait3A_570 = tpu.memref_slice %arg5[%dma_wait3A_568, %dma_wait3A_569] : memref<16x2944xf32, #tpu.memory_space<vmem>> -> memref<16x2048xf32, #tpu.memory_space<vmem>>
    %dma_wait3A_571 = arith.constant 0 : i32
    %dma_wait3A_572 = arith.constant 0 : i32
    %dma_wait3A_573 = tpu.memref_slice %arg3[%dma_wait3A_567, %dma_wait3A_571, %dma_wait3A_572] : memref<16x2048x2048xf32, #tpu.memory_space<hbm>> -> memref<1x16x2048xf32, #tpu.memory_space<hbm>>
    %dma_wait3A_574 = tpu.memref_squeeze %dma_wait3A_573 : memref<1x16x2048xf32, #tpu.memory_space<hbm>> -> memref<16x2048xf32, #tpu.memory_space<hbm>>
    %dma_wait3A_575 = arith.constant 0 : i32
    %dma_wait3A_576 = arith.constant 0 : i32
    %dma_wait3A_577 = tpu.memref_slice %arg3[%dma_wait3A_567, %dma_wait3A_575, %dma_wait3A_576] : memref<16x2048x2048xf32, #tpu.memory_space<hbm>> -> memref<1x16x2048xf32, #tpu.memory_space<hbm>>
    %dma_wait3A_578 = tpu.memref_squeeze %dma_wait3A_577 : memref<1x16x2048xf32, #tpu.memory_space<hbm>> -> memref<16x2048xf32, #tpu.memory_space<hbm>>
    %dma_wait3A_579 = arith.constant 0 : i32
    %dma_wait3A_580 = arith.constant 0 : i32
    %dma_wait3A_581 = tpu.memref_slice %arg5[%dma_wait3A_579, %dma_wait3A_580] : memref<16x2944xf32, #tpu.memory_space<vmem>> -> memref<16x2048xf32, #tpu.memory_space<vmem>>
    tpu.wait_dma2 semaphore(%arg8 : memref<!tpu.dma_semaphore, #tpu.memory_space<semaphore_mem>>) src(%dma_wait3A_581 : memref<16x2048xf32, #tpu.memory_space<vmem>>) dst(%dma_wait3A_578 : memref<16x2048xf32, #tpu.memory_space<hbm>>)
    %dma_wait3A_582 = arith.constant 0 : i32
    %dma_wait3A_583 = arith.constant 0 : i32
    %dma_wait3A_584 = arith.constant 0 : i32
    %dma_wait3A_585 = tpu.memref_slice %arg5[%dma_wait3A_583, %dma_wait3A_584] : memref<16x2944xf32, #tpu.memory_space<vmem>> -> memref<16x2048xf32, #tpu.memory_space<vmem>>
    %dma_wait3A_586 = arith.constant 0 : i32
    %dma_wait3A_587 = arith.constant 0 : i32
    %dma_wait3A_588 = tpu.memref_slice %arg3[%dma_wait3A_582, %dma_wait3A_586, %dma_wait3A_587] : memref<16x2048x2048xf32, #tpu.memory_space<hbm>> -> memref<1x16x2048xf32, #tpu.memory_space<hbm>>
    %dma_wait3A_589 = tpu.memref_squeeze %dma_wait3A_588 : memref<1x16x2048xf32, #tpu.memory_space<hbm>> -> memref<16x2048xf32, #tpu.memory_space<hbm>>
    %dma_wait3A_590 = arith.constant 0 : i32
    %dma_wait3A_591 = arith.constant 0 : i32
    %dma_wait3A_592 = tpu.memref_slice %arg3[%dma_wait3A_582, %dma_wait3A_590, %dma_wait3A_591] : memref<16x2048x2048xf32, #tpu.memory_space<hbm>> -> memref<1x16x2048xf32, #tpu.memory_space<hbm>>
    %dma_wait3A_593 = tpu.memref_squeeze %dma_wait3A_592 : memref<1x16x2048xf32, #tpu.memory_space<hbm>> -> memref<16x2048xf32, #tpu.memory_space<hbm>>
    %dma_wait3A_594 = arith.constant 0 : i32
    %dma_wait3A_595 = arith.constant 0 : i32
    %dma_wait3A_596 = tpu.memref_slice %arg5[%dma_wait3A_594, %dma_wait3A_595] : memref<16x2944xf32, #tpu.memory_space<vmem>> -> memref<16x2048xf32, #tpu.memory_space<vmem>>
    tpu.wait_dma2 semaphore(%arg8 : memref<!tpu.dma_semaphore, #tpu.memory_space<semaphore_mem>>) src(%dma_wait3A_596 : memref<16x2048xf32, #tpu.memory_space<vmem>>) dst(%dma_wait3A_593 : memref<16x2048xf32, #tpu.memory_space<hbm>>)
    %sub3A_597 = arith.constant 2464 : i32
    %sub3A_598 = arith.subi %sub3A_597, %mul3A_36 : i32
    %scan3A_599 = arith.constant 0 : i32
    %scan3A_600 = arith.constant 0 : i32
    %scan3A_601 = arith.constant 16 : i32
    %scan3A_602 = arith.addi %scan3A_600, %scan3A_601 : i32
    %scan3A_603 = arith.constant 1 : i32
    %scan3A_604 = scf.for %scan3A_1125 = %scan3A_600 to %scan3A_602 step %scan3A_603 iter_args(%scan3A_1126 = %scan3A_599) -> (i32)  : i32 {
      %add3A_1127 = arith.addi %sub3A_598, %scan3A_1125 : i32
      %sub3A_1128 = arith.constant 1024 : i32
      %sub3A_1129 = arith.subi %add3A_1127, %sub3A_1128 : i32
      %jit3A_1130 = arith.constant 16 : i32
      %div3A_1131 = arith.divsi %sub3A_1129, %jit3A_1130 : i32
      %sign3A_1132 = arith.constant 0 : i32
      %sign3A_1133 = arith.cmpi sgt, %sub3A_1129, %sign3A_1132 : i32
      %sign3A_1134 = arith.extui %sign3A_1133 : i1 to i32
      %sign3A_1135 = arith.constant 0 : i32
      %sign3A_1136 = arith.cmpi slt, %sub3A_1129, %sign3A_1135 : i32
      %sign3A_1137 = arith.extui %sign3A_1136 : i1 to i32
      %sign3A_1138 = arith.subi %sign3A_1134, %sign3A_1137 : i32
      %sign3A_1139 = arith.constant 0 : i32
      %sign3A_1140 = arith.cmpi sgt, %jit3A_1130, %sign3A_1139 : i32
      %sign3A_1141 = arith.extui %sign3A_1140 : i1 to i32
      %sign3A_1142 = arith.constant 0 : i32
      %sign3A_1143 = arith.cmpi slt, %jit3A_1130, %sign3A_1142 : i32
      %sign3A_1144 = arith.extui %sign3A_1143 : i1 to i32
      %sign3A_1145 = arith.subi %sign3A_1141, %sign3A_1144 : i32
      %ne3A_1146 = arith.cmpi ne, %sign3A_1138, %sign3A_1145 : i32
      %rem3A_1147 = arith.remsi %sub3A_1129, %jit3A_1130 : i32
      %ne3A_1148 = arith.constant 0 : i32
      %ne3A_1149 = arith.cmpi ne, %rem3A_1147, %ne3A_1148 : i32
      %and3A_1150 = arith.andi %ne3A_1146, %ne3A_1149 : i1
      %sub3A_1151 = arith.constant 1 : i32
      %sub3A_1152 = arith.subi %div3A_1131, %sub3A_1151 : i32
      %select_n3A_1153 = arith.select %and3A_1150, %sub3A_1152, %div3A_1131 : i32
      %add3A_1154 = arith.constant 15 : i32
      %add3A_1155 = arith.addi %add3A_1127, %add3A_1154 : i32
      %jit3A_1156 = arith.constant 16 : i32
      %div3A_1157 = arith.divsi %add3A_1155, %jit3A_1156 : i32
      %sign3A_1158 = arith.constant 0 : i32
      %sign3A_1159 = arith.cmpi sgt, %add3A_1155, %sign3A_1158 : i32
      %sign3A_1160 = arith.extui %sign3A_1159 : i1 to i32
      %sign3A_1161 = arith.constant 0 : i32
      %sign3A_1162 = arith.cmpi slt, %add3A_1155, %sign3A_1161 : i32
      %sign3A_1163 = arith.extui %sign3A_1162 : i1 to i32
      %sign3A_1164 = arith.subi %sign3A_1160, %sign3A_1163 : i32
      %sign3A_1165 = arith.constant 0 : i32
      %sign3A_1166 = arith.cmpi sgt, %jit3A_1156, %sign3A_1165 : i32
      %sign3A_1167 = arith.extui %sign3A_1166 : i1 to i32
      %sign3A_1168 = arith.constant 0 : i32
      %sign3A_1169 = arith.cmpi slt, %jit3A_1156, %sign3A_1168 : i32
      %sign3A_1170 = arith.extui %sign3A_1169 : i1 to i32
      %sign3A_1171 = arith.subi %sign3A_1167, %sign3A_1170 : i32
      %ne3A_1172 = arith.cmpi ne, %sign3A_1164, %sign3A_1171 : i32
      %rem3A_1173 = arith.remsi %add3A_1155, %jit3A_1156 : i32
      %ne3A_1174 = arith.constant 0 : i32
      %ne3A_1175 = arith.cmpi ne, %rem3A_1173, %ne3A_1174 : i32
      %and3A_1176 = arith.andi %ne3A_1172, %ne3A_1175 : i1
      %sub3A_1177 = arith.constant 1 : i32
      %sub3A_1178 = arith.subi %div3A_1157, %sub3A_1177 : i32
      %select_n3A_1179 = arith.select %and3A_1176, %sub3A_1178, %div3A_1157 : i32
      %add3A_1180 = arith.constant 2 : i32
      %add3A_1181 = arith.addi %select_n3A_1179, %add3A_1180 : i32
      %while3A = arith.constant 0 : i32
      %while3A_1182 = arith.subi %add3A_1181, %select_n3A_1153 : i32
      %while3A_1183 = arith.addi %select_n3A_1153, %while3A_1182 : i32
      %while3A_1184 = arith.constant 1 : i32
      %while3A_1185 = arith.divsi %while3A_1182, %while3A_1184 : i32
      %while3A_1186 = arith.muli %while3A_1185, %while3A_1184 : i32
      %while3A_1187 = arith.addi %select_n3A_1153, %while3A_1186 : i32
      %while3A_1188 = arith.constant 1 : i32
      %while3A_1189 = scf.for %while3A_1193 = %select_n3A_1153 to %while3A_1187 step %while3A_1188 iter_args(%while3A_1194 = %while3A) -> (i32)  : i32 {
        %mul3A_1195 = arith.constant 16 : i32
        %mul3A_1196 = arith.muli %while3A_1193, %mul3A_1195 : i32
        %sub3A_1197 = arith.subi %add3A_1127, %mul3A_1196 : i32
        %sub3A_1198 = vector.broadcast %sub3A_1197 : i32 to vector<16xi32>
        %sub3A_1199 = arith.subi %sub3A_1198, %iota3A : vector<16xi32>
        %jit3A_1200 = arith.constant 0 : i32
        %jit3A_1201 = arith.constant 1024 : i32
        %max3A = vector.broadcast %jit3A_1200 : i32 to vector<16xi32>
        %max3A_1202 = arith.maxsi %max3A, %sub3A_1199 : vector<16xi32>
        %min3A = vector.broadcast %jit3A_1201 : i32 to vector<16xi32>
        %min3A_1203 = arith.minsi %min3A, %max3A_1202 : vector<16xi32>
        %gather3A = tpu.vector_load_idx %arg4[%min3A_1203] : memref<1152xf32, #tpu.memory_space<vmem>>[vector<16xi32>], vector<16xf32>,
        %swap3A = arith.index_cast %scan3A_1125 : i32 to index
        %swap3A_1204 = arith.index_cast %mul3A_1196 : i32 to index
        %swap3A_1205 = tpu.vector_load %arg6[%swap3A, %swap3A_1204] {strides = array<i32>} : memref<16x2944xf32, #tpu.memory_space<vmem>>, vector<16xf32>,
        tpu.vector_store %arg6[%swap3A, %swap3A_1204], %gather3A {strides = array<i32>} : memref<16x2944xf32, #tpu.memory_space<vmem>>, vector<16xf32>,
        %while3A_1206 = arith.constant 0 : i32
        scf.yield %while3A_1206 : i32
      }
      %while3A_1190 = arith.constant 1 : i32
      %while3A_1191 = scf.for %while3A_1193 = %while3A_1187 to %while3A_1183 step %while3A_1190 iter_args(%while3A_1194 = %while3A_1189) -> (i32)  : i32 {
        %mul3A_1195 = arith.constant 16 : i32
        %mul3A_1196 = arith.muli %while3A_1193, %mul3A_1195 : i32
        %sub3A_1197 = arith.subi %add3A_1127, %mul3A_1196 : i32
        %sub3A_1198 = vector.broadcast %sub3A_1197 : i32 to vector<16xi32>
        %sub3A_1199 = arith.subi %sub3A_1198, %iota3A : vector<16xi32>
        %jit3A_1200 = arith.constant 0 : i32
        %jit3A_1201 = arith.constant 1024 : i32
        %max3A = vector.broadcast %jit3A_1200 : i32 to vector<16xi32>
        %max3A_1202 = arith.maxsi %max3A, %sub3A_1199 : vector<16xi32>
        %min3A = vector.broadcast %jit3A_1201 : i32 to vector<16xi32>
        %min3A_1203 = arith.minsi %min3A, %max3A_1202 : vector<16xi32>
        %gather3A = tpu.vector_load_idx %arg4[%min3A_1203] : memref<1152xf32, #tpu.memory_space<vmem>>[vector<16xi32>], vector<16xf32>,
        %swap3A = arith.index_cast %scan3A_1125 : i32 to index
        %swap3A_1204 = arith.index_cast %mul3A_1196 : i32 to index
        %swap3A_1205 = tpu.vector_load %arg6[%swap3A, %swap3A_1204] {strides = array<i32>} : memref<16x2944xf32, #tpu.memory_space<vmem>>, vector<16xf32>,
        tpu.vector_store %arg6[%swap3A, %swap3A_1204], %gather3A {strides = array<i32>} : memref<16x2944xf32, #tpu.memory_space<vmem>>, vector<16xf32>,
        %while3A_1206 = arith.constant 0 : i32
        scf.yield %while3A_1206 : i32
      }
      %scan3A_1192 = arith.constant 0 : i32
      scf.yield %scan3A_1192 : i32
    }
    %scan3A_605 = arith.constant 16 : i32
    %scan3A_606 = arith.constant 0 : i32
    %scan3A_607 = arith.constant 0 : i32
    %scan3A_608 = arith.constant 8 : i32
    %scan3A_609 = arith.addi %scan3A_607, %scan3A_608 : i32
    %scan3A_610 = arith.constant 1 : i32
    %scan3A_611 = scf.for %scan3A_1125 = %scan3A_607 to %scan3A_609 step %scan3A_610 iter_args(%scan3A_1126 = %scan3A_606) -> (i32)  : i32 {
      %mul3A_1127 = arith.constant 128 : i32
      %mul3A_1128 = arith.muli %mul3A_1127, %scan3A_1125 : i32
      %sub3A_1129 = arith.constant 896 : i32
      %sub3A_1130 = arith.subi %sub3A_1129, %mul3A_1128 : i32
      %multiple_of3A = tpu.assume_multiple %sub3A_1130, 128 : i32
      %mul3A_1131 = arith.constant 8 : i32
      %mul3A_1132 = arith.muli %mul3A_1131, %scan3A_1125 : i32
      %add3A_1133 = arith.constant 2 : i32
      %add3A_1134 = arith.addi %add3A_1133, %mul3A_1132 : i32
      %mul3A_1135 = arith.constant 16 : i32
      %mul3A_1136 = arith.muli %add3A_1134, %mul3A_1135 : i32
      %add3A_1137 = arith.addi %mul3A_32, %mul3A_1136 : i32
      %multiple_of3A_1138 = tpu.assume_multiple %add3A_1137, 16 : i32
      %dma_start3A = arith.constant 0 : i32
      %dma_start3A_1139 = tpu.memref_slice %arg6[%dma_start3A, %multiple_of3A] : memref<16x2944xf32, #tpu.memory_space<vmem>> -> memref<16x2048xf32, #tpu.memory_space<vmem>>
      %dma_start3A_1140 = arith.constant 0 : i32
      %dma_start3A_1141 = tpu.memref_slice %arg3[%select_n3A, %multiple_of3A_1138, %dma_start3A_1140] : memref<16x2048x2048xf32, #tpu.memory_space<hbm>> -> memref<1x16x2048xf32, #tpu.memory_space<hbm>>
      %dma_start3A_1142 = tpu.memref_squeeze %dma_start3A_1141 : memref<1x16x2048xf32, #tpu.memory_space<hbm>> -> memref<16x2048xf32, #tpu.memory_space<hbm>>
      %dma_start3A_1143 = arith.constant 0 : i32
      %dma_start3A_1144 = tpu.memref_slice %arg3[%select_n3A, %multiple_of3A_1138, %dma_start3A_1143] : memref<16x2048x2048xf32, #tpu.memory_space<hbm>> -> memref<1x16x2048xf32, #tpu.memory_space<hbm>>
      %dma_start3A_1145 = tpu.memref_squeeze %dma_start3A_1144 : memref<1x16x2048xf32, #tpu.memory_space<hbm>> -> memref<16x2048xf32, #tpu.memory_space<hbm>>
      %dma_start3A_1146 = arith.constant 0 : i32
      %dma_start3A_1147 = tpu.memref_slice %arg6[%dma_start3A_1146, %multiple_of3A] : memref<16x2944xf32, #tpu.memory_space<vmem>> -> memref<16x2048xf32, #tpu.memory_space<vmem>>
      tpu.enqueue_dma source(%dma_start3A_1147 : memref<16x2048xf32, #tpu.memory_space<vmem>>) target(%dma_start3A_1145 : memref<16x2048xf32, #tpu.memory_space<hbm>>) target_semaphore(%arg8 : memref<!tpu.dma_semaphore, #tpu.memory_space<semaphore_mem>>)
      %scan3A_1148 = arith.constant 0 : i32
      scf.yield %scan3A_1148 : i32
    }
    %scan3A_612 = arith.constant 8 : i32
    %dma_wait3A_613 = arith.constant 0 : i32
    %dma_wait3A_614 = arith.constant 0 : i32
    %dma_wait3A_615 = arith.constant 0 : i32
    %dma_wait3A_616 = tpu.memref_slice %arg5[%dma_wait3A_614, %dma_wait3A_615] : memref<16x2944xf32, #tpu.memory_space<vmem>> -> memref<16x2048xf32, #tpu.memory_space<vmem>>
    %dma_wait3A_617 = arith.constant 0 : i32
    %dma_wait3A_618 = arith.constant 0 : i32
    %dma_wait3A_619 = tpu.memref_slice %arg3[%dma_wait3A_613, %dma_wait3A_617, %dma_wait3A_618] : memref<16x2048x2048xf32, #tpu.memory_space<hbm>> -> memref<1x16x2048xf32, #tpu.memory_space<hbm>>
    %dma_wait3A_620 = tpu.memref_squeeze %dma_wait3A_619 : memref<1x16x2048xf32, #tpu.memory_space<hbm>> -> memref<16x2048xf32, #tpu.memory_space<hbm>>
    %dma_wait3A_621 = arith.constant 0 : i32
    %dma_wait3A_622 = arith.constant 0 : i32
    %dma_wait3A_623 = tpu.memref_slice %arg3[%dma_wait3A_613, %dma_wait3A_621, %dma_wait3A_622] : memref<16x2048x2048xf32, #tpu.memory_space<hbm>> -> memref<1x16x2048xf32, #tpu.memory_space<hbm>>
    %dma_wait3A_624 = tpu.memref_squeeze %dma_wait3A_623 : memref<1x16x2048xf32, #tpu.memory_space<hbm>> -> memref<16x2048xf32, #tpu.memory_space<hbm>>
    %dma_wait3A_625 = arith.constant 0 : i32
    %dma_wait3A_626 = arith.constant 0 : i32
    %dma_wait3A_627 = tpu.memref_slice %arg5[%dma_wait3A_625, %dma_wait3A_626] : memref<16x2944xf32, #tpu.memory_space<vmem>> -> memref<16x2048xf32, #tpu.memory_space<vmem>>
    tpu.wait_dma2 semaphore(%arg7 : memref<!tpu.dma_semaphore, #tpu.memory_space<semaphore_mem>>) src(%dma_wait3A_627 : memref<16x2048xf32, #tpu.memory_space<vmem>>) dst(%dma_wait3A_624 : memref<16x2048xf32, #tpu.memory_space<hbm>>)
    %dma_wait3A_628 = arith.constant 0 : i32
    %dma_wait3A_629 = arith.constant 0 : i32
    %dma_wait3A_630 = arith.constant 0 : i32
    %dma_wait3A_631 = tpu.memref_slice %arg5[%dma_wait3A_629, %dma_wait3A_630] : memref<16x2944xf32, #tpu.memory_space<vmem>> -> memref<16x2048xf32, #tpu.memory_space<vmem>>
    %dma_wait3A_632 = arith.constant 0 : i32
    %dma_wait3A_633 = arith.constant 0 : i32
    %dma_wait3A_634 = tpu.memref_slice %arg3[%dma_wait3A_628, %dma_wait3A_632, %dma_wait3A_633] : memref<16x2048x2048xf32, #tpu.memory_space<hbm>> -> memref<1x16x2048xf32, #tpu.memory_space<hbm>>
    %dma_wait3A_635 = tpu.memref_squeeze %dma_wait3A_634 : memref<1x16x2048xf32, #tpu.memory_space<hbm>> -> memref<16x2048xf32, #tpu.memory_space<hbm>>
    %dma_wait3A_636 = arith.constant 0 : i32
    %dma_wait3A_637 = arith.constant 0 : i32
    %dma_wait3A_638 = tpu.memref_slice %arg3[%dma_wait3A_628, %dma_wait3A_636, %dma_wait3A_637] : memref<16x2048x2048xf32, #tpu.memory_space<hbm>> -> memref<1x16x2048xf32, #tpu.memory_space<hbm>>
    %dma_wait3A_639 = tpu.memref_squeeze %dma_wait3A_638 : memref<1x16x2048xf32, #tpu.memory_space<hbm>> -> memref<16x2048xf32, #tpu.memory_space<hbm>>
    %dma_wait3A_640 = arith.constant 0 : i32
    %dma_wait3A_641 = arith.constant 0 : i32
    %dma_wait3A_642 = tpu.memref_slice %arg5[%dma_wait3A_640, %dma_wait3A_641] : memref<16x2944xf32, #tpu.memory_space<vmem>> -> memref<16x2048xf32, #tpu.memory_space<vmem>>
    tpu.wait_dma2 semaphore(%arg7 : memref<!tpu.dma_semaphore, #tpu.memory_space<semaphore_mem>>) src(%dma_wait3A_642 : memref<16x2048xf32, #tpu.memory_space<vmem>>) dst(%dma_wait3A_639 : memref<16x2048xf32, #tpu.memory_space<hbm>>)
    %dma_wait3A_643 = arith.constant 0 : i32
    %dma_wait3A_644 = arith.constant 0 : i32
    %dma_wait3A_645 = arith.constant 0 : i32
    %dma_wait3A_646 = tpu.memref_slice %arg5[%dma_wait3A_644, %dma_wait3A_645] : memref<16x2944xf32, #tpu.memory_space<vmem>> -> memref<16x2048xf32, #tpu.memory_space<vmem>>
    %dma_wait3A_647 = arith.constant 0 : i32
    %dma_wait3A_648 = arith.constant 0 : i32
    %dma_wait3A_649 = tpu.memref_slice %arg3[%dma_wait3A_643, %dma_wait3A_647, %dma_wait3A_648] : memref<16x2048x2048xf32, #tpu.memory_space<hbm>> -> memref<1x16x2048xf32, #tpu.memory_space<hbm>>
    %dma_wait3A_650 = tpu.memref_squeeze %dma_wait3A_649 : memref<1x16x2048xf32, #tpu.memory_space<hbm>> -> memref<16x2048xf32, #tpu.memory_space<hbm>>
    %dma_wait3A_651 = arith.constant 0 : i32
    %dma_wait3A_652 = arith.constant 0 : i32
    %dma_wait3A_653 = tpu.memref_slice %arg3[%dma_wait3A_643, %dma_wait3A_651, %dma_wait3A_652] : memref<16x2048x2048xf32, #tpu.memory_space<hbm>> -> memref<1x16x2048xf32, #tpu.memory_space<hbm>>
    %dma_wait3A_654 = tpu.memref_squeeze %dma_wait3A_653 : memref<1x16x2048xf32, #tpu.memory_space<hbm>> -> memref<16x2048xf32, #tpu.memory_space<hbm>>
    %dma_wait3A_655 = arith.constant 0 : i32
    %dma_wait3A_656 = arith.constant 0 : i32
    %dma_wait3A_657 = tpu.memref_slice %arg5[%dma_wait3A_655, %dma_wait3A_656] : memref<16x2944xf32, #tpu.memory_space<vmem>> -> memref<16x2048xf32, #tpu.memory_space<vmem>>
    tpu.wait_dma2 semaphore(%arg7 : memref<!tpu.dma_semaphore, #tpu.memory_space<semaphore_mem>>) src(%dma_wait3A_657 : memref<16x2048xf32, #tpu.memory_space<vmem>>) dst(%dma_wait3A_654 : memref<16x2048xf32, #tpu.memory_space<hbm>>)
    %dma_wait3A_658 = arith.constant 0 : i32
    %dma_wait3A_659 = arith.constant 0 : i32
    %dma_wait3A_660 = arith.constant 0 : i32
    %dma_wait3A_661 = tpu.memref_slice %arg5[%dma_wait3A_659, %dma_wait3A_660] : memref<16x2944xf32, #tpu.memory_space<vmem>> -> memref<16x2048xf32, #tpu.memory_space<vmem>>
    %dma_wait3A_662 = arith.constant 0 : i32
    %dma_wait3A_663 = arith.constant 0 : i32
    %dma_wait3A_664 = tpu.memref_slice %arg3[%dma_wait3A_658, %dma_wait3A_662, %dma_wait3A_663] : memref<16x2048x2048xf32, #tpu.memory_space<hbm>> -> memref<1x16x2048xf32, #tpu.memory_space<hbm>>
    %dma_wait3A_665 = tpu.memref_squeeze %dma_wait3A_664 : memref<1x16x2048xf32, #tpu.memory_space<hbm>> -> memref<16x2048xf32, #tpu.memory_space<hbm>>
    %dma_wait3A_666 = arith.constant 0 : i32
    %dma_wait3A_667 = arith.constant 0 : i32
    %dma_wait3A_668 = tpu.memref_slice %arg3[%dma_wait3A_658, %dma_wait3A_666, %dma_wait3A_667] : memref<16x2048x2048xf32, #tpu.memory_space<hbm>> -> memref<1x16x2048xf32, #tpu.memory_space<hbm>>
    %dma_wait3A_669 = tpu.memref_squeeze %dma_wait3A_668 : memref<1x16x2048xf32, #tpu.memory_space<hbm>> -> memref<16x2048xf32, #tpu.memory_space<hbm>>
    %dma_wait3A_670 = arith.constant 0 : i32
    %dma_wait3A_671 = arith.constant 0 : i32
    %dma_wait3A_672 = tpu.memref_slice %arg5[%dma_wait3A_670, %dma_wait3A_671] : memref<16x2944xf32, #tpu.memory_space<vmem>> -> memref<16x2048xf32, #tpu.memory_space<vmem>>
    tpu.wait_dma2 semaphore(%arg7 : memref<!tpu.dma_semaphore, #tpu.memory_space<semaphore_mem>>) src(%dma_wait3A_672 : memref<16x2048xf32, #tpu.memory_space<vmem>>) dst(%dma_wait3A_669 : memref<16x2048xf32, #tpu.memory_space<hbm>>)
    %dma_wait3A_673 = arith.constant 0 : i32
    %dma_wait3A_674 = arith.constant 0 : i32
    %dma_wait3A_675 = arith.constant 0 : i32
    %dma_wait3A_676 = tpu.memref_slice %arg5[%dma_wait3A_674, %dma_wait3A_675] : memref<16x2944xf32, #tpu.memory_space<vmem>> -> memref<16x2048xf32, #tpu.memory_space<vmem>>
    %dma_wait3A_677 = arith.constant 0 : i32
    %dma_wait3A_678 = arith.constant 0 : i32
    %dma_wait3A_679 = tpu.memref_slice %arg3[%dma_wait3A_673, %dma_wait3A_677, %dma_wait3A_678] : memref<16x2048x2048xf32, #tpu.memory_space<hbm>> -> memref<1x16x2048xf32, #tpu.memory_space<hbm>>
    %dma_wait3A_680 = tpu.memref_squeeze %dma_wait3A_679 : memref<1x16x2048xf32, #tpu.memory_space<hbm>> -> memref<16x2048xf32, #tpu.memory_space<hbm>>
    %dma_wait3A_681 = arith.constant 0 : i32
    %dma_wait3A_682 = arith.constant 0 : i32
    %dma_wait3A_683 = tpu.memref_slice %arg3[%dma_wait3A_673, %dma_wait3A_681, %dma_wait3A_682] : memref<16x2048x2048xf32, #tpu.memory_space<hbm>> -> memref<1x16x2048xf32, #tpu.memory_space<hbm>>
    %dma_wait3A_684 = tpu.memref_squeeze %dma_wait3A_683 : memref<1x16x2048xf32, #tpu.memory_space<hbm>> -> memref<16x2048xf32, #tpu.memory_space<hbm>>
    %dma_wait3A_685 = arith.constant 0 : i32
    %dma_wait3A_686 = arith.constant 0 : i32
    %dma_wait3A_687 = tpu.memref_slice %arg5[%dma_wait3A_685, %dma_wait3A_686] : memref<16x2944xf32, #tpu.memory_space<vmem>> -> memref<16x2048xf32, #tpu.memory_space<vmem>>
    tpu.wait_dma2 semaphore(%arg7 : memref<!tpu.dma_semaphore, #tpu.memory_space<semaphore_mem>>) src(%dma_wait3A_687 : memref<16x2048xf32, #tpu.memory_space<vmem>>) dst(%dma_wait3A_684 : memref<16x2048xf32, #tpu.memory_space<hbm>>)
    %dma_wait3A_688 = arith.constant 0 : i32
    %dma_wait3A_689 = arith.constant 0 : i32
    %dma_wait3A_690 = arith.constant 0 : i32
    %dma_wait3A_691 = tpu.memref_slice %arg5[%dma_wait3A_689, %dma_wait3A_690] : memref<16x2944xf32, #tpu.memory_space<vmem>> -> memref<16x2048xf32, #tpu.memory_space<vmem>>
    %dma_wait3A_692 = arith.constant 0 : i32
    %dma_wait3A_693 = arith.constant 0 : i32
    %dma_wait3A_694 = tpu.memref_slice %arg3[%dma_wait3A_688, %dma_wait3A_692, %dma_wait3A_693] : memref<16x2048x2048xf32, #tpu.memory_space<hbm>> -> memref<1x16x2048xf32, #tpu.memory_space<hbm>>
    %dma_wait3A_695 = tpu.memref_squeeze %dma_wait3A_694 : memref<1x16x2048xf32, #tpu.memory_space<hbm>> -> memref<16x2048xf32, #tpu.memory_space<hbm>>
    %dma_wait3A_696 = arith.constant 0 : i32
    %dma_wait3A_697 = arith.constant 0 : i32
    %dma_wait3A_698 = tpu.memref_slice %arg3[%dma_wait3A_688, %dma_wait3A_696, %dma_wait3A_697] : memref<16x2048x2048xf32, #tpu.memory_space<hbm>> -> memref<1x16x2048xf32, #tpu.memory_space<hbm>>
    %dma_wait3A_699 = tpu.memref_squeeze %dma_wait3A_698 : memref<1x16x2048xf32, #tpu.memory_space<hbm>> -> memref<16x2048xf32, #tpu.memory_space<hbm>>
    %dma_wait3A_700 = arith.constant 0 : i32
    %dma_wait3A_701 = arith.constant 0 : i32
    %dma_wait3A_702 = tpu.memref_slice %arg5[%dma_wait3A_700, %dma_wait3A_701] : memref<16x2944xf32, #tpu.memory_space<vmem>> -> memref<16x2048xf32, #tpu.memory_space<vmem>>
    tpu.wait_dma2 semaphore(%arg7 : memref<!tpu.dma_semaphore, #tpu.memory_space<semaphore_mem>>) src(%dma_wait3A_702 : memref<16x2048xf32, #tpu.memory_space<vmem>>) dst(%dma_wait3A_699 : memref<16x2048xf32, #tpu.memory_space<hbm>>)
    %dma_wait3A_703 = arith.constant 0 : i32
    %dma_wait3A_704 = arith.constant 0 : i32
    %dma_wait3A_705 = arith.constant 0 : i32
    %dma_wait3A_706 = tpu.memref_slice %arg5[%dma_wait3A_704, %dma_wait3A_705] : memref<16x2944xf32, #tpu.memory_space<vmem>> -> memref<16x2048xf32, #tpu.memory_space<vmem>>
    %dma_wait3A_707 = arith.constant 0 : i32
    %dma_wait3A_708 = arith.constant 0 : i32
    %dma_wait3A_709 = tpu.memref_slice %arg3[%dma_wait3A_703, %dma_wait3A_707, %dma_wait3A_708] : memref<16x2048x2048xf32, #tpu.memory_space<hbm>> -> memref<1x16x2048xf32, #tpu.memory_space<hbm>>
    %dma_wait3A_710 = tpu.memref_squeeze %dma_wait3A_709 : memref<1x16x2048xf32, #tpu.memory_space<hbm>> -> memref<16x2048xf32, #tpu.memory_space<hbm>>
    %dma_wait3A_711 = arith.constant 0 : i32
    %dma_wait3A_712 = arith.constant 0 : i32
    %dma_wait3A_713 = tpu.memref_slice %arg3[%dma_wait3A_703, %dma_wait3A_711, %dma_wait3A_712] : memref<16x2048x2048xf32, #tpu.memory_space<hbm>> -> memref<1x16x2048xf32, #tpu.memory_space<hbm>>
    %dma_wait3A_714 = tpu.memref_squeeze %dma_wait3A_713 : memref<1x16x2048xf32, #tpu.memory_space<hbm>> -> memref<16x2048xf32, #tpu.memory_space<hbm>>
    %dma_wait3A_715 = arith.constant 0 : i32
    %dma_wait3A_716 = arith.constant 0 : i32
    %dma_wait3A_717 = tpu.memref_slice %arg5[%dma_wait3A_715, %dma_wait3A_716] : memref<16x2944xf32, #tpu.memory_space<vmem>> -> memref<16x2048xf32, #tpu.memory_space<vmem>>
    tpu.wait_dma2 semaphore(%arg7 : memref<!tpu.dma_semaphore, #tpu.memory_space<semaphore_mem>>) src(%dma_wait3A_717 : memref<16x2048xf32, #tpu.memory_space<vmem>>) dst(%dma_wait3A_714 : memref<16x2048xf32, #tpu.memory_space<hbm>>)
    %dma_wait3A_718 = arith.constant 0 : i32
    %dma_wait3A_719 = arith.constant 0 : i32
    %dma_wait3A_720 = arith.constant 0 : i32
    %dma_wait3A_721 = tpu.memref_slice %arg5[%dma_wait3A_719, %dma_wait3A_720] : memref<16x2944xf32, #tpu.memory_space<vmem>> -> memref<16x2048xf32, #tpu.memory_space<vmem>>
    %dma_wait3A_722 = arith.constant 0 : i32
    %dma_wait3A_723 = arith.constant 0 : i32
    %dma_wait3A_724 = tpu.memref_slice %arg3[%dma_wait3A_718, %dma_wait3A_722, %dma_wait3A_723] : memref<16x2048x2048xf32, #tpu.memory_space<hbm>> -> memref<1x16x2048xf32, #tpu.memory_space<hbm>>
    %dma_wait3A_725 = tpu.memref_squeeze %dma_wait3A_724 : memref<1x16x2048xf32, #tpu.memory_space<hbm>> -> memref<16x2048xf32, #tpu.memory_space<hbm>>
    %dma_wait3A_726 = arith.constant 0 : i32
    %dma_wait3A_727 = arith.constant 0 : i32
    %dma_wait3A_728 = tpu.memref_slice %arg3[%dma_wait3A_718, %dma_wait3A_726, %dma_wait3A_727] : memref<16x2048x2048xf32, #tpu.memory_space<hbm>> -> memref<1x16x2048xf32, #tpu.memory_space<hbm>>
    %dma_wait3A_729 = tpu.memref_squeeze %dma_wait3A_728 : memref<1x16x2048xf32, #tpu.memory_space<hbm>> -> memref<16x2048xf32, #tpu.memory_space<hbm>>
    %dma_wait3A_730 = arith.constant 0 : i32
    %dma_wait3A_731 = arith.constant 0 : i32
    %dma_wait3A_732 = tpu.memref_slice %arg5[%dma_wait3A_730, %dma_wait3A_731] : memref<16x2944xf32, #tpu.memory_space<vmem>> -> memref<16x2048xf32, #tpu.memory_space<vmem>>
    tpu.wait_dma2 semaphore(%arg7 : memref<!tpu.dma_semaphore, #tpu.memory_space<semaphore_mem>>) src(%dma_wait3A_732 : memref<16x2048xf32, #tpu.memory_space<vmem>>) dst(%dma_wait3A_729 : memref<16x2048xf32, #tpu.memory_space<hbm>>)
    %sub3A_733 = arith.constant 2448 : i32
    %sub3A_734 = arith.subi %sub3A_733, %mul3A_36 : i32
    %scan3A_735 = arith.constant 0 : i32
    %scan3A_736 = arith.constant 0 : i32
    %scan3A_737 = arith.constant 16 : i32
    %scan3A_738 = arith.addi %scan3A_736, %scan3A_737 : i32
    %scan3A_739 = arith.constant 1 : i32
    %scan3A_740 = scf.for %scan3A_1125 = %scan3A_736 to %scan3A_738 step %scan3A_739 iter_args(%scan3A_1126 = %scan3A_735) -> (i32)  : i32 {
      %add3A_1127 = arith.addi %sub3A_734, %scan3A_1125 : i32
      %sub3A_1128 = arith.constant 1024 : i32
      %sub3A_1129 = arith.subi %add3A_1127, %sub3A_1128 : i32
      %jit3A_1130 = arith.constant 16 : i32
      %div3A_1131 = arith.divsi %sub3A_1129, %jit3A_1130 : i32
      %sign3A_1132 = arith.constant 0 : i32
      %sign3A_1133 = arith.cmpi sgt, %sub3A_1129, %sign3A_1132 : i32
      %sign3A_1134 = arith.extui %sign3A_1133 : i1 to i32
      %sign3A_1135 = arith.constant 0 : i32
      %sign3A_1136 = arith.cmpi slt, %sub3A_1129, %sign3A_1135 : i32
      %sign3A_1137 = arith.extui %sign3A_1136 : i1 to i32
      %sign3A_1138 = arith.subi %sign3A_1134, %sign3A_1137 : i32
      %sign3A_1139 = arith.constant 0 : i32
      %sign3A_1140 = arith.cmpi sgt, %jit3A_1130, %sign3A_1139 : i32
      %sign3A_1141 = arith.extui %sign3A_1140 : i1 to i32
      %sign3A_1142 = arith.constant 0 : i32
      %sign3A_1143 = arith.cmpi slt, %jit3A_1130, %sign3A_1142 : i32
      %sign3A_1144 = arith.extui %sign3A_1143 : i1 to i32
      %sign3A_1145 = arith.subi %sign3A_1141, %sign3A_1144 : i32
      %ne3A_1146 = arith.cmpi ne, %sign3A_1138, %sign3A_1145 : i32
      %rem3A_1147 = arith.remsi %sub3A_1129, %jit3A_1130 : i32
      %ne3A_1148 = arith.constant 0 : i32
      %ne3A_1149 = arith.cmpi ne, %rem3A_1147, %ne3A_1148 : i32
      %and3A_1150 = arith.andi %ne3A_1146, %ne3A_1149 : i1
      %sub3A_1151 = arith.constant 1 : i32
      %sub3A_1152 = arith.subi %div3A_1131, %sub3A_1151 : i32
      %select_n3A_1153 = arith.select %and3A_1150, %sub3A_1152, %div3A_1131 : i32
      %add3A_1154 = arith.constant 15 : i32
      %add3A_1155 = arith.addi %add3A_1127, %add3A_1154 : i32
      %jit3A_1156 = arith.constant 16 : i32
      %div3A_1157 = arith.divsi %add3A_1155, %jit3A_1156 : i32
      %sign3A_1158 = arith.constant 0 : i32
      %sign3A_1159 = arith.cmpi sgt, %add3A_1155, %sign3A_1158 : i32
      %sign3A_1160 = arith.extui %sign3A_1159 : i1 to i32
      %sign3A_1161 = arith.constant 0 : i32
      %sign3A_1162 = arith.cmpi slt, %add3A_1155, %sign3A_1161 : i32
      %sign3A_1163 = arith.extui %sign3A_1162 : i1 to i32
      %sign3A_1164 = arith.subi %sign3A_1160, %sign3A_1163 : i32
      %sign3A_1165 = arith.constant 0 : i32
      %sign3A_1166 = arith.cmpi sgt, %jit3A_1156, %sign3A_1165 : i32
      %sign3A_1167 = arith.extui %sign3A_1166 : i1 to i32
      %sign3A_1168 = arith.constant 0 : i32
      %sign3A_1169 = arith.cmpi slt, %jit3A_1156, %sign3A_1168 : i32
      %sign3A_1170 = arith.extui %sign3A_1169 : i1 to i32
      %sign3A_1171 = arith.subi %sign3A_1167, %sign3A_1170 : i32
      %ne3A_1172 = arith.cmpi ne, %sign3A_1164, %sign3A_1171 : i32
      %rem3A_1173 = arith.remsi %add3A_1155, %jit3A_1156 : i32
      %ne3A_1174 = arith.constant 0 : i32
      %ne3A_1175 = arith.cmpi ne, %rem3A_1173, %ne3A_1174 : i32
      %and3A_1176 = arith.andi %ne3A_1172, %ne3A_1175 : i1
      %sub3A_1177 = arith.constant 1 : i32
      %sub3A_1178 = arith.subi %div3A_1157, %sub3A_1177 : i32
      %select_n3A_1179 = arith.select %and3A_1176, %sub3A_1178, %div3A_1157 : i32
      %add3A_1180 = arith.constant 2 : i32
      %add3A_1181 = arith.addi %select_n3A_1179, %add3A_1180 : i32
      %while3A = arith.constant 0 : i32
      %while3A_1182 = arith.subi %add3A_1181, %select_n3A_1153 : i32
      %while3A_1183 = arith.addi %select_n3A_1153, %while3A_1182 : i32
      %while3A_1184 = arith.constant 1 : i32
      %while3A_1185 = arith.divsi %while3A_1182, %while3A_1184 : i32
      %while3A_1186 = arith.muli %while3A_1185, %while3A_1184 : i32
      %while3A_1187 = arith.addi %select_n3A_1153, %while3A_1186 : i32
      %while3A_1188 = arith.constant 1 : i32
      %while3A_1189 = scf.for %while3A_1193 = %select_n3A_1153 to %while3A_1187 step %while3A_1188 iter_args(%while3A_1194 = %while3A) -> (i32)  : i32 {
        %mul3A_1195 = arith.constant 16 : i32
        %mul3A_1196 = arith.muli %while3A_1193, %mul3A_1195 : i32
        %sub3A_1197 = arith.subi %add3A_1127, %mul3A_1196 : i32
        %sub3A_1198 = vector.broadcast %sub3A_1197 : i32 to vector<16xi32>
        %sub3A_1199 = arith.subi %sub3A_1198, %iota3A : vector<16xi32>
        %jit3A_1200 = arith.constant 0 : i32
        %jit3A_1201 = arith.constant 1024 : i32
        %max3A = vector.broadcast %jit3A_1200 : i32 to vector<16xi32>
        %max3A_1202 = arith.maxsi %max3A, %sub3A_1199 : vector<16xi32>
        %min3A = vector.broadcast %jit3A_1201 : i32 to vector<16xi32>
        %min3A_1203 = arith.minsi %min3A, %max3A_1202 : vector<16xi32>
        %gather3A = tpu.vector_load_idx %arg4[%min3A_1203] : memref<1152xf32, #tpu.memory_space<vmem>>[vector<16xi32>], vector<16xf32>,
        %swap3A = arith.index_cast %scan3A_1125 : i32 to index
        %swap3A_1204 = arith.index_cast %mul3A_1196 : i32 to index
        %swap3A_1205 = tpu.vector_load %arg5[%swap3A, %swap3A_1204] {strides = array<i32>} : memref<16x2944xf32, #tpu.memory_space<vmem>>, vector<16xf32>,
        tpu.vector_store %arg5[%swap3A, %swap3A_1204], %gather3A {strides = array<i32>} : memref<16x2944xf32, #tpu.memory_space<vmem>>, vector<16xf32>,
        %while3A_1206 = arith.constant 0 : i32
        scf.yield %while3A_1206 : i32
      }
      %while3A_1190 = arith.constant 1 : i32
      %while3A_1191 = scf.for %while3A_1193 = %while3A_1187 to %while3A_1183 step %while3A_1190 iter_args(%while3A_1194 = %while3A_1189) -> (i32)  : i32 {
        %mul3A_1195 = arith.constant 16 : i32
        %mul3A_1196 = arith.muli %while3A_1193, %mul3A_1195 : i32
        %sub3A_1197 = arith.subi %add3A_1127, %mul3A_1196 : i32
        %sub3A_1198 = vector.broadcast %sub3A_1197 : i32 to vector<16xi32>
        %sub3A_1199 = arith.subi %sub3A_1198, %iota3A : vector<16xi32>
        %jit3A_1200 = arith.constant 0 : i32
        %jit3A_1201 = arith.constant 1024 : i32
        %max3A = vector.broadcast %jit3A_1200 : i32 to vector<16xi32>
        %max3A_1202 = arith.maxsi %max3A, %sub3A_1199 : vector<16xi32>
        %min3A = vector.broadcast %jit3A_1201 : i32 to vector<16xi32>
        %min3A_1203 = arith.minsi %min3A, %max3A_1202 : vector<16xi32>
        %gather3A = tpu.vector_load_idx %arg4[%min3A_1203] : memref<1152xf32, #tpu.memory_space<vmem>>[vector<16xi32>], vector<16xf32>,
        %swap3A = arith.index_cast %scan3A_1125 : i32 to index
        %swap3A_1204 = arith.index_cast %mul3A_1196 : i32 to index
        %swap3A_1205 = tpu.vector_load %arg5[%swap3A, %swap3A_1204] {strides = array<i32>} : memref<16x2944xf32, #tpu.memory_space<vmem>>, vector<16xf32>,
        tpu.vector_store %arg5[%swap3A, %swap3A_1204], %gather3A {strides = array<i32>} : memref<16x2944xf32, #tpu.memory_space<vmem>>, vector<16xf32>,
        %while3A_1206 = arith.constant 0 : i32
        scf.yield %while3A_1206 : i32
      }
      %scan3A_1192 = arith.constant 0 : i32
      scf.yield %scan3A_1192 : i32
    }
    %scan3A_741 = arith.constant 16 : i32
    %scan3A_742 = arith.constant 0 : i32
    %scan3A_743 = arith.constant 0 : i32
    %scan3A_744 = arith.constant 8 : i32
    %scan3A_745 = arith.addi %scan3A_743, %scan3A_744 : i32
    %scan3A_746 = arith.constant 1 : i32
    %scan3A_747 = scf.for %scan3A_1125 = %scan3A_743 to %scan3A_745 step %scan3A_746 iter_args(%scan3A_1126 = %scan3A_742) -> (i32)  : i32 {
      %mul3A_1127 = arith.constant 128 : i32
      %mul3A_1128 = arith.muli %mul3A_1127, %scan3A_1125 : i32
      %sub3A_1129 = arith.constant 896 : i32
      %sub3A_1130 = arith.subi %sub3A_1129, %mul3A_1128 : i32
      %multiple_of3A = tpu.assume_multiple %sub3A_1130, 128 : i32
      %mul3A_1131 = arith.constant 8 : i32
      %mul3A_1132 = arith.muli %mul3A_1131, %scan3A_1125 : i32
      %add3A_1133 = arith.constant 1 : i32
      %add3A_1134 = arith.addi %add3A_1133, %mul3A_1132 : i32
      %mul3A_1135 = arith.constant 16 : i32
      %mul3A_1136 = arith.muli %add3A_1134, %mul3A_1135 : i32
      %add3A_1137 = arith.addi %mul3A_32, %mul3A_1136 : i32
      %multiple_of3A_1138 = tpu.assume_multiple %add3A_1137, 16 : i32
      %dma_start3A = arith.constant 0 : i32
      %dma_start3A_1139 = tpu.memref_slice %arg5[%dma_start3A, %multiple_of3A] : memref<16x2944xf32, #tpu.memory_space<vmem>> -> memref<16x2048xf32, #tpu.memory_space<vmem>>
      %dma_start3A_1140 = arith.constant 0 : i32
      %dma_start3A_1141 = tpu.memref_slice %arg3[%select_n3A, %multiple_of3A_1138, %dma_start3A_1140] : memref<16x2048x2048xf32, #tpu.memory_space<hbm>> -> memref<1x16x2048xf32, #tpu.memory_space<hbm>>
      %dma_start3A_1142 = tpu.memref_squeeze %dma_start3A_1141 : memref<1x16x2048xf32, #tpu.memory_space<hbm>> -> memref<16x2048xf32, #tpu.memory_space<hbm>>
      %dma_start3A_1143 = arith.constant 0 : i32
      %dma_start3A_1144 = tpu.memref_slice %arg3[%select_n3A, %multiple_of3A_1138, %dma_start3A_1143] : memref<16x2048x2048xf32, #tpu.memory_space<hbm>> -> memref<1x16x2048xf32, #tpu.memory_space<hbm>>
      %dma_start3A_1145 = tpu.memref_squeeze %dma_start3A_1144 : memref<1x16x2048xf32, #tpu.memory_space<hbm>> -> memref<16x2048xf32, #tpu.memory_space<hbm>>
      %dma_start3A_1146 = arith.constant 0 : i32
      %dma_start3A_1147 = tpu.memref_slice %arg5[%dma_start3A_1146, %multiple_of3A] : memref<16x2944xf32, #tpu.memory_space<vmem>> -> memref<16x2048xf32, #tpu.memory_space<vmem>>
      tpu.enqueue_dma source(%dma_start3A_1147 : memref<16x2048xf32, #tpu.memory_space<vmem>>) target(%dma_start3A_1145 : memref<16x2048xf32, #tpu.memory_space<hbm>>) target_semaphore(%arg7 : memref<!tpu.dma_semaphore, #tpu.memory_space<semaphore_mem>>)
      %scan3A_1148 = arith.constant 0 : i32
      scf.yield %scan3A_1148 : i32
    }
    %scan3A_748 = arith.constant 8 : i32
    %dma_wait3A_749 = arith.constant 0 : i32
    %dma_wait3A_750 = arith.constant 0 : i32
    %dma_wait3A_751 = arith.constant 0 : i32
    %dma_wait3A_752 = tpu.memref_slice %arg5[%dma_wait3A_750, %dma_wait3A_751] : memref<16x2944xf32, #tpu.memory_space<vmem>> -> memref<16x2048xf32, #tpu.memory_space<vmem>>
    %dma_wait3A_753 = arith.constant 0 : i32
    %dma_wait3A_754 = arith.constant 0 : i32
    %dma_wait3A_755 = tpu.memref_slice %arg3[%dma_wait3A_749, %dma_wait3A_753, %dma_wait3A_754] : memref<16x2048x2048xf32, #tpu.memory_space<hbm>> -> memref<1x16x2048xf32, #tpu.memory_space<hbm>>
    %dma_wait3A_756 = tpu.memref_squeeze %dma_wait3A_755 : memref<1x16x2048xf32, #tpu.memory_space<hbm>> -> memref<16x2048xf32, #tpu.memory_space<hbm>>
    %dma_wait3A_757 = arith.constant 0 : i32
    %dma_wait3A_758 = arith.constant 0 : i32
    %dma_wait3A_759 = tpu.memref_slice %arg3[%dma_wait3A_749, %dma_wait3A_757, %dma_wait3A_758] : memref<16x2048x2048xf32, #tpu.memory_space<hbm>> -> memref<1x16x2048xf32, #tpu.memory_space<hbm>>
    %dma_wait3A_760 = tpu.memref_squeeze %dma_wait3A_759 : memref<1x16x2048xf32, #tpu.memory_space<hbm>> -> memref<16x2048xf32, #tpu.memory_space<hbm>>
    %dma_wait3A_761 = arith.constant 0 : i32
    %dma_wait3A_762 = arith.constant 0 : i32
    %dma_wait3A_763 = tpu.memref_slice %arg5[%dma_wait3A_761, %dma_wait3A_762] : memref<16x2944xf32, #tpu.memory_space<vmem>> -> memref<16x2048xf32, #tpu.memory_space<vmem>>
    tpu.wait_dma2 semaphore(%arg8 : memref<!tpu.dma_semaphore, #tpu.memory_space<semaphore_mem>>) src(%dma_wait3A_763 : memref<16x2048xf32, #tpu.memory_space<vmem>>) dst(%dma_wait3A_760 : memref<16x2048xf32, #tpu.memory_space<hbm>>)
    %dma_wait3A_764 = arith.constant 0 : i32
    %dma_wait3A_765 = arith.constant 0 : i32
    %dma_wait3A_766 = arith.constant 0 : i32
    %dma_wait3A_767 = tpu.memref_slice %arg5[%dma_wait3A_765, %dma_wait3A_766] : memref<16x2944xf32, #tpu.memory_space<vmem>> -> memref<16x2048xf32, #tpu.memory_space<vmem>>
    %dma_wait3A_768 = arith.constant 0 : i32
    %dma_wait3A_769 = arith.constant 0 : i32
    %dma_wait3A_770 = tpu.memref_slice %arg3[%dma_wait3A_764, %dma_wait3A_768, %dma_wait3A_769] : memref<16x2048x2048xf32, #tpu.memory_space<hbm>> -> memref<1x16x2048xf32, #tpu.memory_space<hbm>>
    %dma_wait3A_771 = tpu.memref_squeeze %dma_wait3A_770 : memref<1x16x2048xf32, #tpu.memory_space<hbm>> -> memref<16x2048xf32, #tpu.memory_space<hbm>>
    %dma_wait3A_772 = arith.constant 0 : i32
    %dma_wait3A_773 = arith.constant 0 : i32
    %dma_wait3A_774 = tpu.memref_slice %arg3[%dma_wait3A_764, %dma_wait3A_772, %dma_wait3A_773] : memref<16x2048x2048xf32, #tpu.memory_space<hbm>> -> memref<1x16x2048xf32, #tpu.memory_space<hbm>>
    %dma_wait3A_775 = tpu.memref_squeeze %dma_wait3A_774 : memref<1x16x2048xf32, #tpu.memory_space<hbm>> -> memref<16x2048xf32, #tpu.memory_space<hbm>>
    %dma_wait3A_776 = arith.constant 0 : i32
    %dma_wait3A_777 = arith.constant 0 : i32
    %dma_wait3A_778 = tpu.memref_slice %arg5[%dma_wait3A_776, %dma_wait3A_777] : memref<16x2944xf32, #tpu.memory_space<vmem>> -> memref<16x2048xf32, #tpu.memory_space<vmem>>
    tpu.wait_dma2 semaphore(%arg8 : memref<!tpu.dma_semaphore, #tpu.memory_space<semaphore_mem>>) src(%dma_wait3A_778 : memref<16x2048xf32, #tpu.memory_space<vmem>>) dst(%dma_wait3A_775 : memref<16x2048xf32, #tpu.memory_space<hbm>>)
    %dma_wait3A_779 = arith.constant 0 : i32
    %dma_wait3A_780 = arith.constant 0 : i32
    %dma_wait3A_781 = arith.constant 0 : i32
    %dma_wait3A_782 = tpu.memref_slice %arg5[%dma_wait3A_780, %dma_wait3A_781] : memref<16x2944xf32, #tpu.memory_space<vmem>> -> memref<16x2048xf32, #tpu.memory_space<vmem>>
    %dma_wait3A_783 = arith.constant 0 : i32
    %dma_wait3A_784 = arith.constant 0 : i32
    %dma_wait3A_785 = tpu.memref_slice %arg3[%dma_wait3A_779, %dma_wait3A_783, %dma_wait3A_784] : memref<16x2048x2048xf32, #tpu.memory_space<hbm>> -> memref<1x16x2048xf32, #tpu.memory_space<hbm>>
    %dma_wait3A_786 = tpu.memref_squeeze %dma_wait3A_785 : memref<1x16x2048xf32, #tpu.memory_space<hbm>> -> memref<16x2048xf32, #tpu.memory_space<hbm>>
    %dma_wait3A_787 = arith.constant 0 : i32
    %dma_wait3A_788 = arith.constant 0 : i32
    %dma_wait3A_789 = tpu.memref_slice %arg3[%dma_wait3A_779, %dma_wait3A_787, %dma_wait3A_788] : memref<16x2048x2048xf32, #tpu.memory_space<hbm>> -> memref<1x16x2048xf32, #tpu.memory_space<hbm>>
    %dma_wait3A_790 = tpu.memref_squeeze %dma_wait3A_789 : memref<1x16x2048xf32, #tpu.memory_space<hbm>> -> memref<16x2048xf32, #tpu.memory_space<hbm>>
    %dma_wait3A_791 = arith.constant 0 : i32
    %dma_wait3A_792 = arith.constant 0 : i32
    %dma_wait3A_793 = tpu.memref_slice %arg5[%dma_wait3A_791, %dma_wait3A_792] : memref<16x2944xf32, #tpu.memory_space<vmem>> -> memref<16x2048xf32, #tpu.memory_space<vmem>>
    tpu.wait_dma2 semaphore(%arg8 : memref<!tpu.dma_semaphore, #tpu.memory_space<semaphore_mem>>) src(%dma_wait3A_793 : memref<16x2048xf32, #tpu.memory_space<vmem>>) dst(%dma_wait3A_790 : memref<16x2048xf32, #tpu.memory_space<hbm>>)
    %dma_wait3A_794 = arith.constant 0 : i32
    %dma_wait3A_795 = arith.constant 0 : i32
    %dma_wait3A_796 = arith.constant 0 : i32
    %dma_wait3A_797 = tpu.memref_slice %arg5[%dma_wait3A_795, %dma_wait3A_796] : memref<16x2944xf32, #tpu.memory_space<vmem>> -> memref<16x2048xf32, #tpu.memory_space<vmem>>
    %dma_wait3A_798 = arith.constant 0 : i32
    %dma_wait3A_799 = arith.constant 0 : i32
    %dma_wait3A_800 = tpu.memref_slice %arg3[%dma_wait3A_794, %dma_wait3A_798, %dma_wait3A_799] : memref<16x2048x2048xf32, #tpu.memory_space<hbm>> -> memref<1x16x2048xf32, #tpu.memory_space<hbm>>
    %dma_wait3A_801 = tpu.memref_squeeze %dma_wait3A_800 : memref<1x16x2048xf32, #tpu.memory_space<hbm>> -> memref<16x2048xf32, #tpu.memory_space<hbm>>
    %dma_wait3A_802 = arith.constant 0 : i32
    %dma_wait3A_803 = arith.constant 0 : i32
    %dma_wait3A_804 = tpu.memref_slice %arg3[%dma_wait3A_794, %dma_wait3A_802, %dma_wait3A_803] : memref<16x2048x2048xf32, #tpu.memory_space<hbm>> -> memref<1x16x2048xf32, #tpu.memory_space<hbm>>
    %dma_wait3A_805 = tpu.memref_squeeze %dma_wait3A_804 : memref<1x16x2048xf32, #tpu.memory_space<hbm>> -> memref<16x2048xf32, #tpu.memory_space<hbm>>
    %dma_wait3A_806 = arith.constant 0 : i32
    %dma_wait3A_807 = arith.constant 0 : i32
    %dma_wait3A_808 = tpu.memref_slice %arg5[%dma_wait3A_806, %dma_wait3A_807] : memref<16x2944xf32, #tpu.memory_space<vmem>> -> memref<16x2048xf32, #tpu.memory_space<vmem>>
    tpu.wait_dma2 semaphore(%arg8 : memref<!tpu.dma_semaphore, #tpu.memory_space<semaphore_mem>>) src(%dma_wait3A_808 : memref<16x2048xf32, #tpu.memory_space<vmem>>) dst(%dma_wait3A_805 : memref<16x2048xf32, #tpu.memory_space<hbm>>)
    %dma_wait3A_809 = arith.constant 0 : i32
    %dma_wait3A_810 = arith.constant 0 : i32
    %dma_wait3A_811 = arith.constant 0 : i32
    %dma_wait3A_812 = tpu.memref_slice %arg5[%dma_wait3A_810, %dma_wait3A_811] : memref<16x2944xf32, #tpu.memory_space<vmem>> -> memref<16x2048xf32, #tpu.memory_space<vmem>>
    %dma_wait3A_813 = arith.constant 0 : i32
    %dma_wait3A_814 = arith.constant 0 : i32
    %dma_wait3A_815 = tpu.memref_slice %arg3[%dma_wait3A_809, %dma_wait3A_813, %dma_wait3A_814] : memref<16x2048x2048xf32, #tpu.memory_space<hbm>> -> memref<1x16x2048xf32, #tpu.memory_space<hbm>>
    %dma_wait3A_816 = tpu.memref_squeeze %dma_wait3A_815 : memref<1x16x2048xf32, #tpu.memory_space<hbm>> -> memref<16x2048xf32, #tpu.memory_space<hbm>>
    %dma_wait3A_817 = arith.constant 0 : i32
    %dma_wait3A_818 = arith.constant 0 : i32
    %dma_wait3A_819 = tpu.memref_slice %arg3[%dma_wait3A_809, %dma_wait3A_817, %dma_wait3A_818] : memref<16x2048x2048xf32, #tpu.memory_space<hbm>> -> memref<1x16x2048xf32, #tpu.memory_space<hbm>>
    %dma_wait3A_820 = tpu.memref_squeeze %dma_wait3A_819 : memref<1x16x2048xf32, #tpu.memory_space<hbm>> -> memref<16x2048xf32, #tpu.memory_space<hbm>>
    %dma_wait3A_821 = arith.constant 0 : i32
    %dma_wait3A_822 = arith.constant 0 : i32
    %dma_wait3A_823 = tpu.memref_slice %arg5[%dma_wait3A_821, %dma_wait3A_822] : memref<16x2944xf32, #tpu.memory_space<vmem>> -> memref<16x2048xf32, #tpu.memory_space<vmem>>
    tpu.wait_dma2 semaphore(%arg8 : memref<!tpu.dma_semaphore, #tpu.memory_space<semaphore_mem>>) src(%dma_wait3A_823 : memref<16x2048xf32, #tpu.memory_space<vmem>>) dst(%dma_wait3A_820 : memref<16x2048xf32, #tpu.memory_space<hbm>>)
    %dma_wait3A_824 = arith.constant 0 : i32
    %dma_wait3A_825 = arith.constant 0 : i32
    %dma_wait3A_826 = arith.constant 0 : i32
    %dma_wait3A_827 = tpu.memref_slice %arg5[%dma_wait3A_825, %dma_wait3A_826] : memref<16x2944xf32, #tpu.memory_space<vmem>> -> memref<16x2048xf32, #tpu.memory_space<vmem>>
    %dma_wait3A_828 = arith.constant 0 : i32
    %dma_wait3A_829 = arith.constant 0 : i32
    %dma_wait3A_830 = tpu.memref_slice %arg3[%dma_wait3A_824, %dma_wait3A_828, %dma_wait3A_829] : memref<16x2048x2048xf32, #tpu.memory_space<hbm>> -> memref<1x16x2048xf32, #tpu.memory_space<hbm>>
    %dma_wait3A_831 = tpu.memref_squeeze %dma_wait3A_830 : memref<1x16x2048xf32, #tpu.memory_space<hbm>> -> memref<16x2048xf32, #tpu.memory_space<hbm>>
    %dma_wait3A_832 = arith.constant 0 : i32
    %dma_wait3A_833 = arith.constant 0 : i32
    %dma_wait3A_834 = tpu.memref_slice %arg3[%dma_wait3A_824, %dma_wait3A_832, %dma_wait3A_833] : memref<16x2048x2048xf32, #tpu.memory_space<hbm>> -> memref<1x16x2048xf32, #tpu.memory_space<hbm>>
    %dma_wait3A_835 = tpu.memref_squeeze %dma_wait3A_834 : memref<1x16x2048xf32, #tpu.memory_space<hbm>> -> memref<16x2048xf32, #tpu.memory_space<hbm>>
    %dma_wait3A_836 = arith.constant 0 : i32
    %dma_wait3A_837 = arith.constant 0 : i32
    %dma_wait3A_838 = tpu.memref_slice %arg5[%dma_wait3A_836, %dma_wait3A_837] : memref<16x2944xf32, #tpu.memory_space<vmem>> -> memref<16x2048xf32, #tpu.memory_space<vmem>>
    tpu.wait_dma2 semaphore(%arg8 : memref<!tpu.dma_semaphore, #tpu.memory_space<semaphore_mem>>) src(%dma_wait3A_838 : memref<16x2048xf32, #tpu.memory_space<vmem>>) dst(%dma_wait3A_835 : memref<16x2048xf32, #tpu.memory_space<hbm>>)
    %dma_wait3A_839 = arith.constant 0 : i32
    %dma_wait3A_840 = arith.constant 0 : i32
    %dma_wait3A_841 = arith.constant 0 : i32
    %dma_wait3A_842 = tpu.memref_slice %arg5[%dma_wait3A_840, %dma_wait3A_841] : memref<16x2944xf32, #tpu.memory_space<vmem>> -> memref<16x2048xf32, #tpu.memory_space<vmem>>
    %dma_wait3A_843 = arith.constant 0 : i32
    %dma_wait3A_844 = arith.constant 0 : i32
    %dma_wait3A_845 = tpu.memref_slice %arg3[%dma_wait3A_839, %dma_wait3A_843, %dma_wait3A_844] : memref<16x2048x2048xf32, #tpu.memory_space<hbm>> -> memref<1x16x2048xf32, #tpu.memory_space<hbm>>
    %dma_wait3A_846 = tpu.memref_squeeze %dma_wait3A_845 : memref<1x16x2048xf32, #tpu.memory_space<hbm>> -> memref<16x2048xf32, #tpu.memory_space<hbm>>
    %dma_wait3A_847 = arith.constant 0 : i32
    %dma_wait3A_848 = arith.constant 0 : i32
    %dma_wait3A_849 = tpu.memref_slice %arg3[%dma_wait3A_839, %dma_wait3A_847, %dma_wait3A_848] : memref<16x2048x2048xf32, #tpu.memory_space<hbm>> -> memref<1x16x2048xf32, #tpu.memory_space<hbm>>
    %dma_wait3A_850 = tpu.memref_squeeze %dma_wait3A_849 : memref<1x16x2048xf32, #tpu.memory_space<hbm>> -> memref<16x2048xf32, #tpu.memory_space<hbm>>
    %dma_wait3A_851 = arith.constant 0 : i32
    %dma_wait3A_852 = arith.constant 0 : i32
    %dma_wait3A_853 = tpu.memref_slice %arg5[%dma_wait3A_851, %dma_wait3A_852] : memref<16x2944xf32, #tpu.memory_space<vmem>> -> memref<16x2048xf32, #tpu.memory_space<vmem>>
    tpu.wait_dma2 semaphore(%arg8 : memref<!tpu.dma_semaphore, #tpu.memory_space<semaphore_mem>>) src(%dma_wait3A_853 : memref<16x2048xf32, #tpu.memory_space<vmem>>) dst(%dma_wait3A_850 : memref<16x2048xf32, #tpu.memory_space<hbm>>)
    %dma_wait3A_854 = arith.constant 0 : i32
    %dma_wait3A_855 = arith.constant 0 : i32
    %dma_wait3A_856 = arith.constant 0 : i32
    %dma_wait3A_857 = tpu.memref_slice %arg5[%dma_wait3A_855, %dma_wait3A_856] : memref<16x2944xf32, #tpu.memory_space<vmem>> -> memref<16x2048xf32, #tpu.memory_space<vmem>>
    %dma_wait3A_858 = arith.constant 0 : i32
    %dma_wait3A_859 = arith.constant 0 : i32
    %dma_wait3A_860 = tpu.memref_slice %arg3[%dma_wait3A_854, %dma_wait3A_858, %dma_wait3A_859] : memref<16x2048x2048xf32, #tpu.memory_space<hbm>> -> memref<1x16x2048xf32, #tpu.memory_space<hbm>>
    %dma_wait3A_861 = tpu.memref_squeeze %dma_wait3A_860 : memref<1x16x2048xf32, #tpu.memory_space<hbm>> -> memref<16x2048xf32, #tpu.memory_space<hbm>>
    %dma_wait3A_862 = arith.constant 0 : i32
    %dma_wait3A_863 = arith.constant 0 : i32
    %dma_wait3A_864 = tpu.memref_slice %arg3[%dma_wait3A_854, %dma_wait3A_862, %dma_wait3A_863] : memref<16x2048x2048xf32, #tpu.memory_space<hbm>> -> memref<1x16x2048xf32, #tpu.memory_space<hbm>>
    %dma_wait3A_865 = tpu.memref_squeeze %dma_wait3A_864 : memref<1x16x2048xf32, #tpu.memory_space<hbm>> -> memref<16x2048xf32, #tpu.memory_space<hbm>>
    %dma_wait3A_866 = arith.constant 0 : i32
    %dma_wait3A_867 = arith.constant 0 : i32
    %dma_wait3A_868 = tpu.memref_slice %arg5[%dma_wait3A_866, %dma_wait3A_867] : memref<16x2944xf32, #tpu.memory_space<vmem>> -> memref<16x2048xf32, #tpu.memory_space<vmem>>
    tpu.wait_dma2 semaphore(%arg8 : memref<!tpu.dma_semaphore, #tpu.memory_space<semaphore_mem>>) src(%dma_wait3A_868 : memref<16x2048xf32, #tpu.memory_space<vmem>>) dst(%dma_wait3A_865 : memref<16x2048xf32, #tpu.memory_space<hbm>>)
    %sub3A_869 = arith.constant 2432 : i32
    %sub3A_870 = arith.subi %sub3A_869, %mul3A_36 : i32
    %scan3A_871 = arith.constant 0 : i32
    %scan3A_872 = arith.constant 0 : i32
    %scan3A_873 = arith.constant 16 : i32
    %scan3A_874 = arith.addi %scan3A_872, %scan3A_873 : i32
    %scan3A_875 = arith.constant 1 : i32
    %scan3A_876 = scf.for %scan3A_1125 = %scan3A_872 to %scan3A_874 step %scan3A_875 iter_args(%scan3A_1126 = %scan3A_871) -> (i32)  : i32 {
      %add3A_1127 = arith.addi %sub3A_870, %scan3A_1125 : i32
      %sub3A_1128 = arith.constant 1024 : i32
      %sub3A_1129 = arith.subi %add3A_1127, %sub3A_1128 : i32
      %jit3A_1130 = arith.constant 16 : i32
      %div3A_1131 = arith.divsi %sub3A_1129, %jit3A_1130 : i32
      %sign3A_1132 = arith.constant 0 : i32
      %sign3A_1133 = arith.cmpi sgt, %sub3A_1129, %sign3A_1132 : i32
      %sign3A_1134 = arith.extui %sign3A_1133 : i1 to i32
      %sign3A_1135 = arith.constant 0 : i32
      %sign3A_1136 = arith.cmpi slt, %sub3A_1129, %sign3A_1135 : i32
      %sign3A_1137 = arith.extui %sign3A_1136 : i1 to i32
      %sign3A_1138 = arith.subi %sign3A_1134, %sign3A_1137 : i32
      %sign3A_1139 = arith.constant 0 : i32
      %sign3A_1140 = arith.cmpi sgt, %jit3A_1130, %sign3A_1139 : i32
      %sign3A_1141 = arith.extui %sign3A_1140 : i1 to i32
      %sign3A_1142 = arith.constant 0 : i32
      %sign3A_1143 = arith.cmpi slt, %jit3A_1130, %sign3A_1142 : i32
      %sign3A_1144 = arith.extui %sign3A_1143 : i1 to i32
      %sign3A_1145 = arith.subi %sign3A_1141, %sign3A_1144 : i32
      %ne3A_1146 = arith.cmpi ne, %sign3A_1138, %sign3A_1145 : i32
      %rem3A_1147 = arith.remsi %sub3A_1129, %jit3A_1130 : i32
      %ne3A_1148 = arith.constant 0 : i32
      %ne3A_1149 = arith.cmpi ne, %rem3A_1147, %ne3A_1148 : i32
      %and3A_1150 = arith.andi %ne3A_1146, %ne3A_1149 : i1
      %sub3A_1151 = arith.constant 1 : i32
      %sub3A_1152 = arith.subi %div3A_1131, %sub3A_1151 : i32
      %select_n3A_1153 = arith.select %and3A_1150, %sub3A_1152, %div3A_1131 : i32
      %add3A_1154 = arith.constant 15 : i32
      %add3A_1155 = arith.addi %add3A_1127, %add3A_1154 : i32
      %jit3A_1156 = arith.constant 16 : i32
      %div3A_1157 = arith.divsi %add3A_1155, %jit3A_1156 : i32
      %sign3A_1158 = arith.constant 0 : i32
      %sign3A_1159 = arith.cmpi sgt, %add3A_1155, %sign3A_1158 : i32
      %sign3A_1160 = arith.extui %sign3A_1159 : i1 to i32
      %sign3A_1161 = arith.constant 0 : i32
      %sign3A_1162 = arith.cmpi slt, %add3A_1155, %sign3A_1161 : i32
      %sign3A_1163 = arith.extui %sign3A_1162 : i1 to i32
      %sign3A_1164 = arith.subi %sign3A_1160, %sign3A_1163 : i32
      %sign3A_1165 = arith.constant 0 : i32
      %sign3A_1166 = arith.cmpi sgt, %jit3A_1156, %sign3A_1165 : i32
      %sign3A_1167 = arith.extui %sign3A_1166 : i1 to i32
      %sign3A_1168 = arith.constant 0 : i32
      %sign3A_1169 = arith.cmpi slt, %jit3A_1156, %sign3A_1168 : i32
      %sign3A_1170 = arith.extui %sign3A_1169 : i1 to i32
      %sign3A_1171 = arith.subi %sign3A_1167, %sign3A_1170 : i32
      %ne3A_1172 = arith.cmpi ne, %sign3A_1164, %sign3A_1171 : i32
      %rem3A_1173 = arith.remsi %add3A_1155, %jit3A_1156 : i32
      %ne3A_1174 = arith.constant 0 : i32
      %ne3A_1175 = arith.cmpi ne, %rem3A_1173, %ne3A_1174 : i32
      %and3A_1176 = arith.andi %ne3A_1172, %ne3A_1175 : i1
      %sub3A_1177 = arith.constant 1 : i32
      %sub3A_1178 = arith.subi %div3A_1157, %sub3A_1177 : i32
      %select_n3A_1179 = arith.select %and3A_1176, %sub3A_1178, %div3A_1157 : i32
      %add3A_1180 = arith.constant 2 : i32
      %add3A_1181 = arith.addi %select_n3A_1179, %add3A_1180 : i32
      %while3A = arith.constant 0 : i32
      %while3A_1182 = arith.subi %add3A_1181, %select_n3A_1153 : i32
      %while3A_1183 = arith.addi %select_n3A_1153, %while3A_1182 : i32
      %while3A_1184 = arith.constant 1 : i32
      %while3A_1185 = arith.divsi %while3A_1182, %while3A_1184 : i32
      %while3A_1186 = arith.muli %while3A_1185, %while3A_1184 : i32
      %while3A_1187 = arith.addi %select_n3A_1153, %while3A_1186 : i32
      %while3A_1188 = arith.constant 1 : i32
      %while3A_1189 = scf.for %while3A_1193 = %select_n3A_1153 to %while3A_1187 step %while3A_1188 iter_args(%while3A_1194 = %while3A) -> (i32)  : i32 {
        %mul3A_1195 = arith.constant 16 : i32
        %mul3A_1196 = arith.muli %while3A_1193, %mul3A_1195 : i32
        %sub3A_1197 = arith.subi %add3A_1127, %mul3A_1196 : i32
        %sub3A_1198 = vector.broadcast %sub3A_1197 : i32 to vector<16xi32>
        %sub3A_1199 = arith.subi %sub3A_1198, %iota3A : vector<16xi32>
        %jit3A_1200 = arith.constant 0 : i32
        %jit3A_1201 = arith.constant 1024 : i32
        %max3A = vector.broadcast %jit3A_1200 : i32 to vector<16xi32>
        %max3A_1202 = arith.maxsi %max3A, %sub3A_1199 : vector<16xi32>
        %min3A = vector.broadcast %jit3A_1201 : i32 to vector<16xi32>
        %min3A_1203 = arith.minsi %min3A, %max3A_1202 : vector<16xi32>
        %gather3A = tpu.vector_load_idx %arg4[%min3A_1203] : memref<1152xf32, #tpu.memory_space<vmem>>[vector<16xi32>], vector<16xf32>,
        %swap3A = arith.index_cast %scan3A_1125 : i32 to index
        %swap3A_1204 = arith.index_cast %mul3A_1196 : i32 to index
        %swap3A_1205 = tpu.vector_load %arg6[%swap3A, %swap3A_1204] {strides = array<i32>} : memref<16x2944xf32, #tpu.memory_space<vmem>>, vector<16xf32>,
        tpu.vector_store %arg6[%swap3A, %swap3A_1204], %gather3A {strides = array<i32>} : memref<16x2944xf32, #tpu.memory_space<vmem>>, vector<16xf32>,
        %while3A_1206 = arith.constant 0 : i32
        scf.yield %while3A_1206 : i32
      }
      %while3A_1190 = arith.constant 1 : i32
      %while3A_1191 = scf.for %while3A_1193 = %while3A_1187 to %while3A_1183 step %while3A_1190 iter_args(%while3A_1194 = %while3A_1189) -> (i32)  : i32 {
        %mul3A_1195 = arith.constant 16 : i32
        %mul3A_1196 = arith.muli %while3A_1193, %mul3A_1195 : i32
        %sub3A_1197 = arith.subi %add3A_1127, %mul3A_1196 : i32
        %sub3A_1198 = vector.broadcast %sub3A_1197 : i32 to vector<16xi32>
        %sub3A_1199 = arith.subi %sub3A_1198, %iota3A : vector<16xi32>
        %jit3A_1200 = arith.constant 0 : i32
        %jit3A_1201 = arith.constant 1024 : i32
        %max3A = vector.broadcast %jit3A_1200 : i32 to vector<16xi32>
        %max3A_1202 = arith.maxsi %max3A, %sub3A_1199 : vector<16xi32>
        %min3A = vector.broadcast %jit3A_1201 : i32 to vector<16xi32>
        %min3A_1203 = arith.minsi %min3A, %max3A_1202 : vector<16xi32>
        %gather3A = tpu.vector_load_idx %arg4[%min3A_1203] : memref<1152xf32, #tpu.memory_space<vmem>>[vector<16xi32>], vector<16xf32>,
        %swap3A = arith.index_cast %scan3A_1125 : i32 to index
        %swap3A_1204 = arith.index_cast %mul3A_1196 : i32 to index
        %swap3A_1205 = tpu.vector_load %arg6[%swap3A, %swap3A_1204] {strides = array<i32>} : memref<16x2944xf32, #tpu.memory_space<vmem>>, vector<16xf32>,
        tpu.vector_store %arg6[%swap3A, %swap3A_1204], %gather3A {strides = array<i32>} : memref<16x2944xf32, #tpu.memory_space<vmem>>, vector<16xf32>,
        %while3A_1206 = arith.constant 0 : i32
        scf.yield %while3A_1206 : i32
      }
      %scan3A_1192 = arith.constant 0 : i32
      scf.yield %scan3A_1192 : i32
    }
    %scan3A_877 = arith.constant 16 : i32
    %scan3A_878 = arith.constant 0 : i32
    %scan3A_879 = arith.constant 0 : i32
    %scan3A_880 = arith.constant 8 : i32
    %scan3A_881 = arith.addi %scan3A_879, %scan3A_880 : i32
    %scan3A_882 = arith.constant 1 : i32
    %scan3A_883 = scf.for %scan3A_1125 = %scan3A_879 to %scan3A_881 step %scan3A_882 iter_args(%scan3A_1126 = %scan3A_878) -> (i32)  : i32 {
      %mul3A_1127 = arith.constant 128 : i32
      %mul3A_1128 = arith.muli %mul3A_1127, %scan3A_1125 : i32
      %sub3A_1129 = arith.constant 896 : i32
      %sub3A_1130 = arith.subi %sub3A_1129, %mul3A_1128 : i32
      %multiple_of3A = tpu.assume_multiple %sub3A_1130, 128 : i32
      %mul3A_1131 = arith.constant 8 : i32
      %mul3A_1132 = arith.muli %mul3A_1131, %scan3A_1125 : i32
      %add3A_1133 = arith.constant 0 : i32
      %add3A_1134 = arith.addi %add3A_1133, %mul3A_1132 : i32
      %mul3A_1135 = arith.constant 16 : i32
      %mul3A_1136 = arith.muli %add3A_1134, %mul3A_1135 : i32
      %add3A_1137 = arith.addi %mul3A_32, %mul3A_1136 : i32
      %multiple_of3A_1138 = tpu.assume_multiple %add3A_1137, 16 : i32
      %dma_start3A = arith.constant 0 : i32
      %dma_start3A_1139 = tpu.memref_slice %arg6[%dma_start3A, %multiple_of3A] : memref<16x2944xf32, #tpu.memory_space<vmem>> -> memref<16x2048xf32, #tpu.memory_space<vmem>>
      %dma_start3A_1140 = arith.constant 0 : i32
      %dma_start3A_1141 = tpu.memref_slice %arg3[%select_n3A, %multiple_of3A_1138, %dma_start3A_1140] : memref<16x2048x2048xf32, #tpu.memory_space<hbm>> -> memref<1x16x2048xf32, #tpu.memory_space<hbm>>
      %dma_start3A_1142 = tpu.memref_squeeze %dma_start3A_1141 : memref<1x16x2048xf32, #tpu.memory_space<hbm>> -> memref<16x2048xf32, #tpu.memory_space<hbm>>
      %dma_start3A_1143 = arith.constant 0 : i32
      %dma_start3A_1144 = tpu.memref_slice %arg3[%select_n3A, %multiple_of3A_1138, %dma_start3A_1143] : memref<16x2048x2048xf32, #tpu.memory_space<hbm>> -> memref<1x16x2048xf32, #tpu.memory_space<hbm>>
      %dma_start3A_1145 = tpu.memref_squeeze %dma_start3A_1144 : memref<1x16x2048xf32, #tpu.memory_space<hbm>> -> memref<16x2048xf32, #tpu.memory_space<hbm>>
      %dma_start3A_1146 = arith.constant 0 : i32
      %dma_start3A_1147 = tpu.memref_slice %arg6[%dma_start3A_1146, %multiple_of3A] : memref<16x2944xf32, #tpu.memory_space<vmem>> -> memref<16x2048xf32, #tpu.memory_space<vmem>>
      tpu.enqueue_dma source(%dma_start3A_1147 : memref<16x2048xf32, #tpu.memory_space<vmem>>) target(%dma_start3A_1145 : memref<16x2048xf32, #tpu.memory_space<hbm>>) target_semaphore(%arg8 : memref<!tpu.dma_semaphore, #tpu.memory_space<semaphore_mem>>)
      %scan3A_1148 = arith.constant 0 : i32
      scf.yield %scan3A_1148 : i32
    }
    %scan3A_884 = arith.constant 8 : i32
    %dma_wait3A_885 = arith.constant 0 : i32
    %dma_wait3A_886 = arith.constant 0 : i32
    %dma_wait3A_887 = arith.constant 0 : i32
    %dma_wait3A_888 = tpu.memref_slice %arg5[%dma_wait3A_886, %dma_wait3A_887] : memref<16x2944xf32, #tpu.memory_space<vmem>> -> memref<16x2048xf32, #tpu.memory_space<vmem>>
    %dma_wait3A_889 = arith.constant 0 : i32
    %dma_wait3A_890 = arith.constant 0 : i32
    %dma_wait3A_891 = tpu.memref_slice %arg3[%dma_wait3A_885, %dma_wait3A_889, %dma_wait3A_890] : memref<16x2048x2048xf32, #tpu.memory_space<hbm>> -> memref<1x16x2048xf32, #tpu.memory_space<hbm>>
    %dma_wait3A_892 = tpu.memref_squeeze %dma_wait3A_891 : memref<1x16x2048xf32, #tpu.memory_space<hbm>> -> memref<16x2048xf32, #tpu.memory_space<hbm>>
    %dma_wait3A_893 = arith.constant 0 : i32
    %dma_wait3A_894 = arith.constant 0 : i32
    %dma_wait3A_895 = tpu.memref_slice %arg3[%dma_wait3A_885, %dma_wait3A_893, %dma_wait3A_894] : memref<16x2048x2048xf32, #tpu.memory_space<hbm>> -> memref<1x16x2048xf32, #tpu.memory_space<hbm>>
    %dma_wait3A_896 = tpu.memref_squeeze %dma_wait3A_895 : memref<1x16x2048xf32, #tpu.memory_space<hbm>> -> memref<16x2048xf32, #tpu.memory_space<hbm>>
    %dma_wait3A_897 = arith.constant 0 : i32
    %dma_wait3A_898 = arith.constant 0 : i32
    %dma_wait3A_899 = tpu.memref_slice %arg5[%dma_wait3A_897, %dma_wait3A_898] : memref<16x2944xf32, #tpu.memory_space<vmem>> -> memref<16x2048xf32, #tpu.memory_space<vmem>>
    tpu.wait_dma2 semaphore(%arg7 : memref<!tpu.dma_semaphore, #tpu.memory_space<semaphore_mem>>) src(%dma_wait3A_899 : memref<16x2048xf32, #tpu.memory_space<vmem>>) dst(%dma_wait3A_896 : memref<16x2048xf32, #tpu.memory_space<hbm>>)
    %dma_wait3A_900 = arith.constant 0 : i32
    %dma_wait3A_901 = arith.constant 0 : i32
    %dma_wait3A_902 = arith.constant 0 : i32
    %dma_wait3A_903 = tpu.memref_slice %arg5[%dma_wait3A_901, %dma_wait3A_902] : memref<16x2944xf32, #tpu.memory_space<vmem>> -> memref<16x2048xf32, #tpu.memory_space<vmem>>
    %dma_wait3A_904 = arith.constant 0 : i32
    %dma_wait3A_905 = arith.constant 0 : i32
    %dma_wait3A_906 = tpu.memref_slice %arg3[%dma_wait3A_900, %dma_wait3A_904, %dma_wait3A_905] : memref<16x2048x2048xf32, #tpu.memory_space<hbm>> -> memref<1x16x2048xf32, #tpu.memory_space<hbm>>
    %dma_wait3A_907 = tpu.memref_squeeze %dma_wait3A_906 : memref<1x16x2048xf32, #tpu.memory_space<hbm>> -> memref<16x2048xf32, #tpu.memory_space<hbm>>
    %dma_wait3A_908 = arith.constant 0 : i32
    %dma_wait3A_909 = arith.constant 0 : i32
    %dma_wait3A_910 = tpu.memref_slice %arg3[%dma_wait3A_900, %dma_wait3A_908, %dma_wait3A_909] : memref<16x2048x2048xf32, #tpu.memory_space<hbm>> -> memref<1x16x2048xf32, #tpu.memory_space<hbm>>
    %dma_wait3A_911 = tpu.memref_squeeze %dma_wait3A_910 : memref<1x16x2048xf32, #tpu.memory_space<hbm>> -> memref<16x2048xf32, #tpu.memory_space<hbm>>
    %dma_wait3A_912 = arith.constant 0 : i32
    %dma_wait3A_913 = arith.constant 0 : i32
    %dma_wait3A_914 = tpu.memref_slice %arg5[%dma_wait3A_912, %dma_wait3A_913] : memref<16x2944xf32, #tpu.memory_space<vmem>> -> memref<16x2048xf32, #tpu.memory_space<vmem>>
    tpu.wait_dma2 semaphore(%arg7 : memref<!tpu.dma_semaphore, #tpu.memory_space<semaphore_mem>>) src(%dma_wait3A_914 : memref<16x2048xf32, #tpu.memory_space<vmem>>) dst(%dma_wait3A_911 : memref<16x2048xf32, #tpu.memory_space<hbm>>)
    %dma_wait3A_915 = arith.constant 0 : i32
    %dma_wait3A_916 = arith.constant 0 : i32
    %dma_wait3A_917 = arith.constant 0 : i32
    %dma_wait3A_918 = tpu.memref_slice %arg5[%dma_wait3A_916, %dma_wait3A_917] : memref<16x2944xf32, #tpu.memory_space<vmem>> -> memref<16x2048xf32, #tpu.memory_space<vmem>>
    %dma_wait3A_919 = arith.constant 0 : i32
    %dma_wait3A_920 = arith.constant 0 : i32
    %dma_wait3A_921 = tpu.memref_slice %arg3[%dma_wait3A_915, %dma_wait3A_919, %dma_wait3A_920] : memref<16x2048x2048xf32, #tpu.memory_space<hbm>> -> memref<1x16x2048xf32, #tpu.memory_space<hbm>>
    %dma_wait3A_922 = tpu.memref_squeeze %dma_wait3A_921 : memref<1x16x2048xf32, #tpu.memory_space<hbm>> -> memref<16x2048xf32, #tpu.memory_space<hbm>>
    %dma_wait3A_923 = arith.constant 0 : i32
    %dma_wait3A_924 = arith.constant 0 : i32
    %dma_wait3A_925 = tpu.memref_slice %arg3[%dma_wait3A_915, %dma_wait3A_923, %dma_wait3A_924] : memref<16x2048x2048xf32, #tpu.memory_space<hbm>> -> memref<1x16x2048xf32, #tpu.memory_space<hbm>>
    %dma_wait3A_926 = tpu.memref_squeeze %dma_wait3A_925 : memref<1x16x2048xf32, #tpu.memory_space<hbm>> -> memref<16x2048xf32, #tpu.memory_space<hbm>>
    %dma_wait3A_927 = arith.constant 0 : i32
    %dma_wait3A_928 = arith.constant 0 : i32
    %dma_wait3A_929 = tpu.memref_slice %arg5[%dma_wait3A_927, %dma_wait3A_928] : memref<16x2944xf32, #tpu.memory_space<vmem>> -> memref<16x2048xf32, #tpu.memory_space<vmem>>
    tpu.wait_dma2 semaphore(%arg7 : memref<!tpu.dma_semaphore, #tpu.memory_space<semaphore_mem>>) src(%dma_wait3A_929 : memref<16x2048xf32, #tpu.memory_space<vmem>>) dst(%dma_wait3A_926 : memref<16x2048xf32, #tpu.memory_space<hbm>>)
    %dma_wait3A_930 = arith.constant 0 : i32
    %dma_wait3A_931 = arith.constant 0 : i32
    %dma_wait3A_932 = arith.constant 0 : i32
    %dma_wait3A_933 = tpu.memref_slice %arg5[%dma_wait3A_931, %dma_wait3A_932] : memref<16x2944xf32, #tpu.memory_space<vmem>> -> memref<16x2048xf32, #tpu.memory_space<vmem>>
    %dma_wait3A_934 = arith.constant 0 : i32
    %dma_wait3A_935 = arith.constant 0 : i32
    %dma_wait3A_936 = tpu.memref_slice %arg3[%dma_wait3A_930, %dma_wait3A_934, %dma_wait3A_935] : memref<16x2048x2048xf32, #tpu.memory_space<hbm>> -> memref<1x16x2048xf32, #tpu.memory_space<hbm>>
    %dma_wait3A_937 = tpu.memref_squeeze %dma_wait3A_936 : memref<1x16x2048xf32, #tpu.memory_space<hbm>> -> memref<16x2048xf32, #tpu.memory_space<hbm>>
    %dma_wait3A_938 = arith.constant 0 : i32
    %dma_wait3A_939 = arith.constant 0 : i32
    %dma_wait3A_940 = tpu.memref_slice %arg3[%dma_wait3A_930, %dma_wait3A_938, %dma_wait3A_939] : memref<16x2048x2048xf32, #tpu.memory_space<hbm>> -> memref<1x16x2048xf32, #tpu.memory_space<hbm>>
    %dma_wait3A_941 = tpu.memref_squeeze %dma_wait3A_940 : memref<1x16x2048xf32, #tpu.memory_space<hbm>> -> memref<16x2048xf32, #tpu.memory_space<hbm>>
    %dma_wait3A_942 = arith.constant 0 : i32
    %dma_wait3A_943 = arith.constant 0 : i32
    %dma_wait3A_944 = tpu.memref_slice %arg5[%dma_wait3A_942, %dma_wait3A_943] : memref<16x2944xf32, #tpu.memory_space<vmem>> -> memref<16x2048xf32, #tpu.memory_space<vmem>>
    tpu.wait_dma2 semaphore(%arg7 : memref<!tpu.dma_semaphore, #tpu.memory_space<semaphore_mem>>) src(%dma_wait3A_944 : memref<16x2048xf32, #tpu.memory_space<vmem>>) dst(%dma_wait3A_941 : memref<16x2048xf32, #tpu.memory_space<hbm>>)
    %dma_wait3A_945 = arith.constant 0 : i32
    %dma_wait3A_946 = arith.constant 0 : i32
    %dma_wait3A_947 = arith.constant 0 : i32
    %dma_wait3A_948 = tpu.memref_slice %arg5[%dma_wait3A_946, %dma_wait3A_947] : memref<16x2944xf32, #tpu.memory_space<vmem>> -> memref<16x2048xf32, #tpu.memory_space<vmem>>
    %dma_wait3A_949 = arith.constant 0 : i32
    %dma_wait3A_950 = arith.constant 0 : i32
    %dma_wait3A_951 = tpu.memref_slice %arg3[%dma_wait3A_945, %dma_wait3A_949, %dma_wait3A_950] : memref<16x2048x2048xf32, #tpu.memory_space<hbm>> -> memref<1x16x2048xf32, #tpu.memory_space<hbm>>
    %dma_wait3A_952 = tpu.memref_squeeze %dma_wait3A_951 : memref<1x16x2048xf32, #tpu.memory_space<hbm>> -> memref<16x2048xf32, #tpu.memory_space<hbm>>
    %dma_wait3A_953 = arith.constant 0 : i32
    %dma_wait3A_954 = arith.constant 0 : i32
    %dma_wait3A_955 = tpu.memref_slice %arg3[%dma_wait3A_945, %dma_wait3A_953, %dma_wait3A_954] : memref<16x2048x2048xf32, #tpu.memory_space<hbm>> -> memref<1x16x2048xf32, #tpu.memory_space<hbm>>
    %dma_wait3A_956 = tpu.memref_squeeze %dma_wait3A_955 : memref<1x16x2048xf32, #tpu.memory_space<hbm>> -> memref<16x2048xf32, #tpu.memory_space<hbm>>
    %dma_wait3A_957 = arith.constant 0 : i32
    %dma_wait3A_958 = arith.constant 0 : i32
    %dma_wait3A_959 = tpu.memref_slice %arg5[%dma_wait3A_957, %dma_wait3A_958] : memref<16x2944xf32, #tpu.memory_space<vmem>> -> memref<16x2048xf32, #tpu.memory_space<vmem>>
    tpu.wait_dma2 semaphore(%arg7 : memref<!tpu.dma_semaphore, #tpu.memory_space<semaphore_mem>>) src(%dma_wait3A_959 : memref<16x2048xf32, #tpu.memory_space<vmem>>) dst(%dma_wait3A_956 : memref<16x2048xf32, #tpu.memory_space<hbm>>)
    %dma_wait3A_960 = arith.constant 0 : i32
    %dma_wait3A_961 = arith.constant 0 : i32
    %dma_wait3A_962 = arith.constant 0 : i32
    %dma_wait3A_963 = tpu.memref_slice %arg5[%dma_wait3A_961, %dma_wait3A_962] : memref<16x2944xf32, #tpu.memory_space<vmem>> -> memref<16x2048xf32, #tpu.memory_space<vmem>>
    %dma_wait3A_964 = arith.constant 0 : i32
    %dma_wait3A_965 = arith.constant 0 : i32
    %dma_wait3A_966 = tpu.memref_slice %arg3[%dma_wait3A_960, %dma_wait3A_964, %dma_wait3A_965] : memref<16x2048x2048xf32, #tpu.memory_space<hbm>> -> memref<1x16x2048xf32, #tpu.memory_space<hbm>>
    %dma_wait3A_967 = tpu.memref_squeeze %dma_wait3A_966 : memref<1x16x2048xf32, #tpu.memory_space<hbm>> -> memref<16x2048xf32, #tpu.memory_space<hbm>>
    %dma_wait3A_968 = arith.constant 0 : i32
    %dma_wait3A_969 = arith.constant 0 : i32
    %dma_wait3A_970 = tpu.memref_slice %arg3[%dma_wait3A_960, %dma_wait3A_968, %dma_wait3A_969] : memref<16x2048x2048xf32, #tpu.memory_space<hbm>> -> memref<1x16x2048xf32, #tpu.memory_space<hbm>>
    %dma_wait3A_971 = tpu.memref_squeeze %dma_wait3A_970 : memref<1x16x2048xf32, #tpu.memory_space<hbm>> -> memref<16x2048xf32, #tpu.memory_space<hbm>>
    %dma_wait3A_972 = arith.constant 0 : i32
    %dma_wait3A_973 = arith.constant 0 : i32
    %dma_wait3A_974 = tpu.memref_slice %arg5[%dma_wait3A_972, %dma_wait3A_973] : memref<16x2944xf32, #tpu.memory_space<vmem>> -> memref<16x2048xf32, #tpu.memory_space<vmem>>
    tpu.wait_dma2 semaphore(%arg7 : memref<!tpu.dma_semaphore, #tpu.memory_space<semaphore_mem>>) src(%dma_wait3A_974 : memref<16x2048xf32, #tpu.memory_space<vmem>>) dst(%dma_wait3A_971 : memref<16x2048xf32, #tpu.memory_space<hbm>>)
    %dma_wait3A_975 = arith.constant 0 : i32
    %dma_wait3A_976 = arith.constant 0 : i32
    %dma_wait3A_977 = arith.constant 0 : i32
    %dma_wait3A_978 = tpu.memref_slice %arg5[%dma_wait3A_976, %dma_wait3A_977] : memref<16x2944xf32, #tpu.memory_space<vmem>> -> memref<16x2048xf32, #tpu.memory_space<vmem>>
    %dma_wait3A_979 = arith.constant 0 : i32
    %dma_wait3A_980 = arith.constant 0 : i32
    %dma_wait3A_981 = tpu.memref_slice %arg3[%dma_wait3A_975, %dma_wait3A_979, %dma_wait3A_980] : memref<16x2048x2048xf32, #tpu.memory_space<hbm>> -> memref<1x16x2048xf32, #tpu.memory_space<hbm>>
    %dma_wait3A_982 = tpu.memref_squeeze %dma_wait3A_981 : memref<1x16x2048xf32, #tpu.memory_space<hbm>> -> memref<16x2048xf32, #tpu.memory_space<hbm>>
    %dma_wait3A_983 = arith.constant 0 : i32
    %dma_wait3A_984 = arith.constant 0 : i32
    %dma_wait3A_985 = tpu.memref_slice %arg3[%dma_wait3A_975, %dma_wait3A_983, %dma_wait3A_984] : memref<16x2048x2048xf32, #tpu.memory_space<hbm>> -> memref<1x16x2048xf32, #tpu.memory_space<hbm>>
    %dma_wait3A_986 = tpu.memref_squeeze %dma_wait3A_985 : memref<1x16x2048xf32, #tpu.memory_space<hbm>> -> memref<16x2048xf32, #tpu.memory_space<hbm>>
    %dma_wait3A_987 = arith.constant 0 : i32
    %dma_wait3A_988 = arith.constant 0 : i32
    %dma_wait3A_989 = tpu.memref_slice %arg5[%dma_wait3A_987, %dma_wait3A_988] : memref<16x2944xf32, #tpu.memory_space<vmem>> -> memref<16x2048xf32, #tpu.memory_space<vmem>>
    tpu.wait_dma2 semaphore(%arg7 : memref<!tpu.dma_semaphore, #tpu.memory_space<semaphore_mem>>) src(%dma_wait3A_989 : memref<16x2048xf32, #tpu.memory_space<vmem>>) dst(%dma_wait3A_986 : memref<16x2048xf32, #tpu.memory_space<hbm>>)
    %dma_wait3A_990 = arith.constant 0 : i32
    %dma_wait3A_991 = arith.constant 0 : i32
    %dma_wait3A_992 = arith.constant 0 : i32
    %dma_wait3A_993 = tpu.memref_slice %arg5[%dma_wait3A_991, %dma_wait3A_992] : memref<16x2944xf32, #tpu.memory_space<vmem>> -> memref<16x2048xf32, #tpu.memory_space<vmem>>
    %dma_wait3A_994 = arith.constant 0 : i32
    %dma_wait3A_995 = arith.constant 0 : i32
    %dma_wait3A_996 = tpu.memref_slice %arg3[%dma_wait3A_990, %dma_wait3A_994, %dma_wait3A_995] : memref<16x2048x2048xf32, #tpu.memory_space<hbm>> -> memref<1x16x2048xf32, #tpu.memory_space<hbm>>
    %dma_wait3A_997 = tpu.memref_squeeze %dma_wait3A_996 : memref<1x16x2048xf32, #tpu.memory_space<hbm>> -> memref<16x2048xf32, #tpu.memory_space<hbm>>
    %dma_wait3A_998 = arith.constant 0 : i32
    %dma_wait3A_999 = arith.constant 0 : i32
    %dma_wait3A_1000 = tpu.memref_slice %arg3[%dma_wait3A_990, %dma_wait3A_998, %dma_wait3A_999] : memref<16x2048x2048xf32, #tpu.memory_space<hbm>> -> memref<1x16x2048xf32, #tpu.memory_space<hbm>>
    %dma_wait3A_1001 = tpu.memref_squeeze %dma_wait3A_1000 : memref<1x16x2048xf32, #tpu.memory_space<hbm>> -> memref<16x2048xf32, #tpu.memory_space<hbm>>
    %dma_wait3A_1002 = arith.constant 0 : i32
    %dma_wait3A_1003 = arith.constant 0 : i32
    %dma_wait3A_1004 = tpu.memref_slice %arg5[%dma_wait3A_1002, %dma_wait3A_1003] : memref<16x2944xf32, #tpu.memory_space<vmem>> -> memref<16x2048xf32, #tpu.memory_space<vmem>>
    tpu.wait_dma2 semaphore(%arg7 : memref<!tpu.dma_semaphore, #tpu.memory_space<semaphore_mem>>) src(%dma_wait3A_1004 : memref<16x2048xf32, #tpu.memory_space<vmem>>) dst(%dma_wait3A_1001 : memref<16x2048xf32, #tpu.memory_space<hbm>>)
    %dma_wait3A_1005 = arith.constant 0 : i32
    %dma_wait3A_1006 = arith.constant 0 : i32
    %dma_wait3A_1007 = arith.constant 0 : i32
    %dma_wait3A_1008 = tpu.memref_slice %arg5[%dma_wait3A_1006, %dma_wait3A_1007] : memref<16x2944xf32, #tpu.memory_space<vmem>> -> memref<16x2048xf32, #tpu.memory_space<vmem>>
    %dma_wait3A_1009 = arith.constant 0 : i32
    %dma_wait3A_1010 = arith.constant 0 : i32
    %dma_wait3A_1011 = tpu.memref_slice %arg3[%dma_wait3A_1005, %dma_wait3A_1009, %dma_wait3A_1010] : memref<16x2048x2048xf32, #tpu.memory_space<hbm>> -> memref<1x16x2048xf32, #tpu.memory_space<hbm>>
    %dma_wait3A_1012 = tpu.memref_squeeze %dma_wait3A_1011 : memref<1x16x2048xf32, #tpu.memory_space<hbm>> -> memref<16x2048xf32, #tpu.memory_space<hbm>>
    %dma_wait3A_1013 = arith.constant 0 : i32
    %dma_wait3A_1014 = arith.constant 0 : i32
    %dma_wait3A_1015 = tpu.memref_slice %arg3[%dma_wait3A_1005, %dma_wait3A_1013, %dma_wait3A_1014] : memref<16x2048x2048xf32, #tpu.memory_space<hbm>> -> memref<1x16x2048xf32, #tpu.memory_space<hbm>>
    %dma_wait3A_1016 = tpu.memref_squeeze %dma_wait3A_1015 : memref<1x16x2048xf32, #tpu.memory_space<hbm>> -> memref<16x2048xf32, #tpu.memory_space<hbm>>
    %dma_wait3A_1017 = arith.constant 0 : i32
    %dma_wait3A_1018 = arith.constant 0 : i32
    %dma_wait3A_1019 = tpu.memref_slice %arg5[%dma_wait3A_1017, %dma_wait3A_1018] : memref<16x2944xf32, #tpu.memory_space<vmem>> -> memref<16x2048xf32, #tpu.memory_space<vmem>>
    tpu.wait_dma2 semaphore(%arg8 : memref<!tpu.dma_semaphore, #tpu.memory_space<semaphore_mem>>) src(%dma_wait3A_1019 : memref<16x2048xf32, #tpu.memory_space<vmem>>) dst(%dma_wait3A_1016 : memref<16x2048xf32, #tpu.memory_space<hbm>>)
    %dma_wait3A_1020 = arith.constant 0 : i32
    %dma_wait3A_1021 = arith.constant 0 : i32
    %dma_wait3A_1022 = arith.constant 0 : i32
    %dma_wait3A_1023 = tpu.memref_slice %arg5[%dma_wait3A_1021, %dma_wait3A_1022] : memref<16x2944xf32, #tpu.memory_space<vmem>> -> memref<16x2048xf32, #tpu.memory_space<vmem>>
    %dma_wait3A_1024 = arith.constant 0 : i32
    %dma_wait3A_1025 = arith.constant 0 : i32
    %dma_wait3A_1026 = tpu.memref_slice %arg3[%dma_wait3A_1020, %dma_wait3A_1024, %dma_wait3A_1025] : memref<16x2048x2048xf32, #tpu.memory_space<hbm>> -> memref<1x16x2048xf32, #tpu.memory_space<hbm>>
    %dma_wait3A_1027 = tpu.memref_squeeze %dma_wait3A_1026 : memref<1x16x2048xf32, #tpu.memory_space<hbm>> -> memref<16x2048xf32, #tpu.memory_space<hbm>>
    %dma_wait3A_1028 = arith.constant 0 : i32
    %dma_wait3A_1029 = arith.constant 0 : i32
    %dma_wait3A_1030 = tpu.memref_slice %arg3[%dma_wait3A_1020, %dma_wait3A_1028, %dma_wait3A_1029] : memref<16x2048x2048xf32, #tpu.memory_space<hbm>> -> memref<1x16x2048xf32, #tpu.memory_space<hbm>>
    %dma_wait3A_1031 = tpu.memref_squeeze %dma_wait3A_1030 : memref<1x16x2048xf32, #tpu.memory_space<hbm>> -> memref<16x2048xf32, #tpu.memory_space<hbm>>
    %dma_wait3A_1032 = arith.constant 0 : i32
    %dma_wait3A_1033 = arith.constant 0 : i32
    %dma_wait3A_1034 = tpu.memref_slice %arg5[%dma_wait3A_1032, %dma_wait3A_1033] : memref<16x2944xf32, #tpu.memory_space<vmem>> -> memref<16x2048xf32, #tpu.memory_space<vmem>>
    tpu.wait_dma2 semaphore(%arg8 : memref<!tpu.dma_semaphore, #tpu.memory_space<semaphore_mem>>) src(%dma_wait3A_1034 : memref<16x2048xf32, #tpu.memory_space<vmem>>) dst(%dma_wait3A_1031 : memref<16x2048xf32, #tpu.memory_space<hbm>>)
    %dma_wait3A_1035 = arith.constant 0 : i32
    %dma_wait3A_1036 = arith.constant 0 : i32
    %dma_wait3A_1037 = arith.constant 0 : i32
    %dma_wait3A_1038 = tpu.memref_slice %arg5[%dma_wait3A_1036, %dma_wait3A_1037] : memref<16x2944xf32, #tpu.memory_space<vmem>> -> memref<16x2048xf32, #tpu.memory_space<vmem>>
    %dma_wait3A_1039 = arith.constant 0 : i32
    %dma_wait3A_1040 = arith.constant 0 : i32
    %dma_wait3A_1041 = tpu.memref_slice %arg3[%dma_wait3A_1035, %dma_wait3A_1039, %dma_wait3A_1040] : memref<16x2048x2048xf32, #tpu.memory_space<hbm>> -> memref<1x16x2048xf32, #tpu.memory_space<hbm>>
    %dma_wait3A_1042 = tpu.memref_squeeze %dma_wait3A_1041 : memref<1x16x2048xf32, #tpu.memory_space<hbm>> -> memref<16x2048xf32, #tpu.memory_space<hbm>>
    %dma_wait3A_1043 = arith.constant 0 : i32
    %dma_wait3A_1044 = arith.constant 0 : i32
    %dma_wait3A_1045 = tpu.memref_slice %arg3[%dma_wait3A_1035, %dma_wait3A_1043, %dma_wait3A_1044] : memref<16x2048x2048xf32, #tpu.memory_space<hbm>> -> memref<1x16x2048xf32, #tpu.memory_space<hbm>>
    %dma_wait3A_1046 = tpu.memref_squeeze %dma_wait3A_1045 : memref<1x16x2048xf32, #tpu.memory_space<hbm>> -> memref<16x2048xf32, #tpu.memory_space<hbm>>
    %dma_wait3A_1047 = arith.constant 0 : i32
    %dma_wait3A_1048 = arith.constant 0 : i32
    %dma_wait3A_1049 = tpu.memref_slice %arg5[%dma_wait3A_1047, %dma_wait3A_1048] : memref<16x2944xf32, #tpu.memory_space<vmem>> -> memref<16x2048xf32, #tpu.memory_space<vmem>>
    tpu.wait_dma2 semaphore(%arg8 : memref<!tpu.dma_semaphore, #tpu.memory_space<semaphore_mem>>) src(%dma_wait3A_1049 : memref<16x2048xf32, #tpu.memory_space<vmem>>) dst(%dma_wait3A_1046 : memref<16x2048xf32, #tpu.memory_space<hbm>>)
    %dma_wait3A_1050 = arith.constant 0 : i32
    %dma_wait3A_1051 = arith.constant 0 : i32
    %dma_wait3A_1052 = arith.constant 0 : i32
    %dma_wait3A_1053 = tpu.memref_slice %arg5[%dma_wait3A_1051, %dma_wait3A_1052] : memref<16x2944xf32, #tpu.memory_space<vmem>> -> memref<16x2048xf32, #tpu.memory_space<vmem>>
    %dma_wait3A_1054 = arith.constant 0 : i32
    %dma_wait3A_1055 = arith.constant 0 : i32
    %dma_wait3A_1056 = tpu.memref_slice %arg3[%dma_wait3A_1050, %dma_wait3A_1054, %dma_wait3A_1055] : memref<16x2048x2048xf32, #tpu.memory_space<hbm>> -> memref<1x16x2048xf32, #tpu.memory_space<hbm>>
    %dma_wait3A_1057 = tpu.memref_squeeze %dma_wait3A_1056 : memref<1x16x2048xf32, #tpu.memory_space<hbm>> -> memref<16x2048xf32, #tpu.memory_space<hbm>>
    %dma_wait3A_1058 = arith.constant 0 : i32
    %dma_wait3A_1059 = arith.constant 0 : i32
    %dma_wait3A_1060 = tpu.memref_slice %arg3[%dma_wait3A_1050, %dma_wait3A_1058, %dma_wait3A_1059] : memref<16x2048x2048xf32, #tpu.memory_space<hbm>> -> memref<1x16x2048xf32, #tpu.memory_space<hbm>>
    %dma_wait3A_1061 = tpu.memref_squeeze %dma_wait3A_1060 : memref<1x16x2048xf32, #tpu.memory_space<hbm>> -> memref<16x2048xf32, #tpu.memory_space<hbm>>
    %dma_wait3A_1062 = arith.constant 0 : i32
    %dma_wait3A_1063 = arith.constant 0 : i32
    %dma_wait3A_1064 = tpu.memref_slice %arg5[%dma_wait3A_1062, %dma_wait3A_1063] : memref<16x2944xf32, #tpu.memory_space<vmem>> -> memref<16x2048xf32, #tpu.memory_space<vmem>>
    tpu.wait_dma2 semaphore(%arg8 : memref<!tpu.dma_semaphore, #tpu.memory_space<semaphore_mem>>) src(%dma_wait3A_1064 : memref<16x2048xf32, #tpu.memory_space<vmem>>) dst(%dma_wait3A_1061 : memref<16x2048xf32, #tpu.memory_space<hbm>>)
    %dma_wait3A_1065 = arith.constant 0 : i32
    %dma_wait3A_1066 = arith.constant 0 : i32
    %dma_wait3A_1067 = arith.constant 0 : i32
    %dma_wait3A_1068 = tpu.memref_slice %arg5[%dma_wait3A_1066, %dma_wait3A_1067] : memref<16x2944xf32, #tpu.memory_space<vmem>> -> memref<16x2048xf32, #tpu.memory_space<vmem>>
    %dma_wait3A_1069 = arith.constant 0 : i32
    %dma_wait3A_1070 = arith.constant 0 : i32
    %dma_wait3A_1071 = tpu.memref_slice %arg3[%dma_wait3A_1065, %dma_wait3A_1069, %dma_wait3A_1070] : memref<16x2048x2048xf32, #tpu.memory_space<hbm>> -> memref<1x16x2048xf32, #tpu.memory_space<hbm>>
    %dma_wait3A_1072 = tpu.memref_squeeze %dma_wait3A_1071 : memref<1x16x2048xf32, #tpu.memory_space<hbm>> -> memref<16x2048xf32, #tpu.memory_space<hbm>>
    %dma_wait3A_1073 = arith.constant 0 : i32
    %dma_wait3A_1074 = arith.constant 0 : i32
    %dma_wait3A_1075 = tpu.memref_slice %arg3[%dma_wait3A_1065, %dma_wait3A_1073, %dma_wait3A_1074] : memref<16x2048x2048xf32, #tpu.memory_space<hbm>> -> memref<1x16x2048xf32, #tpu.memory_space<hbm>>
    %dma_wait3A_1076 = tpu.memref_squeeze %dma_wait3A_1075 : memref<1x16x2048xf32, #tpu.memory_space<hbm>> -> memref<16x2048xf32, #tpu.memory_space<hbm>>
    %dma_wait3A_1077 = arith.constant 0 : i32
    %dma_wait3A_1078 = arith.constant 0 : i32
    %dma_wait3A_1079 = tpu.memref_slice %arg5[%dma_wait3A_1077, %dma_wait3A_1078] : memref<16x2944xf32, #tpu.memory_space<vmem>> -> memref<16x2048xf32, #tpu.memory_space<vmem>>
    tpu.wait_dma2 semaphore(%arg8 : memref<!tpu.dma_semaphore, #tpu.memory_space<semaphore_mem>>) src(%dma_wait3A_1079 : memref<16x2048xf32, #tpu.memory_space<vmem>>) dst(%dma_wait3A_1076 : memref<16x2048xf32, #tpu.memory_space<hbm>>)
    %dma_wait3A_1080 = arith.constant 0 : i32
    %dma_wait3A_1081 = arith.constant 0 : i32
    %dma_wait3A_1082 = arith.constant 0 : i32
    %dma_wait3A_1083 = tpu.memref_slice %arg5[%dma_wait3A_1081, %dma_wait3A_1082] : memref<16x2944xf32, #tpu.memory_space<vmem>> -> memref<16x2048xf32, #tpu.memory_space<vmem>>
    %dma_wait3A_1084 = arith.constant 0 : i32
    %dma_wait3A_1085 = arith.constant 0 : i32
    %dma_wait3A_1086 = tpu.memref_slice %arg3[%dma_wait3A_1080, %dma_wait3A_1084, %dma_wait3A_1085] : memref<16x2048x2048xf32, #tpu.memory_space<hbm>> -> memref<1x16x2048xf32, #tpu.memory_space<hbm>>
    %dma_wait3A_1087 = tpu.memref_squeeze %dma_wait3A_1086 : memref<1x16x2048xf32, #tpu.memory_space<hbm>> -> memref<16x2048xf32, #tpu.memory_space<hbm>>
    %dma_wait3A_1088 = arith.constant 0 : i32
    %dma_wait3A_1089 = arith.constant 0 : i32
    %dma_wait3A_1090 = tpu.memref_slice %arg3[%dma_wait3A_1080, %dma_wait3A_1088, %dma_wait3A_1089] : memref<16x2048x2048xf32, #tpu.memory_space<hbm>> -> memref<1x16x2048xf32, #tpu.memory_space<hbm>>
    %dma_wait3A_1091 = tpu.memref_squeeze %dma_wait3A_1090 : memref<1x16x2048xf32, #tpu.memory_space<hbm>> -> memref<16x2048xf32, #tpu.memory_space<hbm>>
    %dma_wait3A_1092 = arith.constant 0 : i32
    %dma_wait3A_1093 = arith.constant 0 : i32
    %dma_wait3A_1094 = tpu.memref_slice %arg5[%dma_wait3A_1092, %dma_wait3A_1093] : memref<16x2944xf32, #tpu.memory_space<vmem>> -> memref<16x2048xf32, #tpu.memory_space<vmem>>
    tpu.wait_dma2 semaphore(%arg8 : memref<!tpu.dma_semaphore, #tpu.memory_space<semaphore_mem>>) src(%dma_wait3A_1094 : memref<16x2048xf32, #tpu.memory_space<vmem>>) dst(%dma_wait3A_1091 : memref<16x2048xf32, #tpu.memory_space<hbm>>)
    %dma_wait3A_1095 = arith.constant 0 : i32
    %dma_wait3A_1096 = arith.constant 0 : i32
    %dma_wait3A_1097 = arith.constant 0 : i32
    %dma_wait3A_1098 = tpu.memref_slice %arg5[%dma_wait3A_1096, %dma_wait3A_1097] : memref<16x2944xf32, #tpu.memory_space<vmem>> -> memref<16x2048xf32, #tpu.memory_space<vmem>>
    %dma_wait3A_1099 = arith.constant 0 : i32
    %dma_wait3A_1100 = arith.constant 0 : i32
    %dma_wait3A_1101 = tpu.memref_slice %arg3[%dma_wait3A_1095, %dma_wait3A_1099, %dma_wait3A_1100] : memref<16x2048x2048xf32, #tpu.memory_space<hbm>> -> memref<1x16x2048xf32, #tpu.memory_space<hbm>>
    %dma_wait3A_1102 = tpu.memref_squeeze %dma_wait3A_1101 : memref<1x16x2048xf32, #tpu.memory_space<hbm>> -> memref<16x2048xf32, #tpu.memory_space<hbm>>
    %dma_wait3A_1103 = arith.constant 0 : i32
    %dma_wait3A_1104 = arith.constant 0 : i32
    %dma_wait3A_1105 = tpu.memref_slice %arg3[%dma_wait3A_1095, %dma_wait3A_1103, %dma_wait3A_1104] : memref<16x2048x2048xf32, #tpu.memory_space<hbm>> -> memref<1x16x2048xf32, #tpu.memory_space<hbm>>
    %dma_wait3A_1106 = tpu.memref_squeeze %dma_wait3A_1105 : memref<1x16x2048xf32, #tpu.memory_space<hbm>> -> memref<16x2048xf32, #tpu.memory_space<hbm>>
    %dma_wait3A_1107 = arith.constant 0 : i32
    %dma_wait3A_1108 = arith.constant 0 : i32
    %dma_wait3A_1109 = tpu.memref_slice %arg5[%dma_wait3A_1107, %dma_wait3A_1108] : memref<16x2944xf32, #tpu.memory_space<vmem>> -> memref<16x2048xf32, #tpu.memory_space<vmem>>
    tpu.wait_dma2 semaphore(%arg8 : memref<!tpu.dma_semaphore, #tpu.memory_space<semaphore_mem>>) src(%dma_wait3A_1109 : memref<16x2048xf32, #tpu.memory_space<vmem>>) dst(%dma_wait3A_1106 : memref<16x2048xf32, #tpu.memory_space<hbm>>)
    %dma_wait3A_1110 = arith.constant 0 : i32
    %dma_wait3A_1111 = arith.constant 0 : i32
    %dma_wait3A_1112 = arith.constant 0 : i32
    %dma_wait3A_1113 = tpu.memref_slice %arg5[%dma_wait3A_1111, %dma_wait3A_1112] : memref<16x2944xf32, #tpu.memory_space<vmem>> -> memref<16x2048xf32, #tpu.memory_space<vmem>>
    %dma_wait3A_1114 = arith.constant 0 : i32
    %dma_wait3A_1115 = arith.constant 0 : i32
    %dma_wait3A_1116 = tpu.memref_slice %arg3[%dma_wait3A_1110, %dma_wait3A_1114, %dma_wait3A_1115] : memref<16x2048x2048xf32, #tpu.memory_space<hbm>> -> memref<1x16x2048xf32, #tpu.memory_space<hbm>>
    %dma_wait3A_1117 = tpu.memref_squeeze %dma_wait3A_1116 : memref<1x16x2048xf32, #tpu.memory_space<hbm>> -> memref<16x2048xf32, #tpu.memory_space<hbm>>
    %dma_wait3A_1118 = arith.constant 0 : i32
    %dma_wait3A_1119 = arith.constant 0 : i32
    %dma_wait3A_1120 = tpu.memref_slice %arg3[%dma_wait3A_1110, %dma_wait3A_1118, %dma_wait3A_1119] : memref<16x2048x2048xf32, #tpu.memory_space<hbm>> -> memref<1x16x2048xf32, #tpu.memory_space<hbm>>
    %dma_wait3A_1121 = tpu.memref_squeeze %dma_wait3A_1120 : memref<1x16x2048xf32, #tpu.memory_space<hbm>> -> memref<16x2048xf32, #tpu.memory_space<hbm>>
    %dma_wait3A_1122 = arith.constant 0 : i32
    %dma_wait3A_1123 = arith.constant 0 : i32
    %dma_wait3A_1124 = tpu.memref_slice %arg5[%dma_wait3A_1122, %dma_wait3A_1123] : memref<16x2944xf32, #tpu.memory_space<vmem>> -> memref<16x2048xf32, #tpu.memory_space<vmem>>
    tpu.wait_dma2 semaphore(%arg8 : memref<!tpu.dma_semaphore, #tpu.memory_space<semaphore_mem>>) src(%dma_wait3A_1124 : memref<16x2048xf32, #tpu.memory_space<vmem>>) dst(%dma_wait3A_1121 : memref<16x2048xf32, #tpu.memory_space<hbm>>)
    return
  }
}

</mosaic_0001>

<sc_bundles>
// kernel: kernel.3.cloned.1.call-start
scs
__scs_entry_jumppad:
0x0: {  	(pc) =	sbr.rel $0x88, $3  }
0x1: {  	(tag) =	ssettag $0x0;
	lr =	simm.s32 $0x1  }
0x2: {  	[smem:$0x3FA0] =	sst lr;
	_ =	strace $0xD0000000  }
0x3: {  	_ = 	snop  }
0x4: {  	_ = 	snop  }
0x5: {  	_ = 	snop  }
0x6: {  	_ = 	snop  }
0x7: {  	_ = 	snop  }
__scs_overlays_trampoline_lowered:
0x8: {  	[smem:$0x3FAF] =	sst s0  }
0x9: {  	[smem:$0x3FB0] =	sst s1  }
0xa: {  	[smem:$0x3FB1] =	sst s2  }
0xb: {  	[smem:$0x3FB2] =	sst s3  }
0xc: {  	[smem:$0x3FB3] =	sst s4  }
0xd: {  	[smem:$0x3FB4] =	sst s5  }
0xe: {  	[smem:$0x3FB5] =	sst s6  }
0xf: {  	[smem:$0x3FB6] =	sst s7  }
0x10: {  	[smem:$0x3FB7] =	sst s8  }
0x11: {  	[smem:$0x3FB8] =	sst s9;
	s0 =	simm.s32 @!p0 $0x0  }
0x12: {  	s1 =	sld [smem:$0x3F9E];
	s0 =	simm.s32 @p0 $0x1  }
0x13: {  	[smem:$0x3FB9] =	sst s0;
	s0 =	simm.s32 @!p1 $0x0  }
0x14: {  	s2 =	sld [smem:$0x3F9D];
	s0 =	simm.s32 @p1 $0x1  }
0x15: {  	[smem:$0x3FBA] =	sst s0;
	s0 =	simm.s32 @!p2 $0x0  }
0x16: {  	s3 =	sld [smem:$0x3FDB];
	s0 =	simm.s32 @p2 $0x1  }
0x17: {  	s4 =	simm.s32 $0x1BF5;
	[smem:$0x3FBC] =	sst s0  }
0x18: {  	s0 =	sld [smem:$0x3F9F];
	_ =	swait.ge [sflag:s4], $0x0  }
0x19: {  	s7 =	sld [smem:$0x3FA0]  }
0x1a: {  	s8 =	sadd.s32 $0xFFFFE003, lr  }
0x1b: {  	s9 =	sadd.s32 $0xFFFFFEF7, lr;
	s5 =	simm.s32 $0xFFFFFFFF;
	p2 =	slt.u32 s8, $0xFFFFF086  }
0x1c: {  	p1 =	slt.u32 s9, $0xF7A;
	s5 =	simm.s32 @!p2 $0x0  }
0x1d: {  	s5 =	simm.s32 @p1 $0x1;
	p0 =	seq.s32 s7, s2  }
0x1e: {  	s7 =	smul.u32 @!p0 $0xF7A, s2;
	p2 =	seq.s32 @!p0 s5, $0x0  }
0x1f: {  	s9 =	smul.u32 $0xF7A, s1;
	s8 =	simm.s32 @!p0 $0x1BF5;
	p2 =	por !p2, p0  }
0x20: {  	[sflag:s8] =	ssyncset.s32 @!p0 $0xFFFFF086;
	s6 =	sadd.s32 @!p0 s3, s7;
	s7 =	simm.s32 @!p0 $0x108  }
0x21: {  	s3 =	sadd.s32 s3, s9;
	s6 =	sadd.s32 @!p0 $0x88, s6;
	s7 =	simm.s32 @p2 $0x1082  }
0x22: {  	[simem:s7], [sflag:s8] =	dma.local @!p0 [hbm:s6], $0xF7A  }
0x23: {  	s9 =	sor.u32 $0xD0000000, s2;
	s6 =	simm.s32 $0x108;
	_ =	swait.ge @!p0 [sflag:s8], $0x0  }
0x24: {  	s3 =	sadd.s32 $0x88, s3;
	s6 =	simm.s32 @!p1 $0x1082;
	[sflag:s4] =	ssyncset.s32 $0xFFFFF086  }
0x25: {  	[simem:s6], [sflag:s4] =	dma.local [hbm:s3], $0xF7A  }
0x26: {  	[smem:$0x3FA0] =	sst s1;
	(tag) =	ssettag s2;
	_ =	strace s9  }
0x27: {  	s1 =	sld [smem:$0x3FB0]  }
0x28: {  	s2 =	sld [smem:$0x3FB1]  }
0x29: {  	s4 =	sld [smem:$0x3FB3]  }
0x2a: {  	p0 =	seq.s32 s5, $0x0;
	s5 =	sld [smem:$0x3FB4]  }
0x2b: {  	s6 =	sld [smem:$0x3FB5]  }
0x2c: {  	s7 =	sld [smem:$0x3FB6]  }
0x2d: {  	s3 =	simm.s32 $0x108;
	s8 =	sld [smem:$0x3FB7]  }
0x2e: {  	s3 =	simm.s32 @!p0 $0x1082;
	s9 =	sld [smem:$0x3FB8]  }
0x2f: {  	lr =	sadd.s32 s0, s3;
	s0 =	sld [smem:$0x3FAF]  }
0x30: {  	s3 =	sld [smem:$0x3FB2]  }
0x31: {  	[smem:$0x3FBB] =	sst s10  }
0x32: {  	s10 =	sld [smem:$0x3FB9];
	_ =	sdelay $0x3  }
0x33: {  	p0 =	seq.s32 s10, $0x1;
	s10 =	sld [smem:$0x3FBB];
	_ =	sdelay $0x3  }
0x34: {  	[smem:$0x3FBB] =	sst s10  }
0x35: {  	s10 =	sld [smem:$0x3FBA];
	_ =	sdelay $0x3  }
0x36: {  	p1 =	seq.s32 s10, $0x1;
	s10 =	sld [smem:$0x3FBB];
	_ =	sdelay $0x3  }
0x37: {  	[smem:$0x3FBB] =	sst s10  }
0x38: {  	s10 =	sld [smem:$0x3FBC]  }
0x39: {  	_ = 	snop;
	(pc) =	sbr.ind lr, $3  }
0x3a: {  	_ = 	snop  }
0x3b: {  	_ = 	snop  }
0x3c: {  	p2 =	seq.s32 s10, $0x1;
	s10 =	sld [smem:$0x3FBB]  }
0x3d: {  	_ =	shalt  }
0x3e: {  	_ =	shalt  }
0x3f: {  	_ =	shalt  }
0x40: {  	_ =	shalt  }
0x41: {  	_ =	shalt  }
0x42: {  	_ =	shalt  }
0x43: {  	_ =	shalt  }
0x44: {  	_ =	shalt  }
0x45: {  	_ =	shalt  }
0x46: {  	_ =	shalt  }
0x47: {  	_ =	shalt  }
0x48: {  	_ =	shalt  }
0x49: {  	_ =	shalt  }
0x4a: {  	_ =	shalt  }
0x4b: {  	_ =	shalt  }
0x4c: {  	_ =	shalt  }
0x4d: {  	_ =	shalt  }
0x4e: {  	_ =	shalt  }
0x4f: {  	_ =	shalt  }
0x50: {  	_ =	shalt  }
0x51: {  	_ =	shalt  }
0x52: {  	_ =	shalt  }
0x53: {  	_ =	shalt  }
0x54: {  	_ =	shalt  }
0x55: {  	_ =	shalt  }
0x56: {  	_ =	shalt  }
0x57: {  	_ =	shalt  }
0x58: {  	_ =	shalt  }
0x59: {  	_ =	shalt  }
0x5a: {  	_ =	shalt  }
0x5b: {  	_ =	shalt  }
0x5c: {  	_ =	shalt  }
0x5d: {  	_ =	shalt  }
0x5e: {  	_ =	shalt  }
0x5f: {  	_ =	shalt  }
0x60: {  	_ =	shalt  }
0x61: {  	_ =	shalt  }
0x62: {  	_ =	shalt  }
0x63: {  	_ =	shalt  }
0x64: {  	_ =	shalt  }
0x65: {  	_ =	shalt  }
0x66: {  	_ =	shalt  }
0x67: {  	_ =	shalt  }
0x68: {  	_ =	shalt  }
0x69: {  	_ =	shalt  }
0x6a: {  	_ =	shalt  }
0x6b: {  	_ =	shalt  }
0x6c: {  	_ =	shalt  }
0x6d: {  	_ =	shalt  }
0x6e: {  	_ =	shalt  }
0x6f: {  	_ =	shalt  }
0x70: {  	_ =	shalt  }
0x71: {  	_ =	shalt  }
0x72: {  	_ =	shalt  }
0x73: {  	_ =	shalt  }
0x74: {  	_ =	shalt  }
0x75: {  	_ =	shalt  }
0x76: {  	_ =	shalt  }
0x77: {  	_ =	shalt  }
0x78: {  	_ =	shalt  }
0x79: {  	_ =	shalt  }
0x7a: {  	_ =	shalt  }
0x7b: {  	_ =	shalt  }
0x7c: {  	_ =	shalt  }
0x7d: {  	_ =	shalt  }
0x7e: {  	_ =	shalt  }
0x7f: {  	_ =	shalt  }
0x80: {  	_ =	shalt  }
0x81: {  	_ =	shalt  }
0x82: {  	_ =	shalt  }
0x83: {  	_ =	shalt  }
0x84: {  	_ =	shalt  }
0x85: {  	_ =	shalt  }
0x86: {  	_ =	shalt  }
0x87: {  	_ =	shalt  }
.Lfunc_end0:
.L_simem_size_0:
called_computation_lowered:
.L_overlay_start_0:
0x88: {  	s2 =	sld [smem:$0x3FD9]  }
0x89: {  	s3 =	sld [smem:$0x3FFE];
	_ =	sdelay $0x1  }
0x8a: {  	s1 =	srdreg.scid  }
0x8b: {  	s0 =	sand.u32 $0x1, s1  }
0x8c: {  	s17 =	sshll.u32 s0, $0xA;
	s2 =	sadd.s32 s3, s2  }
0x8d: {  	s2 =	sadd.s32 s2, s17  }
0x8e: {  	[smem:$0x3FC7] =	sst s2  }
0x8f: {  	_ = 	snop  }
0x90: {  	s2 =	sld [smem:$0x3FD0];
	(tm) =	ssettm $0x1  }
0x91: {  	s18 =	sld [smem:$0x3FFB];
	_ =	sdelay $0x3  }
0x92: {  	_ =	strace s18  }
0x93: {  	s3 =	sld [smem:$0x3FFC];
	_ =	sdelay $0x3  }
0x94: {  	_ =	strace s3  }
0x95: {  	s3 =	sld [smem:$0x3FFD];
	_ =	sdelay $0x3  }
0x96: {  	_ =	strace s3  }
0x97: {  	_ =	strace $0x8FFFFFFF  }
0x98: {  	s19 =	sld [smem:$0x3FDB];
	_ =	sdelay $0x1  }
0x99: {  	s4 =	simm.s32 $_scs_section_size  }
0x9a: {  	s5 =	simm.s32 $_size__tile_overlayer_lowered;
	s6 =	simm.s32 $_tile_overlayer_lowered  }
0x9b: {  	s22 =	simm.s32 $0x1BFF;
	s21 =	sshll.u32 s6, $0x1;
	s3 =	sadd.s32 s4, s19  }
0x9c: {  	s7 =	simm.s32 $0x0;
	s20 =	sshll.u32 s5, $0x1;
	s5 =	sadd.s32 s21, s3  }
0x9d: {  	[timem:s7], [sflag:s22] =	dma.local [hbm:s5], s20  }
0x9e: {  	_ =	swait.ge [sflag:s22], s20  }
0x9f: {  	s4 =	ssub.s32 $0x0, s20;
	[sflag:s22] =	ssyncset.done $0x0  }
0xa0: {  	[sflag:s22] =	ssyncadd.s32 s4;
	_ =	sdelay $0x1  }
0xa1: {  	s23 =	simm.s32 $0x1B8B  }
0xa2: {  	_ =	swait.ge [sflag:s23], $0x1  }
0xa3: {  	[sflag:s23] =	ssyncset.done $0x0  }
0xa4: {  	s25 =	simm.s32 $0x1B8E;
	s24 =	sld [smem:$0x3FFE];
	[sflag:s23] =	ssyncadd.s32 $0xFFFFFFFF  }
0xa5: {  	s26 =	simm.s32 $execute0_lowered;
	[smem:$0x3FD2] =	sst s25  }
0xa6: {  	s5 =	sshll.u32 s26, $0x1;
	_ =	strace $0x80000046;
	[dreg:$0x1] =	wrdreg $0xFFFFFFFF  }
0xa7: {  	s28 =	simm.s32 $_size_execute0_lowered;
	s3 =	sadd.s32 s3, s5;
	[dreg:$0x0] =	wrdreg $0x0  }
0xa8: {  	s5 =	sshll.u32 s28, $0x1;
	[dreg:$0x2] =	wrdreg s3  }
0xa9: {  	[dreg:$0x3] =	wrdreg s5  }
0xaa: {  	[dreg:$0x4] =	wrdreg $0xC0  }
0xab: {  	_ =	task [dreg:s7], $0x5FFFF  }
0xac: {  	[dreg:$0x1] =	wrdreg $0xFFFFFFFF  }
0xad: {  	[dreg:$0x0] =	wrdreg $0x60  }
0xae: {  	[dreg:$0x2] =	wrdreg s24  }
0xaf: {  	[dreg:$0x3] =	wrdreg s2  }
0xb0: {  	[dreg:$0x4] =	wrdreg $0x9  }
0xb1: {  	_ =	task.clear_ibuf [dreg:s7], $0x5FFFF;
	_ =	strace $0x90000046  }
0xb2: {  	s29 =	simm.s32 $0x9;
	_ =	strace $0x80000048  }
0xb3: {  	_ =	swait.ge [sflag:s29], $0x1  }
0xb4: {  	[sflag:s29] =	ssyncadd.s32 $0xFFFFFFFF  }
0xb5: {  	_ =	strace $0x90000048  }
0xb6: {  	_ =	sfence  }
0xb7: {  	s30 =	sld [smem:$0x0];
	_ =	sdelay $0x2  }
0xb8: {  	s31 =	sshll.u32 s1, $0xD;
	s1 =	sshrl.u32 s1, $0x2  }
0xb9: {  	s3 =	sand.u32 $0x4000, s31;
	s1 =	sadd.s32 s1, s30  }
0xba: {  	s0 =	sor.u32 s3, s0;
	s1 =	sshll.u32 s1, $0x11  }
0xbb: {  	s0 =	sor.u32 s1, s0  }
0xbc: {  	s0 =	sadd.s32 $0x8F2B, s0  }
0xbd: {  	[sflag:s0] =	ssyncadd.remote.s32 $0x1  }
0xbe: {  	_ =	sfence.sel $0xFFFF  }
0xbf: {  	[dreg:$0x0] =	wrdreg $0xFFFFFFFF;
	(pc) =	sbr.abs _section_cstart, $3  }
0xc0: {  	[dreg:$0x1] =	wrdreg $0xFFFFFFFF  }
0xc1: {  	_ =	task.clear_ibuf [dreg:s7], $0x2FFFF;
	_ =	strace $0x9FFFFFFF  }
0xc2: {  	(tm) =	ssettm $0x7FFFFFFF  }
0xc3: {  	_ =	shalt  }
tec
execute0_lowered:
.L_overlay_start_1:
0x0: {  	(tag) =	ssettag $0x1  }
0x1: {  	s0 =	srdreg.scid;
	s16 =	rddreg [dreg:$0x0]  }
0x2: {  	s4 =	stileid.u32;
	s5 =	rddreg [dreg:$0x1];
	s2 =	simm.s32 $0x0  }
0x3: {  	s3 =	simm.s32 $0x1;
	s0 =	sand.u32 $0x1, s0;
	[smem:$0x7FF] =	sst s2  }
0x4: {  	s1 =	sor.u32 s0, s4;
	p1 =	seq.s32 s0, $0x1;
	_ =	strace $0x80000047  }
0x5: {  	s7 =	sshll.u32 s0, $0x15;
	s17 =	ssub.s32 $0x2, s0;
	p0 =	seq.s32 s1, $0x0  }
0x6: {  	s0 =	sshll.u32 s0, $0xA;
	s18 =	sshrl.u32 s17, $0x1;
	p0 =	por !p0, !p1  }
0x7: {  	s10 =	sor.u32 $0x1D0, s0;
	s11 =	sor.u32 $0x1C0, s0;
	p0 =	por !p0, !p0  }
0x8: {  	s12 =	sor.u32 $0x1B0, s0;
	[dreg:$0x11] =	wrdreg s10;
	s3 =	simm.s32 @!p0 $0x0  }
0x9: {  	s13 =	sor.u32 $0x1A0, s0;
	[dreg:$0x12] =	wrdreg s11;
	s4 =	ssub.s32 s4, s3  }
0xa: {  	[dreg:$0x13] =	wrdreg s12;
	s6 =	smul.u32 $0x480, s4;
	s4 =	sshll.u32 s4, $0x16  }
0xb: {  	s14 =	sor.u32 $0x190, s0;
	[dreg:$0x14] =	wrdreg s13;
	s4 =	sor.u32 s4, s7  }
0xc: {  	[dreg:$0x15] =	wrdreg s14;
	s6 =	sshrl.u32 s6, $0x3;
	s8 =	sshrl.u32 s4, $0x3  }
0xd: {  	s4 =	sxor.u32 $0x400, s0;
	s0 =	sor.u32 $0x180, s0;
	s1 =	sadd.s32 s6, s16  }
0xe: {  	s6 =	ssub.s32 s17, s18;
	[dreg:$0x16] =	wrdreg s0;
	s1 =	sadd.s32 $0x400, s1  }
0xf: {  	s5 =	sadd.s32 s5, s8;
	s19 =	smax.u32 s6, $0x1;
	[dreg:$0x3] =	wrdreg s1  }
0x10: {  	s20 =	sadd.s32 $0x7000, s5;
	[dreg:$0x4] =	wrdreg s19  }
0x11: {  	s21 =	sadd.s32 $0xF000, s5;
	[dreg:$0x5] =	wrdreg s20  }
0x12: {  	s22 =	sadd.s32 $0x17000, s5;
	[dreg:$0x6] =	wrdreg s21  }
0x13: {  	s23 =	sadd.s32 $0x1F000, s5;
	[dreg:$0x7] =	wrdreg s22  }
0x14: {  	s24 =	sadd.s32 $0x27000, s5;
	[dreg:$0x8] =	wrdreg s23  }
0x15: {  	s25 =	sadd.s32 $0x2F000, s5;
	[dreg:$0x9] =	wrdreg s24  }
0x16: {  	s26 =	sadd.s32 $0x37000, s5;
	[dreg:$0xa] =	wrdreg s25  }
0x17: {  	s31 =	sadd.s32 $0x3F000, s5;
	[dreg:$0xb] =	wrdreg s26  }
0x18: {  	s6 =	sadd.s32 $0x6000, s5;
	[dreg:$0xc] =	wrdreg s31  }
0x19: {  	s7 =	sadd.s32 $0xE000, s5;
	[dreg:$0xd] =	wrdreg s6  }
0x1a: {  	s8 =	sadd.s32 $0x16000, s5;
	[dreg:$0xe] =	wrdreg s7  }
0x1b: {  	s9 =	sadd.s32 $0x1E000, s5;
	[dreg:$0xf] =	wrdreg s8  }
0x1c: {  	s15 =	sadd.s32 $0x26000, s5;
	[dreg:$0x10] =	wrdreg s9  }
0x1d: {  	s16 =	sadd.s32 $0x2E000, s5;
	[dreg:$0x17] =	wrdreg s15  }
0x1e: {  	s17 =	sadd.s32 $0x36000, s5;
	[dreg:$0x18] =	wrdreg s16  }
0x1f: {  	s18 =	sadd.s32 $0x3E000, s5;
	[dreg:$0x19] =	wrdreg s17  }
0x20: {  	s10 =	sadd.s32 $0x34000, s5;
	[dreg:$0x1a] =	wrdreg s18  }
0x21: {  	s11 =	sadd.s32 $0x3C000, s5;
	[smem:$0x7D5] =	sst s10  }
0x22: {  	s12 =	sadd.s32 $0x3000, s5;
	[smem:$0x7D6] =	sst s11  }
0x23: {  	s13 =	sadd.s32 $0xB000, s5;
	[smem:$0x7D7] =	sst s12  }
0x24: {  	s14 =	sadd.s32 $0x13000, s5;
	[smem:$0x7D8] =	sst s13  }
0x25: {  	s19 =	sadd.s32 $0x5000, s5;
	[smem:$0x7D9] =	sst s14  }
0x26: {  	s20 =	sadd.s32 $0xD000, s5;
	[dreg:$0x1b] =	wrdreg s19  }
0x27: {  	s21 =	sadd.s32 $0x15000, s5;
	[dreg:$0x1c] =	wrdreg s20  }
0x28: {  	s22 =	sadd.s32 $0x1D000, s5;
	[dreg:$0x1d] =	wrdreg s21  }
0x29: {  	s23 =	sadd.s32 $0x25000, s5;
	[dreg:$0x1e] =	wrdreg s22  }
0x2a: {  	s24 =	sadd.s32 $0x2D000, s5;
	[dreg:$0x1f] =	wrdreg s23  }
0x2b: {  	s25 =	sadd.s32 $0x35000, s5;
	[smem:$0x7CC] =	sst s24  }
0x2c: {  	s26 =	sadd.s32 $0x3D000, s5;
	[smem:$0x7CD] =	sst s25  }
0x2d: {  	s31 =	sadd.s32 $0x4000, s5;
	[smem:$0x7CE] =	sst s26  }
0x2e: {  	s1 =	sadd.s32 $0xC000, s5;
	[smem:$0x7CF] =	sst s31  }
0x2f: {  	s6 =	sadd.s32 $0x14000, s5;
	[smem:$0x7D0] =	sst s1  }
0x30: {  	s7 =	sadd.s32 $0x1C000, s5;
	[smem:$0x7D1] =	sst s6  }
0x31: {  	s8 =	sadd.s32 $0x24000, s5;
	[smem:$0x7D2] =	sst s7  }
0x32: {  	s9 =	sadd.s32 $0x2C000, s5;
	[smem:$0x7D3] =	sst s8  }
0x33: {  	s15 =	sadd.s32 $0x1B000, s5;
	[smem:$0x7D4] =	sst s9  }
0x34: {  	s16 =	sadd.s32 $0x23000, s5;
	[smem:$0x7DA] =	sst s15  }
0x35: {  	s17 =	sadd.s32 $0x2B000, s5;
	[smem:$0x7DB] =	sst s16  }
0x36: {  	s18 =	sadd.s32 $0x33000, s5;
	[smem:$0x7DC] =	sst s17  }
0x37: {  	s10 =	sadd.s32 $0x29000, s5;
	[smem:$0x7DD] =	sst s18  }
0x38: {  	s11 =	sadd.s32 $0x31000, s5;
	[smem:$0x7EC] =	sst s10  }
0x39: {  	s12 =	sadd.s32 $0x39000, s5;
	[smem:$0x7ED] =	sst s11  }
0x3a: {  	s13 =	sadd.s32 $0x8000, s5;
	[smem:$0x7EE] =	sst s12  }
0x3b: {  	s14 =	sadd.s32 $0x10000, s5;
	[smem:$0x7EF] =	sst s13  }
0x3c: {  	s19 =	sadd.s32 $0x3B000, s5;
	[smem:$0x7F0] =	sst s14  }
0x3d: {  	s20 =	sadd.s32 $0x2000, s5;
	[smem:$0x7DE] =	sst s19  }
0x3e: {  	s21 =	sadd.s32 $0xA000, s5;
	[smem:$0x7DF] =	sst s20  }
0x3f: {  	s22 =	sadd.s32 $0x12000, s5;
	[smem:$0x7E0] =	sst s21  }
0x40: {  	s23 =	sadd.s32 $0x1A000, s5;
	[smem:$0x7E1] =	sst s22  }
0x41: {  	s24 =	sadd.s32 $0x22000, s5;
	[smem:$0x7E2] =	sst s23  }
0x42: {  	s25 =	sadd.s32 $0x2A000, s5;
	[smem:$0x7E3] =	sst s24  }
0x43: {  	s26 =	sadd.s32 $0x32000, s5;
	[smem:$0x7E4] =	sst s25  }
0x44: {  	s31 =	sadd.s32 $0x3A000, s5;
	[smem:$0x7E5] =	sst s26  }
0x45: {  	s1 =	sadd.s32 $0x1000, s5;
	[smem:$0x7E6] =	sst s31  }
0x46: {  	s6 =	sadd.s32 $0x9000, s5;
	[smem:$0x7E7] =	sst s1  }
0x47: {  	s7 =	sadd.s32 $0x11000, s5;
	[smem:$0x7E8] =	sst s6  }
0x48: {  	s8 =	sadd.s32 $0x19000, s5;
	[smem:$0x7E9] =	sst s7  }
0x49: {  	s28 =	simm.s32 $0x11880;
	s9 =	sadd.s32 $0x21000, s5;
	[smem:$0x7EA] =	sst s8  }
0x4a: {  	s29 =	simm.s32 $0x2;
	s15 =	sadd.s32 $0x18000, s5;
	[smem:$0x7EB] =	sst s9  }
0x4b: {  	s30 =	simm.s32 $0x0;
	s16 =	sadd.s32 $0x20000, s5;
	[smem:$0x7F1] =	sst s15  }
0x4c: {  	s3 =	simm.s32 $0x1;
	s17 =	sadd.s32 $0x28000, s5;
	[smem:$0x7F2] =	sst s16  }
0x4d: {  	s18 =	sadd.s32 $0x30000, s5;
	s10 =	simm.s32 $0xD080;
	[smem:$0x7F3] =	sst s17  }
0x4e: {  	s11 =	simm.s32 $0x12C80;
	[smem:$0x7F4] =	sst s18;
	s19 =	sadd.s32 $0x38000, s5  }
0x4f: {  	s12 =	simm.s32 $0xCC80;
	s20 =	ssub.s32 $0x9F0, s4;
	[smem:$0x7F5] =	sst s19  }
0x50: {  	s13 =	simm.s32 $0x12880;
	s21 =	ssub.s32 $0x9E0, s4;
	[smem:$0x7F6] =	sst s20  }
0x51: {  	s14 =	simm.s32 $0xC880;
	s22 =	ssub.s32 $0x9D0, s4;
	[smem:$0x7F7] =	sst s21  }
0x52: {  	s23 =	ssub.s32 $0x9C0, s4;
	s24 =	ssub.s32 $0x9B0, s4;
	[smem:$0x7F8] =	sst s22  }
.Ltmp0:
0x53: {  	s25 =	ssub.s32 $0x9A0, s4;
	[smem:$0x7F9] =	sst s23;
	(pc) =	sbr.rel .LBB2_1-.Ltmp0, $4  }
0x54: {  	s26 =	ssub.s32 $0x990, s4;
	s31 =	ssub.s32 $0x980, s4;
	[smem:$0x7FA] =	sst s24  }
0x55: {  	v0 =	vlaneseq.u32;
	s15 =	simm.s32 $0x12480;
	s16 =	simm.s32 $0xC480;
	[smem:$0x7FB] =	sst s25  }
0x56: {  	v0 =	vmul.u32 $0xFFFFFFFF, v0;
	s17 =	simm.s32 $0x12080;
	s18 =	simm.s32 $0xC080;
	[smem:$0x7FC] =	sst s26  }
0x57: {  	[smem:$0x7FD] =	sst s31;
	s19 =	simm.s32 $0x11C80;
	s26 =	simm.s32 $0xBC80  }
.LBB2_63:
0x58: {  	s0 =	simm.s32 $0xD880  }
0x59: {  	[hbm4b:s5+s2] =	stream.linear.scatter [tilespmem:s0], [sflag:$0x2], $0x4000, $0x38;
	[tilespmem:$0x17480] =	vst v63  }
0x5a: {  	s6 =	sadd.s32 $0x800, s5;
	s1 =	simm.s32 $0x13480;
	s7 =	sld [smem:$0x7EF]  }
0x5b: {  	[hbm4b:s6+s2] =	stream.linear.scatter [tilespmem:s1], [sflag:$0x2], $0x4000, $0x38;
	[tilespmem:$0x17480] =	vst v63  }
0x5c: {  	s8 =	simm.s32 $0xD480  }
0x5d: {  	[hbm4b:s7+s2] =	stream.linear.scatter [tilespmem:s8], [sflag:$0x2], $0x4000, $0x38;
	[tilespmem:$0x17480] =	vst v63  }
0x5e: {  	s9 =	simm.s32 $0x13080;
	s20 =	sld [smem:$0x7F0];
	s0 =	sadd.s32 $0x800, s7  }
0x5f: {  	[hbm4b:s0+s2] =	stream.linear.scatter [tilespmem:s9], [sflag:$0x2], $0x4000, $0x38;
	[tilespmem:$0x17480] =	vst v63  }
0x60: {  	_ = 	snop  }
0x61: {  	[hbm4b:s20+s2] =	stream.linear.scatter [tilespmem:s10], [sflag:$0x2], $0x4000, $0x38;
	[tilespmem:$0x17480] =	vst v63  }
0x62: {  	s21 =	sld [smem:$0x7F1];
	s0 =	sadd.s32 $0x800, s20  }
0x63: {  	[hbm4b:s0+s2] =	stream.linear.scatter [tilespmem:s11], [sflag:$0x2], $0x4000, $0x38;
	[tilespmem:$0x17480] =	vst v63  }
0x64: {  	_ = 	snop  }
0x65: {  	[hbm4b:s21+s2] =	stream.linear.scatter [tilespmem:s12], [sflag:$0x2], $0x4000, $0x38;
	[tilespmem:$0x17480] =	vst v63  }
0x66: {  	s22 =	sld [smem:$0x7F2];
	s0 =	sadd.s32 $0x800, s21  }
0x67: {  	[hbm4b:s0+s2] =	stream.linear.scatter [tilespmem:s13], [sflag:$0x2], $0x4000, $0x38;
	[tilespmem:$0x17480] =	vst v63  }
0x68: {  	_ = 	snop  }
0x69: {  	[hbm4b:s22+s2] =	stream.linear.scatter [tilespmem:s14], [sflag:$0x2], $0x4000, $0x38;
	[tilespmem:$0x17480] =	vst v63  }
0x6a: {  	s23 =	sld [smem:$0x7F3];
	s0 =	sadd.s32 $0x800, s22  }
0x6b: {  	[hbm4b:s0+s2] =	stream.linear.scatter [tilespmem:s15], [sflag:$0x2], $0x4000, $0x38;
	[tilespmem:$0x17480] =	vst v63  }
0x6c: {  	_ = 	snop  }
0x6d: {  	[hbm4b:s23+s2] =	stream.linear.scatter [tilespmem:s16], [sflag:$0x2], $0x4000, $0x38;
	[tilespmem:$0x17480] =	vst v63  }
0x6e: {  	s24 =	sld [smem:$0x7F4];
	s0 =	sadd.s32 $0x800, s23  }
0x6f: {  	[hbm4b:s0+s2] =	stream.linear.scatter [tilespmem:s17], [sflag:$0x2], $0x4000, $0x38;
	[tilespmem:$0x17480] =	vst v63  }
0x70: {  	_ = 	snop  }
0x71: {  	[hbm4b:s24+s2] =	stream.linear.scatter [tilespmem:s18], [sflag:$0x2], $0x4000, $0x38;
	[tilespmem:$0x17480] =	vst v63  }
0x72: {  	s25 =	sld [smem:$0x7F5];
	s0 =	sadd.s32 $0x800, s24  }
0x73: {  	[hbm4b:s0+s2] =	stream.linear.scatter [tilespmem:s19], [sflag:$0x2], $0x4000, $0x38;
	[tilespmem:$0x17480] =	vst v63  }
0x74: {  	_ = 	snop  }
0x75: {  	[hbm4b:s25+s2] =	stream.linear.scatter [tilespmem:s26], [sflag:$0x2], $0x4000, $0x38;
	[tilespmem:$0x17480] =	vst v63  }
0x76: {  	s0 =	sadd.s32 $0x800, s25  }
0x77: {  	[hbm4b:s0+s2] =	stream.linear.scatter [tilespmem:s28], [sflag:$0x2], $0x4000, $0x38;
	[tilespmem:$0x17480] =	vst v63  }
0x78: {  	_ =	swait.ge [sflag:s3], $0x8000  }
0x79: {  	[sflag:s3] =	ssyncset.done $0x0  }
0x7a: {  	[sflag:s3] =	ssyncadd.s32 $0xFFFF8000  }
0x7b: {  	_ =	swait.ge [sflag:s3], $0x8000  }
0x7c: {  	[sflag:s3] =	ssyncset.done $0x0  }
0x7d: {  	[sflag:s3] =	ssyncadd.s32 $0xFFFF8000  }
0x7e: {  	_ =	swait.ge [sflag:s3], $0x8000  }
0x7f: {  	[sflag:s3] =	ssyncset.done $0x0  }
0x80: {  	[sflag:s3] =	ssyncadd.s32 $0xFFFF8000  }
0x81: {  	_ =	swait.ge [sflag:s3], $0x8000  }
0x82: {  	[sflag:s3] =	ssyncset.done $0x0  }
0x83: {  	[sflag:s3] =	ssyncadd.s32 $0xFFFF8000  }
0x84: {  	_ =	swait.ge [sflag:s3], $0x8000  }
0x85: {  	[sflag:s3] =	ssyncset.done $0x0  }
0x86: {  	[sflag:s3] =	ssyncadd.s32 $0xFFFF8000  }
0x87: {  	_ =	swait.ge [sflag:s3], $0x8000  }
0x88: {  	[sflag:s3] =	ssyncset.done $0x0  }
0x89: {  	[sflag:s3] =	ssyncadd.s32 $0xFFFF8000  }
0x8a: {  	_ =	swait.ge [sflag:s3], $0x8000  }
0x8b: {  	[sflag:s3] =	ssyncset.done $0x0  }
0x8c: {  	[sflag:s3] =	ssyncadd.s32 $0xFFFF8000  }
0x8d: {  	_ =	swait.ge [sflag:s3], $0x8000  }
0x8e: {  	[sflag:s3] =	ssyncset.done $0x0  }
0x8f: {  	[sflag:s3] =	ssyncadd.s32 $0xFFFF8000  }
0x90: {  	_ =	swait.ge [sflag:s29], $0x8000  }
0x91: {  	[sflag:s29] =	ssyncset.done $0x0  }
0x92: {  	[sflag:s29] =	ssyncadd.s32 $0xFFFF8000  }
0x93: {  	_ =	swait.ge [sflag:s29], $0x8000  }
0x94: {  	[sflag:s29] =	ssyncset.done $0x0  }
0x95: {  	[sflag:s29] =	ssyncadd.s32 $0xFFFF8000  }
0x96: {  	_ =	swait.ge [sflag:s29], $0x8000  }
0x97: {  	[sflag:s29] =	ssyncset.done $0x0  }
0x98: {  	[sflag:s29] =	ssyncadd.s32 $0xFFFF8000  }
0x99: {  	_ =	swait.ge [sflag:s29], $0x8000  }
0x9a: {  	[sflag:s29] =	ssyncset.done $0x0  }
0x9b: {  	[sflag:s29] =	ssyncadd.s32 $0xFFFF8000  }
0x9c: {  	_ =	swait.ge [sflag:s29], $0x8000  }
0x9d: {  	[sflag:s29] =	ssyncset.done $0x0  }
0x9e: {  	[sflag:s29] =	ssyncadd.s32 $0xFFFF8000  }
0x9f: {  	_ =	swait.ge [sflag:s29], $0x8000  }
0xa0: {  	[sflag:s29] =	ssyncset.done $0x0  }
0xa1: {  	[sflag:s29] =	ssyncadd.s32 $0xFFFF8000  }
0xa2: {  	_ =	swait.ge [sflag:s29], $0x8000  }
0xa3: {  	[sflag:s29] =	ssyncset.done $0x0  }
0xa4: {  	[sflag:s29] =	ssyncadd.s32 $0xFFFF8000  }
0xa5: {  	_ =	swait.ge [sflag:s29], $0x8000  }
0xa6: {  	s30 =	sadd.s32 $0x1, s30;
	s31 =	rddreg [dreg:$0x4]  }
0xa7: {  	p0 =	sne.s32 s30, s31  }
.Ltmp1:
0xa8: {  	_ = 	snop;
	(pc) =	sbr.rel @!p0 .LBB2_64-.Ltmp1, $3  }
0xa9: {  	_ =	sdelay $0x1  }
0xaa: {  	[sflag:s29] =	ssyncset.done $0x0  }
0xab: {  	[sflag:s29] =	ssyncadd.s32 $0xFFFF8000  }
.LBB2_1:
0xac: {  	s0 =	rddreg [dreg:$0x3];
	s31 =	simm.s32 $0x3  }
0xad: {  	[tilespmem:s2], [sflag:$0x3] =	stream.linear.gather [hbm4b:s0+s2], $0x480, $0x38;
	[tilespmem:$0x17480] =	vst v63  }
0xae: {  	_ =	swait.ge [sflag:s31], $0x480  }
0xaf: {  	[sflag:s31] =	ssyncset.done $0x0  }
0xb0: {  	s1 =	simm.s32 $0x0;
	s0 =	sld [smem:$0x7F6];
	[sflag:s31] =	ssyncadd.s32 $0xFFFFFB80  }
.LBB2_2:
0xb1: {  	_ =	sdelay $0x1  }
0xb2: {  	v1 =	vadd.s32 s0, v0  }
0xb3: {  	vm0 =	vgt.s32 v1, $0x0  }
0xb4: {  	v1 =	vnsel vm0, $0x0, v1  }
0xb5: {  	v1 =	vmin.u32 v1, $0x400;
	_ =	sdelay $0x3  }
0xb6: {  	s6 =	sshrl.u32 s1, $0x3;
	s8 =	sadd.s32 $0xFFFFFFF0, s0  }
0xb7: {  	s6 =	smul.u32 $0x17000, s6;
	v3 =	vld.idx.msk [tilespmem:v1+s2+$0x0], $0xffff;
	v1 =	vadd.s32 s8, v0  }
0xb8: {  	s7 =	sshll.u32 s1, $0x7;
	vm15 =	vgt.s32 v1, $0x0  }
0xb9: {  	s7 =	sand.u32 $0x380, s7;
	s6 =	sshra.s32 s6, $0x2;
	v1 =	vnsel vm15, $0x0, v1  }
0xba: {  	s6 =	sor.u32 s7, s6;
	s7 =	simm.s32 $0x0;
	v1 =	vmin.u32 v1, $0x400  }
0xbb: {  	s6 =	sadd.s32 $0x480, s6;
	s20 =	sand.u32 $0x7C00, s7  }
0xbc: {  	s21 =	sand.u32 $0x70, s7;
	s20 =	sadd.s32 s20, s6  }
0xbd: {  	s22 =	sadd.s32 $0xFFFFFFF0, s8;
	s31 =	sadd.s32 s21, s20  }
0xbe: {  	s23 =	simm.s32 $0x180;
	v2 =	vadd.s32 s22, v0;
	s21 =	simm.s32 $0x80;
	s20 =	simm.s32 $0x100;
	[tilespmem:s31+$0x0] =	vst v3  }
.LBB2_3:
0xbf: {  	p0 =	sne.s32 s23, $0x5B80;
	vm0 =	vgt.s32 v2, $0x0;
	v3 =	vld.idx.msk [tilespmem:v1+s2+$0x0], $0xffff  }
0xc0: {  	v1 =	vnsel vm0, $0x0, v2  }
.Ltmp2:
0xc1: {  	v1 =	vmin.u32 v1, $0x400;
	(pc) =	sbr.rel @p0 .LBB2_3-.Ltmp2, $4  }
0xc2: {  	s8 =	sand.u32 $0x7C00, s21;
	s7 =	sadd.s32 $0x10, s7;
	s21 =	smov.u32 s20  }
0xc3: {  	s20 =	smov.u32 s23;
	s24 =	sand.u32 $0x70, s7;
	s8 =	sadd.s32 s8, s6  }
0xc4: {  	s22 =	sadd.s32 $0xFFFFFFF0, s22;
	s8 =	sadd.s32 s24, s8  }
0xc5: {  	s23 =	sadd.s32 $0x80, s23;
	v2 =	vadd.s32 s22, v0;
	[tilespmem:s8+$0x0] =	vst v3  }
0xc6: {  	_ =	sdelay $0x2  }
0xc7: {  	vm0 =	vgt.s32 v2, $0x0  }
0xc8: {  	v1 =	vld.idx.msk [tilespmem:v1+s2+$0x0], $0xffff;
	v2 =	vnsel vm0, $0x0, v2  }
0xc9: {  	v2 =	vmin.u32 v2, $0x400  }
0xca: {  	s8 =	sand.u32 $0x7C00, s21;
	s7 =	sadd.s32 $0x10, s7  }
0xcb: {  	s24 =	sand.u32 $0x70, s7;
	s8 =	sadd.s32 s8, s6  }
0xcc: {  	s8 =	sadd.s32 s24, s8  }
0xcd: {  	s1 =	sadd.s32 $0x1, s1;
	[tilespmem:s8+$0x0] =	vst v1  }
0xce: {  	p0 =	sne.s32 s1, $0x10;
	v1 =	vld.idx.msk [tilespmem:v2+s2+$0x0], $0xffff  }
.Ltmp3:
0xcf: {  	_ = 	snop;
	(pc) =	sbr.rel @p0 .LBB2_2-.Ltmp3, $4  }
0xd0: {  	s25 =	sand.u32 $0x7C00, s20;
	s7 =	sadd.s32 $0x10, s7  }
0xd1: {  	s31 =	sadd.s32 s25, s6;
	s7 =	sand.u32 $0x70, s7  }
0xd2: {  	s6 =	sadd.s32 s7, s31  }
0xd3: {  	s0 =	sadd.s32 $0x1, s0;
	[tilespmem:s6+$0x0] =	vst v1  }
0xd4: {  	s31 =	simm.s32 $0x0;
	s0 =	rddreg [dreg:$0x5];
	s1 =	simm.s32 $0x2080  }
0xd5: {  	[hbm4b:s0+s31] =	stream.linear.scatter [tilespmem:s1], [sflag:$0x1], $0x4000, $0x38;
	[tilespmem:$0x17480] =	vst v63  }
0xd6: {  	s24 =	simm.s32 $0x7C80;
	s0 =	sadd.s32 $0x800, s0  }
0xd7: {  	[hbm4b:s0+s31] =	stream.linear.scatter [tilespmem:s24], [sflag:$0x1], $0x4000, $0x38;
	[tilespmem:$0x17480] =	vst v63  }
0xd8: {  	s25 =	rddreg [dreg:$0x6];
	s6 =	simm.s32 $0x1C80  }
0xd9: {  	[hbm4b:s25+s31] =	stream.linear.scatter [tilespmem:s6], [sflag:$0x1], $0x4000, $0x38;
	[tilespmem:$0x17480] =	vst v63  }
0xda: {  	s7 =	simm.s32 $0x7880;
	s0 =	sadd.s32 $0x800, s25  }
0xdb: {  	[hbm4b:s0+s31] =	stream.linear.scatter [tilespmem:s7], [sflag:$0x1], $0x4000, $0x38;
	[tilespmem:$0x17480] =	vst v63  }
0xdc: {  	s8 =	rddreg [dreg:$0x7];
	s9 =	simm.s32 $0x1880  }
0xdd: {  	[hbm4b:s8+s31] =	stream.linear.scatter [tilespmem:s9], [sflag:$0x1], $0x4000, $0x38;
	[tilespmem:$0x17480] =	vst v63  }
0xde: {  	s20 =	simm.s32 $0x7480;
	s0 =	sadd.s32 $0x800, s8  }
0xdf: {  	[hbm4b:s0+s31] =	stream.linear.scatter [tilespmem:s20], [sflag:$0x1], $0x4000, $0x38;
	[tilespmem:$0x17480] =	vst v63  }
0xe0: {  	s21 =	rddreg [dreg:$0x8];
	s22 =	simm.s32 $0x1480  }
0xe1: {  	[hbm4b:s21+s31] =	stream.linear.scatter [tilespmem:s22], [sflag:$0x1], $0x4000, $0x38;
	[tilespmem:$0x17480] =	vst v63  }
0xe2: {  	s23 =	simm.s32 $0x7080;
	s0 =	sadd.s32 $0x800, s21  }
0xe3: {  	[hbm4b:s0+s31] =	stream.linear.scatter [tilespmem:s23], [sflag:$0x1], $0x4000, $0x38;
	[tilespmem:$0x17480] =	vst v63  }
0xe4: {  	s24 =	rddreg [dreg:$0x9];
	s25 =	simm.s32 $0x1080  }
0xe5: {  	[hbm4b:s24+s31] =	stream.linear.scatter [tilespmem:s25], [sflag:$0x1], $0x4000, $0x38;
	[tilespmem:$0x17480] =	vst v63  }
0xe6: {  	s6 =	simm.s32 $0x6C80;
	s0 =	sadd.s32 $0x800, s24  }
0xe7: {  	[hbm4b:s0+s31] =	stream.linear.scatter [tilespmem:s6], [sflag:$0x1], $0x4000, $0x38;
	[tilespmem:$0x17480] =	vst v63  }
0xe8: {  	s7 =	rddreg [dreg:$0xa];
	s8 =	simm.s32 $0xC80  }
0xe9: {  	[hbm4b:s7+s31] =	stream.linear.scatter [tilespmem:s8], [sflag:$0x1], $0x4000, $0x38;
	[tilespmem:$0x17480] =	vst v63  }
0xea: {  	s9 =	simm.s32 $0x6880;
	s0 =	sadd.s32 $0x800, s7  }
0xeb: {  	[hbm4b:s0+s31] =	stream.linear.scatter [tilespmem:s9], [sflag:$0x1], $0x4000, $0x38;
	[tilespmem:$0x17480] =	vst v63  }
0xec: {  	s20 =	rddreg [dreg:$0xb];
	s21 =	simm.s32 $0x880  }
0xed: {  	[hbm4b:s20+s31] =	stream.linear.scatter [tilespmem:s21], [sflag:$0x1], $0x4000, $0x38;
	[tilespmem:$0x17480] =	vst v63  }
0xee: {  	s22 =	simm.s32 $0x6480;
	s0 =	sadd.s32 $0x800, s20  }
0xef: {  	[hbm4b:s0+s31] =	stream.linear.scatter [tilespmem:s22], [sflag:$0x1], $0x4000, $0x38;
	[tilespmem:$0x17480] =	vst v63  }
0xf0: {  	s23 =	rddreg [dreg:$0xc];
	s24 =	simm.s32 $0x480  }
0xf1: {  	[hbm4b:s23+s31] =	stream.linear.scatter [tilespmem:s24], [sflag:$0x1], $0x4000, $0x38;
	[tilespmem:$0x17480] =	vst v63  }
0xf2: {  	s25 =	simm.s32 $0x6080;
	s0 =	sadd.s32 $0x800, s23  }
0xf3: {  	[hbm4b:s0+s31] =	stream.linear.scatter [tilespmem:s25], [sflag:$0x1], $0x4000, $0x38;
	[tilespmem:$0x17480] =	vst v63  }
0xf4: {  	s1 =	simm.s32 $0x0;
	s0 =	sld [smem:$0x7F7]  }
.LBB2_6:
0xf5: {  	_ =	sdelay $0x1  }
0xf6: {  	v1 =	vadd.s32 s0, v0  }
0xf7: {  	vm0 =	vgt.s32 v1, $0x0  }
0xf8: {  	v1 =	vnsel vm0, $0x0, v1  }
0xf9: {  	v1 =	vmin.u32 v1, $0x400;
	_ =	sdelay $0x3  }
0xfa: {  	s6 =	sshrl.u32 s1, $0x3;
	s25 =	sadd.s32 $0xFFFFFFF0, s0  }
0xfb: {  	s6 =	smul.u32 $0x17000, s6;
	v3 =	vld.idx.msk [tilespmem:v1+s2+$0x0], $0xffff;
	v1 =	vadd.s32 s25, v0  }
0xfc: {  	s7 =	sshll.u32 s1, $0x7;
	vm15 =	vgt.s32 v1, $0x0  }
0xfd: {  	s7 =	sand.u32 $0x380, s7;
	s6 =	sshra.s32 s6, $0x2;
	v1 =	vnsel vm15, $0x0, v1  }
0xfe: {  	s6 =	sor.u32 s7, s6;
	v1 =	vmin.u32 v1, $0x400  }
0xff: {  	s8 =	sand.u32 $0x7C00, s31;
	s6 =	sadd.s32 $0xBC80, s6  }
0x100: {  	s22 =	sand.u32 $0x70, s31;
	s8 =	sadd.s32 s8, s6  }
0x101: {  	s20 =	simm.s32 $0x80;
	s21 =	sadd.s32 $0xFFFFFFF0, s25;
	s8 =	sadd.s32 s22, s8  }
0x102: {  	s23 =	simm.s32 $0x180;
	s7 =	simm.s32 $0x100;
	v2 =	vadd.s32 s21, v0;
	s22 =	simm.s32 $0x0;
	[tilespmem:s8+$0x0] =	vst v3  }
.LBB2_7:
0x103: {  	p0 =	sne.s32 s23, $0x5B80;
	vm0 =	vgt.s32 v2, $0x0;
	v3 =	vld.idx.msk [tilespmem:v1+s2+$0x0], $0xffff  }
0x104: {  	v1 =	vnsel vm0, $0x0, v2  }
.Ltmp4:
0x105: {  	v1 =	vmin.u32 v1, $0x400;
	(pc) =	sbr.rel @p0 .LBB2_7-.Ltmp4, $4  }
0x106: {  	s8 =	sand.u32 $0x7C00, s20;
	s22 =	sadd.s32 $0x10, s22;
	s20 =	smov.u32 s7  }
0x107: {  	s7 =	smov.u32 s23;
	s24 =	sand.u32 $0x70, s22;
	s8 =	sadd.s32 s8, s6  }
0x108: {  	s21 =	sadd.s32 $0xFFFFFFF0, s21;
	s8 =	sadd.s32 s24, s8  }
0x109: {  	s23 =	sadd.s32 $0x80, s23;
	v2 =	vadd.s32 s21, v0;
	[tilespmem:s8+$0x0] =	vst v3  }
0x10a: {  	_ =	sdelay $0x2  }
0x10b: {  	vm0 =	vgt.s32 v2, $0x0  }
0x10c: {  	v1 =	vld.idx.msk [tilespmem:v1+s2+$0x0], $0xffff;
	v2 =	vnsel vm0, $0x0, v2  }
0x10d: {  	v2 =	vmin.u32 v2, $0x400  }
0x10e: {  	s8 =	sand.u32 $0x7C00, s20;
	s23 =	sadd.s32 $0x10, s22  }
0x10f: {  	s21 =	sand.u32 $0x70, s23;
	s8 =	sadd.s32 s8, s6  }
0x110: {  	s8 =	sadd.s32 s21, s8  }
0x111: {  	s1 =	sadd.s32 $0x1, s1;
	[tilespmem:s8+$0x0] =	vst v1  }
0x112: {  	p0 =	sne.s32 s1, $0x10;
	v1 =	vld.idx.msk [tilespmem:v2+s2+$0x0], $0xffff  }
.Ltmp5:
0x113: {  	_ = 	snop;
	(pc) =	sbr.rel @p0 .LBB2_6-.Ltmp5, $4  }
0x114: {  	s7 =	sand.u32 $0x7C00, s7;
	s24 =	sadd.s32 $0x10, s23  }
0x115: {  	s25 =	sadd.s32 s7, s6;
	s8 =	sand.u32 $0x70, s24  }
0x116: {  	s6 =	sadd.s32 s8, s25  }
0x117: {  	s0 =	sadd.s32 $0x1, s0;
	[tilespmem:s6+$0x0] =	vst v1  }
0x118: {  	s31 =	simm.s32 $0x0;
	s0 =	rddreg [dreg:$0xd];
	s1 =	simm.s32 $0xD880  }
0x119: {  	[hbm4b:s0+s31] =	stream.linear.scatter [tilespmem:s1], [sflag:$0x2], $0x4000, $0x38;
	[tilespmem:$0x17480] =	vst v63  }
0x11a: {  	s6 =	simm.s32 $0x13480;
	s0 =	sadd.s32 $0x800, s0  }
0x11b: {  	[hbm4b:s0+s31] =	stream.linear.scatter [tilespmem:s6], [sflag:$0x2], $0x4000, $0x38;
	[tilespmem:$0x17480] =	vst v63  }
0x11c: {  	s7 =	rddreg [dreg:$0xe];
	s8 =	simm.s32 $0xD480  }
0x11d: {  	[hbm4b:s7+s31] =	stream.linear.scatter [tilespmem:s8], [sflag:$0x2], $0x4000, $0x38;
	[tilespmem:$0x17480] =	vst v63  }
0x11e: {  	s9 =	simm.s32 $0x13080;
	s0 =	sadd.s32 $0x800, s7  }
0x11f: {  	[hbm4b:s0+s31] =	stream.linear.scatter [tilespmem:s9], [sflag:$0x2], $0x4000, $0x38;
	[tilespmem:$0x17480] =	vst v63  }
0x120: {  	s20 =	rddreg [dreg:$0xf]  }
0x121: {  	[hbm4b:s20+s31] =	stream.linear.scatter [tilespmem:s10], [sflag:$0x2], $0x4000, $0x38;
	[tilespmem:$0x17480] =	vst v63  }
0x122: {  	s0 =	sadd.s32 $0x800, s20  }
0x123: {  	[hbm4b:s0+s31] =	stream.linear.scatter [tilespmem:s11], [sflag:$0x2], $0x4000, $0x38;
	[tilespmem:$0x17480] =	vst v63  }
0x124: {  	s21 =	rddreg [dreg:$0x10]  }
0x125: {  	[hbm4b:s21+s31] =	stream.linear.scatter [tilespmem:s12], [sflag:$0x2], $0x4000, $0x38;
	[tilespmem:$0x17480] =	vst v63  }
0x126: {  	s0 =	sadd.s32 $0x800, s21  }
0x127: {  	[hbm4b:s0+s31] =	stream.linear.scatter [tilespmem:s13], [sflag:$0x2], $0x4000, $0x38;
	[tilespmem:$0x17480] =	vst v63  }
0x128: {  	s22 =	rddreg [dreg:$0x17]  }
0x129: {  	[hbm4b:s22+s31] =	stream.linear.scatter [tilespmem:s14], [sflag:$0x2], $0x4000, $0x38;
	[tilespmem:$0x17480] =	vst v63  }
0x12a: {  	s0 =	sadd.s32 $0x800, s22  }
0x12b: {  	[hbm4b:s0+s31] =	stream.linear.scatter [tilespmem:s15], [sflag:$0x2], $0x4000, $0x38;
	[tilespmem:$0x17480] =	vst v63  }
0x12c: {  	s23 =	rddreg [dreg:$0x18]  }
0x12d: {  	[hbm4b:s23+s31] =	stream.linear.scatter [tilespmem:s16], [sflag:$0x2], $0x4000, $0x38;
	[tilespmem:$0x17480] =	vst v63  }
0x12e: {  	s0 =	sadd.s32 $0x800, s23  }
0x12f: {  	[hbm4b:s0+s31] =	stream.linear.scatter [tilespmem:s17], [sflag:$0x2], $0x4000, $0x38;
	[tilespmem:$0x17480] =	vst v63  }
0x130: {  	s24 =	rddreg [dreg:$0x19]  }
0x131: {  	[hbm4b:s24+s31] =	stream.linear.scatter [tilespmem:s18], [sflag:$0x2], $0x4000, $0x38;
	[tilespmem:$0x17480] =	vst v63  }
0x132: {  	s0 =	sadd.s32 $0x800, s24  }
0x133: {  	[hbm4b:s0+s31] =	stream.linear.scatter [tilespmem:s19], [sflag:$0x2], $0x4000, $0x38;
	[tilespmem:$0x17480] =	vst v63  }
0x134: {  	s25 =	rddreg [dreg:$0x1a]  }
0x135: {  	[hbm4b:s25+s31] =	stream.linear.scatter [tilespmem:s26], [sflag:$0x2], $0x4000, $0x38;
	[tilespmem:$0x17480] =	vst v63  }
0x136: {  	s0 =	sadd.s32 $0x800, s25  }
0x137: {  	[hbm4b:s0+s31] =	stream.linear.scatter [tilespmem:s28], [sflag:$0x2], $0x4000, $0x38;
	[tilespmem:$0x17480] =	vst v63  }
0x138: {  	_ =	swait.ge [sflag:s3], $0x8000  }
0x139: {  	[sflag:s3] =	ssyncset.done $0x0  }
0x13a: {  	[sflag:s3] =	ssyncadd.s32 $0xFFFF8000  }
0x13b: {  	_ =	swait.ge [sflag:s3], $0x8000  }
0x13c: {  	[sflag:s3] =	ssyncset.done $0x0  }
0x13d: {  	[sflag:s3] =	ssyncadd.s32 $0xFFFF8000  }
0x13e: {  	_ =	swait.ge [sflag:s3], $0x8000  }
0x13f: {  	[sflag:s3] =	ssyncset.done $0x0  }
0x140: {  	[sflag:s3] =	ssyncadd.s32 $0xFFFF8000  }
0x141: {  	_ =	swait.ge [sflag:s3], $0x8000  }
0x142: {  	[sflag:s3] =	ssyncset.done $0x0  }
0x143: {  	[sflag:s3] =	ssyncadd.s32 $0xFFFF8000  }
0x144: {  	_ =	swait.ge [sflag:s3], $0x8000  }
0x145: {  	[sflag:s3] =	ssyncset.done $0x0  }
0x146: {  	[sflag:s3] =	ssyncadd.s32 $0xFFFF8000  }
0x147: {  	_ =	swait.ge [sflag:s3], $0x8000  }
0x148: {  	[sflag:s3] =	ssyncset.done $0x0  }
0x149: {  	[sflag:s3] =	ssyncadd.s32 $0xFFFF8000  }
0x14a: {  	_ =	swait.ge [sflag:s3], $0x8000  }
.Ltmp6:
0x14b: {  	[sflag:s3] =	ssyncset.done $0x0;
	(pc) =	sbr.rel .LBB2_10-.Ltmp6, $4  }
0x14c: {  	[sflag:s3] =	ssyncadd.s32 $0xFFFF8000  }
0x14d: {  	_ =	swait.ge [sflag:s3], $0x8000  }
0x14e: {  	[sflag:s3] =	ssyncset.done $0x0;
	s1 =	sld [smem:$0x7F8]  }
0x14f: {  	s0 =	rddreg [dreg:$0x11];
	[sflag:s3] =	ssyncadd.s32 $0xFFFF8000  }
.LBB2_12:
0x150: {  	s7 =	smov.u32 s23;
	s6 =	smov.u32 s24  }
.LBB2_16:
0x151: {  	_ =	sdelay $0x2  }
0x152: {  	[tilespmem:s8+$0x0] =	vst @p0 v2  }
0x153: {  	s7 =	sadd.s32 @p0 $0x80, s7;
	v1 =	vld.idx.msk [tilespmem:v1+s2+$0x0], $0xffff  }
0x154: {  	s6 =	sadd.s32 @p0 $0x10, s6;
	s23 =	smov.u32 @p0 s7  }
0x155: {  	s24 =	smov.u32 @p0 s6;
	s7 =	sand.u32 $0xFFFFFC00, s23  }
0x156: {  	s6 =	sand.u32 $0x70, s24;
	s7 =	sadd.s32 s7, s20  }
0x157: {  	s6 =	sadd.s32 s6, s7  }
0x158: {  	[tilespmem:s6+$0x0] =	vst v1  }
.LBB2_17:
0x159: {  	s31 =	sadd.s32 $0x1, s31  }
0x15a: {  	p0 =	sne.s32 s31, $0x10  }
.Ltmp7:
0x15b: {  	_ = 	snop;
	(pc) =	sbr.rel @!p0 .LBB2_18-.Ltmp7, $2  }
0x15c: {  	_ =	sdelay $0x2  }
0x15d: {  	s0 =	sadd.s32 $0x1, s0;
	s1 =	sadd.s32 $0x1, s1  }
.LBB2_10:
0x15e: {  	s6 =	ssub.s32 s31, s4  }
0x15f: {  	s7 =	sadd.s32 $0x9DF, s6  }
0x160: {  	s6 =	sadd.s32 $0x5D0, s6;
	s7 =	sshrl.u32 s7, $0x4  }
0x161: {  	s6 =	sshrl.u32 s6, $0x4;
	s21 =	sadd.s32 $0x2, s7  }
0x162: {  	p0 =	sge.u32 s6, s21  }
.Ltmp8:
0x163: {  	_ = 	snop;
	(pc) =	sbr.rel @p0 .LBB2_17-.Ltmp8, $1  }
0x164: {  	_ =	sdelay $0x3  }
0x165: {  	s7 =	sshrl.u32 s31, $0x3  }
0x166: {  	s7 =	smul.u32 $0x17000, s7;
	_ =	sdelay $0x1  }
0x167: {  	s25 =	sshra.s32 s7, $0x2;
	s7 =	sadd.s32 $0x1, s6  }
0x168: {  	s24 =	sand.u32 $0xFFFFFFF0, s0;
	p1 =	slt.u32 s7, s21  }
.Ltmp9:
0x169: {  	s8 =	ssub.s32 s1, s24;
	(pc) =	sbr.rel @!p1 .LBB2_12-.Ltmp9, $4  }
0x16a: {  	s22 =	sshll.u32 s31, $0x7;
	v1 =	vadd.s32 s8, v0  }
0x16b: {  	s22 =	sand.u32 $0x380, s22;
	vm0 =	vgt.s32 v1, $0x0  }
0x16c: {  	s20 =	sshll.u32 s0, $0x3;
	p0 =	por $0x0, $0x0;
	s25 =	sor.u32 s22, s25;
	v1 =	vnsel vm0, $0x0, v1  }
0x16d: {  	s23 =	sand.u32 $0xFFFFFF80, s20;
	s6 =	sadd.s32 $0xFFFFFFF0, s8;
	s20 =	sadd.s32 $0x480, s25;
	v1 =	vmin.u32 v1, $0x400  }
0x16e: {  	_ =	sdelay $0x1  }
0x16f: {  	v3 =	vadd.s32 s6, v0;
	s22 =	sadd.s32 $0x1, s7  }
0x170: {  	vm0 =	vgt.s32 v3, $0x0;
	p1 =	slt.u32 s22, s21  }
.Ltmp10:
0x171: {  	v2 =	vld.idx.msk [tilespmem:v1+s2+$0x0], $0xffff;
	v1 =	vnsel vm0, $0x0, v3;
	(pc) =	sbr.rel @!p1 .LBB2_14-.Ltmp10, $4  }
0x172: {  	v1 =	vmin.u32 v1, $0x400  }
0x173: {  	s25 =	sand.u32 $0xFFFFFC00, s23;
	s8 =	sand.u32 $0x70, s24  }
0x174: {  	p0 =	por $0x1, $0x1;
	s7 =	sadd.s32 s25, s20;
	s25 =	sadd.s32 $0xFFFFFFF0, s6  }
0x175: {  	s6 =	smov.u32 s24;
	s8 =	sadd.s32 s8, s7;
	s7 =	smov.u32 s23  }
.LBB2_15:
0x176: {  	v3 =	vadd.s32 s25, v0;
	s22 =	sadd.s32 $0x1, s22;
	[tilespmem:s8+$0x0] =	vst v2  }
0x177: {  	vm0 =	vgt.s32 v3, $0x0;
	p1 =	slt.u32 s22, s21;
	v2 =	vld.idx.msk [tilespmem:v1+s2+$0x0], $0xffff  }
.Ltmp11:
0x178: {  	v1 =	vnsel vm0, $0x0, v3;
	(pc) =	sbr.rel @p1 .LBB2_15-.Ltmp11, $4  }
0x179: {  	s7 =	sadd.s32 $0x80, s7;
	v1 =	vmin.u32 v1, $0x400  }
0x17a: {  	s6 =	sadd.s32 $0x10, s6;
	s8 =	sand.u32 $0xFFFFFC00, s7  }
0x17b: {  	s9 =	sand.u32 $0x70, s6;
	s8 =	sadd.s32 s8, s20  }
0x17c: {  	s25 =	sadd.s32 $0xFFFFFFF0, s25;
	s8 =	sadd.s32 s9, s8  }
.Ltmp12:
0x17d: {  	_ = 	snop;
	(pc) =	sbr.rel .LBB2_16-.Ltmp12, $1  }
0x17e: {  	_ =	sdelay $0x3  }
.LBB2_14:
.Ltmp13:
0x17f: {  	(pc) =	sbr.rel .LBB2_16-.Ltmp13, $2  }
0x180: {  	_ =	sdelay $0x2  }
0x181: {  	s7 =	smov.u32 s23;
	s6 =	smov.u32 s24  }
.LBB2_18:
0x182: {  	s31 =	simm.s32 $0x0;
	s0 =	rddreg [dreg:$0x1b];
	s1 =	simm.s32 $0x2080  }
0x183: {  	[hbm4b:s0+s31] =	stream.linear.scatter [tilespmem:s1], [sflag:$0x1], $0x4000, $0x38;
	[tilespmem:$0x17480] =	vst v63  }
0x184: {  	s24 =	simm.s32 $0x7C80;
	s0 =	sadd.s32 $0x800, s0  }
0x185: {  	[hbm4b:s0+s31] =	stream.linear.scatter [tilespmem:s24], [sflag:$0x1], $0x4000, $0x38;
	[tilespmem:$0x17480] =	vst v63  }
0x186: {  	s25 =	rddreg [dreg:$0x1c];
	s6 =	simm.s32 $0x1C80  }
0x187: {  	[hbm4b:s25+s31] =	stream.linear.scatter [tilespmem:s6], [sflag:$0x1], $0x4000, $0x38;
	[tilespmem:$0x17480] =	vst v63  }
0x188: {  	s7 =	simm.s32 $0x7880;
	s0 =	sadd.s32 $0x800, s25  }
0x189: {  	[hbm4b:s0+s31] =	stream.linear.scatter [tilespmem:s7], [sflag:$0x1], $0x4000, $0x38;
	[tilespmem:$0x17480] =	vst v63  }
0x18a: {  	s8 =	rddreg [dreg:$0x1d];
	s9 =	simm.s32 $0x1880  }
0x18b: {  	[hbm4b:s8+s31] =	stream.linear.scatter [tilespmem:s9], [sflag:$0x1], $0x4000, $0x38;
	[tilespmem:$0x17480] =	vst v63  }
0x18c: {  	s20 =	simm.s32 $0x7480;
	s0 =	sadd.s32 $0x800, s8  }
0x18d: {  	[hbm4b:s0+s31] =	stream.linear.scatter [tilespmem:s20], [sflag:$0x1], $0x4000, $0x38;
	[tilespmem:$0x17480] =	vst v63  }
0x18e: {  	s21 =	rddreg [dreg:$0x1e];
	s22 =	simm.s32 $0x1480  }
0x18f: {  	[hbm4b:s21+s31] =	stream.linear.scatter [tilespmem:s22], [sflag:$0x1], $0x4000, $0x38;
	[tilespmem:$0x17480] =	vst v63  }
0x190: {  	s23 =	simm.s32 $0x7080;
	s0 =	sadd.s32 $0x800, s21  }
0x191: {  	[hbm4b:s0+s31] =	stream.linear.scatter [tilespmem:s23], [sflag:$0x1], $0x4000, $0x38;
	[tilespmem:$0x17480] =	vst v63  }
0x192: {  	s24 =	rddreg [dreg:$0x1f];
	s25 =	simm.s32 $0x1080  }
0x193: {  	[hbm4b:s24+s31] =	stream.linear.scatter [tilespmem:s25], [sflag:$0x1], $0x4000, $0x38;
	[tilespmem:$0x17480] =	vst v63  }
0x194: {  	s6 =	simm.s32 $0x6C80;
	s7 =	sld [smem:$0x7CC];
	s0 =	sadd.s32 $0x800, s24  }
0x195: {  	[hbm4b:s0+s31] =	stream.linear.scatter [tilespmem:s6], [sflag:$0x1], $0x4000, $0x38;
	[tilespmem:$0x17480] =	vst v63  }
0x196: {  	s8 =	simm.s32 $0xC80  }
0x197: {  	[hbm4b:s7+s31] =	stream.linear.scatter [tilespmem:s8], [sflag:$0x1], $0x4000, $0x38;
	[tilespmem:$0x17480] =	vst v63  }
0x198: {  	s9 =	simm.s32 $0x6880;
	s20 =	sld [smem:$0x7CD];
	s0 =	sadd.s32 $0x800, s7  }
0x199: {  	[hbm4b:s0+s31] =	stream.linear.scatter [tilespmem:s9], [sflag:$0x1], $0x4000, $0x38;
	[tilespmem:$0x17480] =	vst v63  }
0x19a: {  	s21 =	simm.s32 $0x880  }
0x19b: {  	[hbm4b:s20+s31] =	stream.linear.scatter [tilespmem:s21], [sflag:$0x1], $0x4000, $0x38;
	[tilespmem:$0x17480] =	vst v63  }
0x19c: {  	s22 =	simm.s32 $0x6480;
	s23 =	sld [smem:$0x7CE];
	s0 =	sadd.s32 $0x800, s20  }
0x19d: {  	[hbm4b:s0+s31] =	stream.linear.scatter [tilespmem:s22], [sflag:$0x1], $0x4000, $0x38;
	[tilespmem:$0x17480] =	vst v63  }
0x19e: {  	s24 =	simm.s32 $0x480  }
0x19f: {  	[hbm4b:s23+s31] =	stream.linear.scatter [tilespmem:s24], [sflag:$0x1], $0x4000, $0x38;
	[tilespmem:$0x17480] =	vst v63  }
0x1a0: {  	s25 =	simm.s32 $0x6080;
	s0 =	sadd.s32 $0x800, s23  }
0x1a1: {  	[hbm4b:s0+s31] =	stream.linear.scatter [tilespmem:s25], [sflag:$0x1], $0x4000, $0x38;
	[tilespmem:$0x17480] =	vst v63  }
0x1a2: {  	_ =	swait.ge [sflag:s29], $0x8000  }
0x1a3: {  	[sflag:s29] =	ssyncset.done $0x0  }
0x1a4: {  	[sflag:s29] =	ssyncadd.s32 $0xFFFF8000  }
0x1a5: {  	_ =	swait.ge [sflag:s29], $0x8000  }
0x1a6: {  	[sflag:s29] =	ssyncset.done $0x0  }
0x1a7: {  	[sflag:s29] =	ssyncadd.s32 $0xFFFF8000  }
0x1a8: {  	_ =	swait.ge [sflag:s29], $0x8000  }
0x1a9: {  	[sflag:s29] =	ssyncset.done $0x0  }
0x1aa: {  	[sflag:s29] =	ssyncadd.s32 $0xFFFF8000  }
0x1ab: {  	_ =	swait.ge [sflag:s29], $0x8000  }
0x1ac: {  	[sflag:s29] =	ssyncset.done $0x0  }
0x1ad: {  	[sflag:s29] =	ssyncadd.s32 $0xFFFF8000  }
0x1ae: {  	_ =	swait.ge [sflag:s29], $0x8000  }
0x1af: {  	[sflag:s29] =	ssyncset.done $0x0  }
0x1b0: {  	[sflag:s29] =	ssyncadd.s32 $0xFFFF8000  }
0x1b1: {  	_ =	swait.ge [sflag:s29], $0x8000  }
0x1b2: {  	[sflag:s29] =	ssyncset.done $0x0  }
0x1b3: {  	[sflag:s29] =	ssyncadd.s32 $0xFFFF8000  }
0x1b4: {  	_ =	swait.ge [sflag:s29], $0x8000  }
.Ltmp14:
0x1b5: {  	[sflag:s29] =	ssyncset.done $0x0;
	(pc) =	sbr.rel .LBB2_19-.Ltmp14, $4  }
0x1b6: {  	[sflag:s29] =	ssyncadd.s32 $0xFFFF8000  }
0x1b7: {  	_ =	swait.ge [sflag:s29], $0x8000  }
0x1b8: {  	[sflag:s29] =	ssyncset.done $0x0;
	s1 =	sld [smem:$0x7F9]  }
0x1b9: {  	s0 =	rddreg [dreg:$0x12];
	[sflag:s29] =	ssyncadd.s32 $0xFFFF8000  }
.LBB2_21:
0x1ba: {  	s23 =	smov.u32 s7;
	s24 =	smov.u32 s6  }
.LBB2_25:
0x1bb: {  	_ =	sdelay $0x2  }
0x1bc: {  	[tilespmem:s8+$0x0] =	vst @p0 v2  }
0x1bd: {  	s8 =	sadd.s32 @p0 $0x80, s23;
	v1 =	vld.idx.msk [tilespmem:v1+s2+$0x0], $0xffff  }
0x1be: {  	s7 =	smov.u32 @p0 s8;
	s8 =	sadd.s32 @p0 $0x10, s24  }
0x1bf: {  	s7 =	sand.u32 $0xFFFFFC00, s7;
	s6 =	smov.u32 @p0 s8  }
0x1c0: {  	s6 =	sand.u32 $0x70, s6;
	s7 =	sadd.s32 s7, s20  }
0x1c1: {  	s6 =	sadd.s32 s6, s7  }
0x1c2: {  	[tilespmem:s6+$0x0] =	vst v1  }
.LBB2_26:
0x1c3: {  	s31 =	sadd.s32 $0x1, s31  }
0x1c4: {  	p0 =	sne.s32 s31, $0x10  }
.Ltmp15:
0x1c5: {  	_ = 	snop;
	(pc) =	sbr.rel @!p0 .LBB2_27-.Ltmp15, $2  }
0x1c6: {  	_ =	sdelay $0x2  }
0x1c7: {  	s0 =	sadd.s32 $0x1, s0;
	s1 =	sadd.s32 $0x1, s1  }
.LBB2_19:
0x1c8: {  	s6 =	ssub.s32 s31, s4  }
0x1c9: {  	s7 =	sadd.s32 $0x9CF, s6  }
0x1ca: {  	s6 =	sadd.s32 $0x5C0, s6;
	s8 =	sshrl.u32 s7, $0x4  }
0x1cb: {  	s7 =	sshrl.u32 s6, $0x4;
	s21 =	sadd.s32 $0x2, s8  }
0x1cc: {  	p0 =	sge.u32 s7, s21  }
.Ltmp16:
0x1cd: {  	_ = 	snop;
	(pc) =	sbr.rel @p0 .LBB2_26-.Ltmp16, $1  }
0x1ce: {  	_ =	sdelay $0x3  }
0x1cf: {  	s22 =	sshll.u32 s31, $0x7  }
0x1d0: {  	s8 =	sshrl.u32 s31, $0x3;
	s23 =	sand.u32 $0x380, s22;
	s22 =	sadd.s32 $0x1, s7  }
0x1d1: {  	s6 =	sand.u32 $0xFFFFFFF0, s0;
	s8 =	smul.u32 $0x17000, s8;
	p1 =	slt.u32 s22, s21  }
.Ltmp17:
0x1d2: {  	s9 =	ssub.s32 s1, s6;
	(pc) =	sbr.rel @!p1 .LBB2_21-.Ltmp17, $4  }
0x1d3: {  	v1 =	vadd.s32 s9, v0  }
0x1d4: {  	s8 =	sshra.s32 s8, $0x2;
	vm0 =	vgt.s32 v1, $0x0  }
0x1d5: {  	s20 =	sshll.u32 s0, $0x3;
	p0 =	por $0x0, $0x0;
	s8 =	sor.u32 s23, s8;
	v1 =	vnsel vm0, $0x0, v1  }
0x1d6: {  	s7 =	sand.u32 $0xFFFFFF80, s20;
	s20 =	sadd.s32 $0xBC80, s8;
	v1 =	vmin.u32 v1, $0x400;
	s8 =	sadd.s32 $0xFFFFFFF0, s9  }
0x1d7: {  	_ =	sdelay $0x1  }
0x1d8: {  	v3 =	vadd.s32 s8, v0;
	s22 =	sadd.s32 $0x1, s22  }
0x1d9: {  	vm0 =	vgt.s32 v3, $0x0;
	p1 =	slt.u32 s22, s21  }
.Ltmp18:
0x1da: {  	v2 =	vld.idx.msk [tilespmem:v1+s2+$0x0], $0xffff;
	v1 =	vnsel vm0, $0x0, v3;
	(pc) =	sbr.rel @!p1 .LBB2_23-.Ltmp18, $4  }
0x1db: {  	v1 =	vmin.u32 v1, $0x400  }
0x1dc: {  	s9 =	sand.u32 $0xFFFFFC00, s7;
	s23 =	sand.u32 $0x70, s6  }
0x1dd: {  	s25 =	sadd.s32 $0xFFFFFFF0, s8;
	p0 =	por $0x1, $0x1;
	s9 =	sadd.s32 s9, s20  }
0x1de: {  	s24 =	smov.u32 s6;
	s8 =	sadd.s32 s23, s9;
	s23 =	smov.u32 s7  }
.LBB2_24:
0x1df: {  	v3 =	vadd.s32 s25, v0;
	s22 =	sadd.s32 $0x1, s22;
	[tilespmem:s8+$0x0] =	vst v2  }
0x1e0: {  	vm0 =	vgt.s32 v3, $0x0;
	p1 =	slt.u32 s22, s21;
	v2 =	vld.idx.msk [tilespmem:v1+s2+$0x0], $0xffff  }
.Ltmp19:
0x1e1: {  	v1 =	vnsel vm0, $0x0, v3;
	(pc) =	sbr.rel @p1 .LBB2_24-.Ltmp19, $4  }
0x1e2: {  	s23 =	sadd.s32 $0x80, s23;
	v1 =	vmin.u32 v1, $0x400  }
0x1e3: {  	s24 =	sadd.s32 $0x10, s24;
	s8 =	sand.u32 $0xFFFFFC00, s23  }
0x1e4: {  	s9 =	sand.u32 $0x70, s24;
	s8 =	sadd.s32 s8, s20  }
0x1e5: {  	s25 =	sadd.s32 $0xFFFFFFF0, s25;
	s8 =	sadd.s32 s9, s8  }
.Ltmp20:
0x1e6: {  	_ = 	snop;
	(pc) =	sbr.rel .LBB2_25-.Ltmp20, $1  }
0x1e7: {  	_ =	sdelay $0x3  }
.LBB2_23:
.Ltmp21:
0x1e8: {  	(pc) =	sbr.rel .LBB2_25-.Ltmp21, $2  }
0x1e9: {  	_ =	sdelay $0x2  }
0x1ea: {  	s23 =	smov.u32 s7;
	s24 =	smov.u32 s6  }
.LBB2_27:
0x1eb: {  	s0 =	sld [smem:$0x7CF];
	_ =	sdelay $0x1  }
0x1ec: {  	s31 =	simm.s32 $0x0;
	s1 =	simm.s32 $0xD880  }
0x1ed: {  	[hbm4b:s0+s31] =	stream.linear.scatter [tilespmem:s1], [sflag:$0x2], $0x4000, $0x38;
	[tilespmem:$0x17480] =	vst v63  }
0x1ee: {  	s6 =	simm.s32 $0x13480;
	s7 =	sld [smem:$0x7D0];
	s0 =	sadd.s32 $0x800, s0  }
0x1ef: {  	[hbm4b:s0+s31] =	stream.linear.scatter [tilespmem:s6], [sflag:$0x2], $0x4000, $0x38;
	[tilespmem:$0x17480] =	vst v63  }
0x1f0: {  	s8 =	simm.s32 $0xD480  }
0x1f1: {  	[hbm4b:s7+s31] =	stream.linear.scatter [tilespmem:s8], [sflag:$0x2], $0x4000, $0x38;
	[tilespmem:$0x17480] =	vst v63  }
0x1f2: {  	s9 =	simm.s32 $0x13080;
	s20 =	sld [smem:$0x7D1];
	s0 =	sadd.s32 $0x800, s7  }
0x1f3: {  	[hbm4b:s0+s31] =	stream.linear.scatter [tilespmem:s9], [sflag:$0x2], $0x4000, $0x38;
	[tilespmem:$0x17480] =	vst v63  }
0x1f4: {  	_ = 	snop  }
0x1f5: {  	[hbm4b:s20+s31] =	stream.linear.scatter [tilespmem:s10], [sflag:$0x2], $0x4000, $0x38;
	[tilespmem:$0x17480] =	vst v63  }
0x1f6: {  	s21 =	sld [smem:$0x7D2];
	s0 =	sadd.s32 $0x800, s20  }
0x1f7: {  	[hbm4b:s0+s31] =	stream.linear.scatter [tilespmem:s11], [sflag:$0x2], $0x4000, $0x38;
	[tilespmem:$0x17480] =	vst v63  }
0x1f8: {  	_ = 	snop  }
0x1f9: {  	[hbm4b:s21+s31] =	stream.linear.scatter [tilespmem:s12], [sflag:$0x2], $0x4000, $0x38;
	[tilespmem:$0x17480] =	vst v63  }
0x1fa: {  	s22 =	sld [smem:$0x7D3];
	s0 =	sadd.s32 $0x800, s21  }
0x1fb: {  	[hbm4b:s0+s31] =	stream.linear.scatter [tilespmem:s13], [sflag:$0x2], $0x4000, $0x38;
	[tilespmem:$0x17480] =	vst v63  }
0x1fc: {  	_ = 	snop  }
0x1fd: {  	[hbm4b:s22+s31] =	stream.linear.scatter [tilespmem:s14], [sflag:$0x2], $0x4000, $0x38;
	[tilespmem:$0x17480] =	vst v63  }
0x1fe: {  	s23 =	sld [smem:$0x7D4];
	s0 =	sadd.s32 $0x800, s22  }
0x1ff: {  	[hbm4b:s0+s31] =	stream.linear.scatter [tilespmem:s15], [sflag:$0x2], $0x4000, $0x38;
	[tilespmem:$0x17480] =	vst v63  }
0x200: {  	_ = 	snop  }
0x201: {  	[hbm4b:s23+s31] =	stream.linear.scatter [tilespmem:s16], [sflag:$0x2], $0x4000, $0x38;
	[tilespmem:$0x17480] =	vst v63  }
0x202: {  	s24 =	sld [smem:$0x7D5];
	s0 =	sadd.s32 $0x800, s23  }
0x203: {  	[hbm4b:s0+s31] =	stream.linear.scatter [tilespmem:s17], [sflag:$0x2], $0x4000, $0x38;
	[tilespmem:$0x17480] =	vst v63  }
0x204: {  	_ = 	snop  }
0x205: {  	[hbm4b:s24+s31] =	stream.linear.scatter [tilespmem:s18], [sflag:$0x2], $0x4000, $0x38;
	[tilespmem:$0x17480] =	vst v63  }
0x206: {  	s25 =	sld [smem:$0x7D6];
	s0 =	sadd.s32 $0x800, s24  }
0x207: {  	[hbm4b:s0+s31] =	stream.linear.scatter [tilespmem:s19], [sflag:$0x2], $0x4000, $0x38;
	[tilespmem:$0x17480] =	vst v63  }
0x208: {  	_ = 	snop  }
0x209: {  	[hbm4b:s25+s31] =	stream.linear.scatter [tilespmem:s26], [sflag:$0x2], $0x4000, $0x38;
	[tilespmem:$0x17480] =	vst v63  }
0x20a: {  	s0 =	sadd.s32 $0x800, s25  }
0x20b: {  	[hbm4b:s0+s31] =	stream.linear.scatter [tilespmem:s28], [sflag:$0x2], $0x4000, $0x38;
	[tilespmem:$0x17480] =	vst v63  }
0x20c: {  	_ =	swait.ge [sflag:s3], $0x8000  }
0x20d: {  	[sflag:s3] =	ssyncset.done $0x0  }
0x20e: {  	[sflag:s3] =	ssyncadd.s32 $0xFFFF8000  }
0x20f: {  	_ =	swait.ge [sflag:s3], $0x8000  }
0x210: {  	[sflag:s3] =	ssyncset.done $0x0  }
0x211: {  	[sflag:s3] =	ssyncadd.s32 $0xFFFF8000  }
0x212: {  	_ =	swait.ge [sflag:s3], $0x8000  }
0x213: {  	[sflag:s3] =	ssyncset.done $0x0  }
0x214: {  	[sflag:s3] =	ssyncadd.s32 $0xFFFF8000  }
0x215: {  	_ =	swait.ge [sflag:s3], $0x8000  }
0x216: {  	[sflag:s3] =	ssyncset.done $0x0  }
0x217: {  	[sflag:s3] =	ssyncadd.s32 $0xFFFF8000  }
0x218: {  	_ =	swait.ge [sflag:s3], $0x8000  }
0x219: {  	[sflag:s3] =	ssyncset.done $0x0  }
0x21a: {  	[sflag:s3] =	ssyncadd.s32 $0xFFFF8000  }
0x21b: {  	_ =	swait.ge [sflag:s3], $0x8000  }
0x21c: {  	[sflag:s3] =	ssyncset.done $0x0  }
0x21d: {  	[sflag:s3] =	ssyncadd.s32 $0xFFFF8000  }
0x21e: {  	_ =	swait.ge [sflag:s3], $0x8000  }
.Ltmp22:
0x21f: {  	[sflag:s3] =	ssyncset.done $0x0;
	(pc) =	sbr.rel .LBB2_28-.Ltmp22, $4  }
0x220: {  	[sflag:s3] =	ssyncadd.s32 $0xFFFF8000  }
0x221: {  	_ =	swait.ge [sflag:s3], $0x8000  }
0x222: {  	[sflag:s3] =	ssyncset.done $0x0;
	s1 =	sld [smem:$0x7FA]  }
0x223: {  	s0 =	rddreg [dreg:$0x13];
	[sflag:s3] =	ssyncadd.s32 $0xFFFF8000  }
.LBB2_30:
0x224: {  	s23 =	smov.u32 s7;
	s24 =	smov.u32 s6  }
.LBB2_34:
0x225: {  	_ =	sdelay $0x2  }
0x226: {  	[tilespmem:s8+$0x0] =	vst @p0 v2  }
0x227: {  	s8 =	sadd.s32 @p0 $0x80, s23;
	v1 =	vld.idx.msk [tilespmem:v1+s2+$0x0], $0xffff  }
0x228: {  	s7 =	smov.u32 @p0 s8;
	s8 =	sadd.s32 @p0 $0x10, s24  }
0x229: {  	s7 =	sand.u32 $0xFFFFFC00, s7;
	s6 =	smov.u32 @p0 s8  }
0x22a: {  	s6 =	sand.u32 $0x70, s6;
	s7 =	sadd.s32 s7, s20  }
0x22b: {  	s6 =	sadd.s32 s6, s7  }
0x22c: {  	[tilespmem:s6+$0x0] =	vst v1  }
.LBB2_35:
0x22d: {  	s31 =	sadd.s32 $0x1, s31  }
0x22e: {  	p0 =	sne.s32 s31, $0x10  }
.Ltmp23:
0x22f: {  	_ = 	snop;
	(pc) =	sbr.rel @!p0 .LBB2_36-.Ltmp23, $2  }
0x230: {  	_ =	sdelay $0x2  }
0x231: {  	s0 =	sadd.s32 $0x1, s0;
	s1 =	sadd.s32 $0x1, s1  }
.LBB2_28:
0x232: {  	s6 =	ssub.s32 s31, s4  }
0x233: {  	s7 =	sadd.s32 $0x9BF, s6  }
0x234: {  	s6 =	sadd.s32 $0x5B0, s6;
	s8 =	sshrl.u32 s7, $0x4  }
0x235: {  	s7 =	sshrl.u32 s6, $0x4;
	s21 =	sadd.s32 $0x2, s8  }
0x236: {  	p0 =	sge.u32 s7, s21  }
.Ltmp24:
0x237: {  	_ = 	snop;
	(pc) =	sbr.rel @p0 .LBB2_35-.Ltmp24, $1  }
0x238: {  	_ =	sdelay $0x3  }
0x239: {  	s22 =	sshll.u32 s31, $0x7  }
0x23a: {  	s8 =	sshrl.u32 s31, $0x3;
	s23 =	sand.u32 $0x380, s22;
	s22 =	sadd.s32 $0x1, s7  }
0x23b: {  	s6 =	sand.u32 $0xFFFFFFF0, s0;
	s8 =	smul.u32 $0x17000, s8;
	p1 =	slt.u32 s22, s21  }
.Ltmp25:
0x23c: {  	s9 =	ssub.s32 s1, s6;
	(pc) =	sbr.rel @!p1 .LBB2_30-.Ltmp25, $4  }
0x23d: {  	v1 =	vadd.s32 s9, v0  }
0x23e: {  	s8 =	sshra.s32 s8, $0x2;
	vm0 =	vgt.s32 v1, $0x0  }
0x23f: {  	s20 =	sshll.u32 s0, $0x3;
	p0 =	por $0x0, $0x0;
	s8 =	sor.u32 s23, s8;
	v1 =	vnsel vm0, $0x0, v1  }
0x240: {  	s7 =	sand.u32 $0xFFFFFF80, s20;
	s20 =	sadd.s32 $0x480, s8;
	v1 =	vmin.u32 v1, $0x400;
	s8 =	sadd.s32 $0xFFFFFFF0, s9  }
0x241: {  	_ =	sdelay $0x1  }
0x242: {  	v3 =	vadd.s32 s8, v0;
	s22 =	sadd.s32 $0x1, s22  }
0x243: {  	vm0 =	vgt.s32 v3, $0x0;
	p1 =	slt.u32 s22, s21  }
.Ltmp26:
0x244: {  	v2 =	vld.idx.msk [tilespmem:v1+s2+$0x0], $0xffff;
	v1 =	vnsel vm0, $0x0, v3;
	(pc) =	sbr.rel @!p1 .LBB2_32-.Ltmp26, $4  }
0x245: {  	v1 =	vmin.u32 v1, $0x400  }
0x246: {  	s9 =	sand.u32 $0xFFFFFC00, s7;
	s23 =	sand.u32 $0x70, s6  }
0x247: {  	s25 =	sadd.s32 $0xFFFFFFF0, s8;
	p0 =	por $0x1, $0x1;
	s9 =	sadd.s32 s9, s20  }
0x248: {  	s24 =	smov.u32 s6;
	s8 =	sadd.s32 s23, s9;
	s23 =	smov.u32 s7  }
.LBB2_33:
0x249: {  	v3 =	vadd.s32 s25, v0;
	s22 =	sadd.s32 $0x1, s22;
	[tilespmem:s8+$0x0] =	vst v2  }
0x24a: {  	vm0 =	vgt.s32 v3, $0x0;
	p1 =	slt.u32 s22, s21;
	v2 =	vld.idx.msk [tilespmem:v1+s2+$0x0], $0xffff  }
.Ltmp27:
0x24b: {  	v1 =	vnsel vm0, $0x0, v3;
	(pc) =	sbr.rel @p1 .LBB2_33-.Ltmp27, $4  }
0x24c: {  	s23 =	sadd.s32 $0x80, s23;
	v1 =	vmin.u32 v1, $0x400  }
0x24d: {  	s24 =	sadd.s32 $0x10, s24;
	s8 =	sand.u32 $0xFFFFFC00, s23  }
0x24e: {  	s9 =	sand.u32 $0x70, s24;
	s8 =	sadd.s32 s8, s20  }
0x24f: {  	s25 =	sadd.s32 $0xFFFFFFF0, s25;
	s8 =	sadd.s32 s9, s8  }
.Ltmp28:
0x250: {  	_ = 	snop;
	(pc) =	sbr.rel .LBB2_34-.Ltmp28, $1  }
0x251: {  	_ =	sdelay $0x3  }
.LBB2_32:
.Ltmp29:
0x252: {  	(pc) =	sbr.rel .LBB2_34-.Ltmp29, $2  }
0x253: {  	_ =	sdelay $0x2  }
0x254: {  	s23 =	smov.u32 s7;
	s24 =	smov.u32 s6  }
.LBB2_36:
0x255: {  	s0 =	sld [smem:$0x7D7];
	_ =	sdelay $0x1  }
0x256: {  	s31 =	simm.s32 $0x0;
	s1 =	simm.s32 $0x2080  }
0x257: {  	[hbm4b:s0+s31] =	stream.linear.scatter [tilespmem:s1], [sflag:$0x1], $0x4000, $0x38;
	[tilespmem:$0x17480] =	vst v63  }
0x258: {  	s24 =	simm.s32 $0x7C80;
	s25 =	sld [smem:$0x7D8];
	s0 =	sadd.s32 $0x800, s0  }
0x259: {  	[hbm4b:s0+s31] =	stream.linear.scatter [tilespmem:s24], [sflag:$0x1], $0x4000, $0x38;
	[tilespmem:$0x17480] =	vst v63  }
0x25a: {  	s6 =	simm.s32 $0x1C80  }
0x25b: {  	[hbm4b:s25+s31] =	stream.linear.scatter [tilespmem:s6], [sflag:$0x1], $0x4000, $0x38;
	[tilespmem:$0x17480] =	vst v63  }
0x25c: {  	s7 =	simm.s32 $0x7880;
	s8 =	sld [smem:$0x7D9];
	s0 =	sadd.s32 $0x800, s25  }
0x25d: {  	[hbm4b:s0+s31] =	stream.linear.scatter [tilespmem:s7], [sflag:$0x1], $0x4000, $0x38;
	[tilespmem:$0x17480] =	vst v63  }
0x25e: {  	s9 =	simm.s32 $0x1880  }
0x25f: {  	[hbm4b:s8+s31] =	stream.linear.scatter [tilespmem:s9], [sflag:$0x1], $0x4000, $0x38;
	[tilespmem:$0x17480] =	vst v63  }
0x260: {  	s20 =	simm.s32 $0x7480;
	s21 =	sld [smem:$0x7DA];
	s0 =	sadd.s32 $0x800, s8  }
0x261: {  	[hbm4b:s0+s31] =	stream.linear.scatter [tilespmem:s20], [sflag:$0x1], $0x4000, $0x38;
	[tilespmem:$0x17480] =	vst v63  }
0x262: {  	s22 =	simm.s32 $0x1480  }
0x263: {  	[hbm4b:s21+s31] =	stream.linear.scatter [tilespmem:s22], [sflag:$0x1], $0x4000, $0x38;
	[tilespmem:$0x17480] =	vst v63  }
0x264: {  	s23 =	simm.s32 $0x7080;
	s24 =	sld [smem:$0x7DB];
	s0 =	sadd.s32 $0x800, s21  }
0x265: {  	[hbm4b:s0+s31] =	stream.linear.scatter [tilespmem:s23], [sflag:$0x1], $0x4000, $0x38;
	[tilespmem:$0x17480] =	vst v63  }
0x266: {  	s25 =	simm.s32 $0x1080  }
0x267: {  	[hbm4b:s24+s31] =	stream.linear.scatter [tilespmem:s25], [sflag:$0x1], $0x4000, $0x38;
	[tilespmem:$0x17480] =	vst v63  }
0x268: {  	s6 =	simm.s32 $0x6C80;
	s7 =	sld [smem:$0x7DC];
	s0 =	sadd.s32 $0x800, s24  }
0x269: {  	[hbm4b:s0+s31] =	stream.linear.scatter [tilespmem:s6], [sflag:$0x1], $0x4000, $0x38;
	[tilespmem:$0x17480] =	vst v63  }
0x26a: {  	s8 =	simm.s32 $0xC80  }
0x26b: {  	[hbm4b:s7+s31] =	stream.linear.scatter [tilespmem:s8], [sflag:$0x1], $0x4000, $0x38;
	[tilespmem:$0x17480] =	vst v63  }
0x26c: {  	s9 =	simm.s32 $0x6880;
	s20 =	sld [smem:$0x7DD];
	s0 =	sadd.s32 $0x800, s7  }
0x26d: {  	[hbm4b:s0+s31] =	stream.linear.scatter [tilespmem:s9], [sflag:$0x1], $0x4000, $0x38;
	[tilespmem:$0x17480] =	vst v63  }
0x26e: {  	s21 =	simm.s32 $0x880  }
0x26f: {  	[hbm4b:s20+s31] =	stream.linear.scatter [tilespmem:s21], [sflag:$0x1], $0x4000, $0x38;
	[tilespmem:$0x17480] =	vst v63  }
0x270: {  	s22 =	simm.s32 $0x6480;
	s23 =	sld [smem:$0x7DE];
	s0 =	sadd.s32 $0x800, s20  }
0x271: {  	[hbm4b:s0+s31] =	stream.linear.scatter [tilespmem:s22], [sflag:$0x1], $0x4000, $0x38;
	[tilespmem:$0x17480] =	vst v63  }
0x272: {  	s24 =	simm.s32 $0x480  }
0x273: {  	[hbm4b:s23+s31] =	stream.linear.scatter [tilespmem:s24], [sflag:$0x1], $0x4000, $0x38;
	[tilespmem:$0x17480] =	vst v63  }
0x274: {  	s25 =	simm.s32 $0x6080;
	s0 =	sadd.s32 $0x800, s23  }
0x275: {  	[hbm4b:s0+s31] =	stream.linear.scatter [tilespmem:s25], [sflag:$0x1], $0x4000, $0x38;
	[tilespmem:$0x17480] =	vst v63  }
0x276: {  	_ =	swait.ge [sflag:s29], $0x8000  }
0x277: {  	[sflag:s29] =	ssyncset.done $0x0  }
0x278: {  	[sflag:s29] =	ssyncadd.s32 $0xFFFF8000  }
0x279: {  	_ =	swait.ge [sflag:s29], $0x8000  }
0x27a: {  	[sflag:s29] =	ssyncset.done $0x0  }
0x27b: {  	[sflag:s29] =	ssyncadd.s32 $0xFFFF8000  }
0x27c: {  	_ =	swait.ge [sflag:s29], $0x8000  }
0x27d: {  	[sflag:s29] =	ssyncset.done $0x0  }
0x27e: {  	[sflag:s29] =	ssyncadd.s32 $0xFFFF8000  }
0x27f: {  	_ =	swait.ge [sflag:s29], $0x8000  }
0x280: {  	[sflag:s29] =	ssyncset.done $0x0  }
0x281: {  	[sflag:s29] =	ssyncadd.s32 $0xFFFF8000  }
0x282: {  	_ =	swait.ge [sflag:s29], $0x8000  }
0x283: {  	[sflag:s29] =	ssyncset.done $0x0  }
0x284: {  	[sflag:s29] =	ssyncadd.s32 $0xFFFF8000  }
0x285: {  	_ =	swait.ge [sflag:s29], $0x8000  }
0x286: {  	[sflag:s29] =	ssyncset.done $0x0  }
0x287: {  	[sflag:s29] =	ssyncadd.s32 $0xFFFF8000  }
0x288: {  	_ =	swait.ge [sflag:s29], $0x8000  }
.Ltmp30:
0x289: {  	[sflag:s29] =	ssyncset.done $0x0;
	(pc) =	sbr.rel .LBB2_37-.Ltmp30, $4  }
0x28a: {  	[sflag:s29] =	ssyncadd.s32 $0xFFFF8000  }
0x28b: {  	_ =	swait.ge [sflag:s29], $0x8000  }
0x28c: {  	[sflag:s29] =	ssyncset.done $0x0;
	s1 =	sld [smem:$0x7FB]  }
0x28d: {  	s0 =	rddreg [dreg:$0x14];
	[sflag:s29] =	ssyncadd.s32 $0xFFFF8000  }
.LBB2_39:
0x28e: {  	s23 =	smov.u32 s7;
	s24 =	smov.u32 s6  }
.LBB2_43:
0x28f: {  	_ =	sdelay $0x2  }
0x290: {  	[tilespmem:s8+$0x0] =	vst @p0 v2  }
0x291: {  	s8 =	sadd.s32 @p0 $0x80, s23;
	v1 =	vld.idx.msk [tilespmem:v1+s2+$0x0], $0xffff  }
0x292: {  	s7 =	smov.u32 @p0 s8;
	s8 =	sadd.s32 @p0 $0x10, s24  }
0x293: {  	s7 =	sand.u32 $0xFFFFFC00, s7;
	s6 =	smov.u32 @p0 s8  }
0x294: {  	s6 =	sand.u32 $0x70, s6;
	s7 =	sadd.s32 s7, s20  }
0x295: {  	s6 =	sadd.s32 s6, s7  }
0x296: {  	[tilespmem:s6+$0x0] =	vst v1  }
.LBB2_44:
0x297: {  	s31 =	sadd.s32 $0x1, s31  }
0x298: {  	p0 =	sne.s32 s31, $0x10  }
.Ltmp31:
0x299: {  	_ = 	snop;
	(pc) =	sbr.rel @!p0 .LBB2_45-.Ltmp31, $2  }
0x29a: {  	_ =	sdelay $0x2  }
0x29b: {  	s0 =	sadd.s32 $0x1, s0;
	s1 =	sadd.s32 $0x1, s1  }
.LBB2_37:
0x29c: {  	s6 =	ssub.s32 s31, s4  }
0x29d: {  	s7 =	sadd.s32 $0x9AF, s6  }
0x29e: {  	s6 =	sadd.s32 $0x5A0, s6;
	s8 =	sshrl.u32 s7, $0x4  }
0x29f: {  	s7 =	sshrl.u32 s6, $0x4;
	s21 =	sadd.s32 $0x2, s8  }
0x2a0: {  	p0 =	sge.u32 s7, s21  }
.Ltmp32:
0x2a1: {  	_ = 	snop;
	(pc) =	sbr.rel @p0 .LBB2_44-.Ltmp32, $1  }
0x2a2: {  	_ =	sdelay $0x3  }
0x2a3: {  	s22 =	sshll.u32 s31, $0x7  }
0x2a4: {  	s8 =	sshrl.u32 s31, $0x3;
	s23 =	sand.u32 $0x380, s22;
	s22 =	sadd.s32 $0x1, s7  }
0x2a5: {  	s6 =	sand.u32 $0xFFFFFFF0, s0;
	s8 =	smul.u32 $0x17000, s8;
	p1 =	slt.u32 s22, s21  }
.Ltmp33:
0x2a6: {  	s9 =	ssub.s32 s1, s6;
	(pc) =	sbr.rel @!p1 .LBB2_39-.Ltmp33, $4  }
0x2a7: {  	v1 =	vadd.s32 s9, v0  }
0x2a8: {  	s8 =	sshra.s32 s8, $0x2;
	vm0 =	vgt.s32 v1, $0x0  }
0x2a9: {  	s20 =	sshll.u32 s0, $0x3;
	p0 =	por $0x0, $0x0;
	s8 =	sor.u32 s23, s8;
	v1 =	vnsel vm0, $0x0, v1  }
0x2aa: {  	s7 =	sand.u32 $0xFFFFFF80, s20;
	s20 =	sadd.s32 $0xBC80, s8;
	v1 =	vmin.u32 v1, $0x400;
	s8 =	sadd.s32 $0xFFFFFFF0, s9  }
0x2ab: {  	_ =	sdelay $0x1  }
0x2ac: {  	v3 =	vadd.s32 s8, v0;
	s22 =	sadd.s32 $0x1, s22  }
0x2ad: {  	vm0 =	vgt.s32 v3, $0x0;
	p1 =	slt.u32 s22, s21  }
.Ltmp34:
0x2ae: {  	v2 =	vld.idx.msk [tilespmem:v1+s2+$0x0], $0xffff;
	v1 =	vnsel vm0, $0x0, v3;
	(pc) =	sbr.rel @!p1 .LBB2_41-.Ltmp34, $4  }
0x2af: {  	v1 =	vmin.u32 v1, $0x400  }
0x2b0: {  	s9 =	sand.u32 $0xFFFFFC00, s7;
	s23 =	sand.u32 $0x70, s6  }
0x2b1: {  	s25 =	sadd.s32 $0xFFFFFFF0, s8;
	p0 =	por $0x1, $0x1;
	s9 =	sadd.s32 s9, s20  }
0x2b2: {  	s24 =	smov.u32 s6;
	s8 =	sadd.s32 s23, s9;
	s23 =	smov.u32 s7  }
.LBB2_42:
0x2b3: {  	v3 =	vadd.s32 s25, v0;
	s22 =	sadd.s32 $0x1, s22;
	[tilespmem:s8+$0x0] =	vst v2  }
0x2b4: {  	vm0 =	vgt.s32 v3, $0x0;
	p1 =	slt.u32 s22, s21;
	v2 =	vld.idx.msk [tilespmem:v1+s2+$0x0], $0xffff  }
.Ltmp35:
0x2b5: {  	v1 =	vnsel vm0, $0x0, v3;
	(pc) =	sbr.rel @p1 .LBB2_42-.Ltmp35, $4  }
0x2b6: {  	s23 =	sadd.s32 $0x80, s23;
	v1 =	vmin.u32 v1, $0x400  }
0x2b7: {  	s24 =	sadd.s32 $0x10, s24;
	s8 =	sand.u32 $0xFFFFFC00, s23  }
0x2b8: {  	s9 =	sand.u32 $0x70, s24;
	s8 =	sadd.s32 s8, s20  }
0x2b9: {  	s25 =	sadd.s32 $0xFFFFFFF0, s25;
	s8 =	sadd.s32 s9, s8  }
.Ltmp36:
0x2ba: {  	_ = 	snop;
	(pc) =	sbr.rel .LBB2_43-.Ltmp36, $1  }
0x2bb: {  	_ =	sdelay $0x3  }
.LBB2_41:
.Ltmp37:
0x2bc: {  	(pc) =	sbr.rel .LBB2_43-.Ltmp37, $2  }
0x2bd: {  	_ =	sdelay $0x2  }
0x2be: {  	s23 =	smov.u32 s7;
	s24 =	smov.u32 s6  }
.LBB2_45:
0x2bf: {  	s0 =	sld [smem:$0x7DF];
	_ =	sdelay $0x1  }
0x2c0: {  	s31 =	simm.s32 $0x0;
	s1 =	simm.s32 $0xD880  }
0x2c1: {  	[hbm4b:s0+s31] =	stream.linear.scatter [tilespmem:s1], [sflag:$0x2], $0x4000, $0x38;
	[tilespmem:$0x17480] =	vst v63  }
0x2c2: {  	s6 =	simm.s32 $0x13480;
	s7 =	sld [smem:$0x7E0];
	s0 =	sadd.s32 $0x800, s0  }
0x2c3: {  	[hbm4b:s0+s31] =	stream.linear.scatter [tilespmem:s6], [sflag:$0x2], $0x4000, $0x38;
	[tilespmem:$0x17480] =	vst v63  }
0x2c4: {  	s8 =	simm.s32 $0xD480  }
0x2c5: {  	[hbm4b:s7+s31] =	stream.linear.scatter [tilespmem:s8], [sflag:$0x2], $0x4000, $0x38;
	[tilespmem:$0x17480] =	vst v63  }
0x2c6: {  	s9 =	simm.s32 $0x13080;
	s20 =	sld [smem:$0x7E1];
	s0 =	sadd.s32 $0x800, s7  }
0x2c7: {  	[hbm4b:s0+s31] =	stream.linear.scatter [tilespmem:s9], [sflag:$0x2], $0x4000, $0x38;
	[tilespmem:$0x17480] =	vst v63  }
0x2c8: {  	_ = 	snop  }
0x2c9: {  	[hbm4b:s20+s31] =	stream.linear.scatter [tilespmem:s10], [sflag:$0x2], $0x4000, $0x38;
	[tilespmem:$0x17480] =	vst v63  }
0x2ca: {  	s21 =	sld [smem:$0x7E2];
	s0 =	sadd.s32 $0x800, s20  }
0x2cb: {  	[hbm4b:s0+s31] =	stream.linear.scatter [tilespmem:s11], [sflag:$0x2], $0x4000, $0x38;
	[tilespmem:$0x17480] =	vst v63  }
0x2cc: {  	_ = 	snop  }
0x2cd: {  	[hbm4b:s21+s31] =	stream.linear.scatter [tilespmem:s12], [sflag:$0x2], $0x4000, $0x38;
	[tilespmem:$0x17480] =	vst v63  }
0x2ce: {  	s22 =	sld [smem:$0x7E3];
	s0 =	sadd.s32 $0x800, s21  }
0x2cf: {  	[hbm4b:s0+s31] =	stream.linear.scatter [tilespmem:s13], [sflag:$0x2], $0x4000, $0x38;
	[tilespmem:$0x17480] =	vst v63  }
0x2d0: {  	_ = 	snop  }
0x2d1: {  	[hbm4b:s22+s31] =	stream.linear.scatter [tilespmem:s14], [sflag:$0x2], $0x4000, $0x38;
	[tilespmem:$0x17480] =	vst v63  }
0x2d2: {  	s23 =	sld [smem:$0x7E4];
	s0 =	sadd.s32 $0x800, s22  }
0x2d3: {  	[hbm4b:s0+s31] =	stream.linear.scatter [tilespmem:s15], [sflag:$0x2], $0x4000, $0x38;
	[tilespmem:$0x17480] =	vst v63  }
0x2d4: {  	_ = 	snop  }
0x2d5: {  	[hbm4b:s23+s31] =	stream.linear.scatter [tilespmem:s16], [sflag:$0x2], $0x4000, $0x38;
	[tilespmem:$0x17480] =	vst v63  }
0x2d6: {  	s24 =	sld [smem:$0x7E5];
	s0 =	sadd.s32 $0x800, s23  }
0x2d7: {  	[hbm4b:s0+s31] =	stream.linear.scatter [tilespmem:s17], [sflag:$0x2], $0x4000, $0x38;
	[tilespmem:$0x17480] =	vst v63  }
0x2d8: {  	_ = 	snop  }
0x2d9: {  	[hbm4b:s24+s31] =	stream.linear.scatter [tilespmem:s18], [sflag:$0x2], $0x4000, $0x38;
	[tilespmem:$0x17480] =	vst v63  }
0x2da: {  	s25 =	sld [smem:$0x7E6];
	s0 =	sadd.s32 $0x800, s24  }
0x2db: {  	[hbm4b:s0+s31] =	stream.linear.scatter [tilespmem:s19], [sflag:$0x2], $0x4000, $0x38;
	[tilespmem:$0x17480] =	vst v63  }
0x2dc: {  	_ = 	snop  }
0x2dd: {  	[hbm4b:s25+s31] =	stream.linear.scatter [tilespmem:s26], [sflag:$0x2], $0x4000, $0x38;
	[tilespmem:$0x17480] =	vst v63  }
0x2de: {  	s0 =	sadd.s32 $0x800, s25  }
0x2df: {  	[hbm4b:s0+s31] =	stream.linear.scatter [tilespmem:s28], [sflag:$0x2], $0x4000, $0x38;
	[tilespmem:$0x17480] =	vst v63  }
0x2e0: {  	_ =	swait.ge [sflag:s3], $0x8000  }
0x2e1: {  	[sflag:s3] =	ssyncset.done $0x0  }
0x2e2: {  	[sflag:s3] =	ssyncadd.s32 $0xFFFF8000  }
0x2e3: {  	_ =	swait.ge [sflag:s3], $0x8000  }
0x2e4: {  	[sflag:s3] =	ssyncset.done $0x0  }
0x2e5: {  	[sflag:s3] =	ssyncadd.s32 $0xFFFF8000  }
0x2e6: {  	_ =	swait.ge [sflag:s3], $0x8000  }
0x2e7: {  	[sflag:s3] =	ssyncset.done $0x0  }
0x2e8: {  	[sflag:s3] =	ssyncadd.s32 $0xFFFF8000  }
0x2e9: {  	_ =	swait.ge [sflag:s3], $0x8000  }
0x2ea: {  	[sflag:s3] =	ssyncset.done $0x0  }
0x2eb: {  	[sflag:s3] =	ssyncadd.s32 $0xFFFF8000  }
0x2ec: {  	_ =	swait.ge [sflag:s3], $0x8000  }
0x2ed: {  	[sflag:s3] =	ssyncset.done $0x0  }
0x2ee: {  	[sflag:s3] =	ssyncadd.s32 $0xFFFF8000  }
0x2ef: {  	_ =	swait.ge [sflag:s3], $0x8000  }
0x2f0: {  	[sflag:s3] =	ssyncset.done $0x0  }
0x2f1: {  	[sflag:s3] =	ssyncadd.s32 $0xFFFF8000  }
0x2f2: {  	_ =	swait.ge [sflag:s3], $0x8000  }
.Ltmp38:
0x2f3: {  	[sflag:s3] =	ssyncset.done $0x0;
	(pc) =	sbr.rel .LBB2_46-.Ltmp38, $4  }
0x2f4: {  	[sflag:s3] =	ssyncadd.s32 $0xFFFF8000  }
0x2f5: {  	_ =	swait.ge [sflag:s3], $0x8000  }
0x2f6: {  	[sflag:s3] =	ssyncset.done $0x0;
	s1 =	sld [smem:$0x7FC]  }
0x2f7: {  	s0 =	rddreg [dreg:$0x15];
	[sflag:s3] =	ssyncadd.s32 $0xFFFF8000  }
.LBB2_48:
0x2f8: {  	s23 =	smov.u32 s7;
	s24 =	smov.u32 s6  }
.LBB2_52:
0x2f9: {  	_ =	sdelay $0x2  }
0x2fa: {  	[tilespmem:s8+$0x0] =	vst @p0 v2  }
0x2fb: {  	s8 =	sadd.s32 @p0 $0x80, s23;
	v1 =	vld.idx.msk [tilespmem:v1+s2+$0x0], $0xffff  }
0x2fc: {  	s7 =	smov.u32 @p0 s8;
	s8 =	sadd.s32 @p0 $0x10, s24  }
0x2fd: {  	s7 =	sand.u32 $0xFFFFFC00, s7;
	s6 =	smov.u32 @p0 s8  }
0x2fe: {  	s6 =	sand.u32 $0x70, s6;
	s7 =	sadd.s32 s7, s20  }
0x2ff: {  	s6 =	sadd.s32 s6, s7  }
0x300: {  	[tilespmem:s6+$0x0] =	vst v1  }
.LBB2_53:
0x301: {  	s31 =	sadd.s32 $0x1, s31  }
0x302: {  	p0 =	sne.s32 s31, $0x10  }
.Ltmp39:
0x303: {  	_ = 	snop;
	(pc) =	sbr.rel @!p0 .LBB2_54-.Ltmp39, $2  }
0x304: {  	_ =	sdelay $0x2  }
0x305: {  	s0 =	sadd.s32 $0x1, s0;
	s1 =	sadd.s32 $0x1, s1  }
.LBB2_46:
0x306: {  	s6 =	ssub.s32 s31, s4  }
0x307: {  	s7 =	sadd.s32 $0x99F, s6  }
0x308: {  	s6 =	sadd.s32 $0x590, s6;
	s8 =	sshrl.u32 s7, $0x4  }
0x309: {  	s7 =	sshrl.u32 s6, $0x4;
	s21 =	sadd.s32 $0x2, s8  }
0x30a: {  	p0 =	sge.u32 s7, s21  }
.Ltmp40:
0x30b: {  	_ = 	snop;
	(pc) =	sbr.rel @p0 .LBB2_53-.Ltmp40, $1  }
0x30c: {  	_ =	sdelay $0x3  }
0x30d: {  	s22 =	sshll.u32 s31, $0x7  }
0x30e: {  	s8 =	sshrl.u32 s31, $0x3;
	s23 =	sand.u32 $0x380, s22;
	s22 =	sadd.s32 $0x1, s7  }
0x30f: {  	s6 =	sand.u32 $0xFFFFFFF0, s0;
	s8 =	smul.u32 $0x17000, s8;
	p1 =	slt.u32 s22, s21  }
.Ltmp41:
0x310: {  	s9 =	ssub.s32 s1, s6;
	(pc) =	sbr.rel @!p1 .LBB2_48-.Ltmp41, $4  }
0x311: {  	v1 =	vadd.s32 s9, v0  }
0x312: {  	s8 =	sshra.s32 s8, $0x2;
	vm0 =	vgt.s32 v1, $0x0  }
0x313: {  	s20 =	sshll.u32 s0, $0x3;
	p0 =	por $0x0, $0x0;
	s8 =	sor.u32 s23, s8;
	v1 =	vnsel vm0, $0x0, v1  }
0x314: {  	s7 =	sand.u32 $0xFFFFFF80, s20;
	s20 =	sadd.s32 $0x480, s8;
	v1 =	vmin.u32 v1, $0x400;
	s8 =	sadd.s32 $0xFFFFFFF0, s9  }
0x315: {  	_ =	sdelay $0x1  }
0x316: {  	v3 =	vadd.s32 s8, v0;
	s22 =	sadd.s32 $0x1, s22  }
0x317: {  	vm0 =	vgt.s32 v3, $0x0;
	p1 =	slt.u32 s22, s21  }
.Ltmp42:
0x318: {  	v2 =	vld.idx.msk [tilespmem:v1+s2+$0x0], $0xffff;
	v1 =	vnsel vm0, $0x0, v3;
	(pc) =	sbr.rel @!p1 .LBB2_50-.Ltmp42, $4  }
0x319: {  	v1 =	vmin.u32 v1, $0x400  }
0x31a: {  	s9 =	sand.u32 $0xFFFFFC00, s7;
	s23 =	sand.u32 $0x70, s6  }
0x31b: {  	s25 =	sadd.s32 $0xFFFFFFF0, s8;
	p0 =	por $0x1, $0x1;
	s9 =	sadd.s32 s9, s20  }
0x31c: {  	s24 =	smov.u32 s6;
	s8 =	sadd.s32 s23, s9;
	s23 =	smov.u32 s7  }
.LBB2_51:
0x31d: {  	v3 =	vadd.s32 s25, v0;
	s22 =	sadd.s32 $0x1, s22;
	[tilespmem:s8+$0x0] =	vst v2  }
0x31e: {  	vm0 =	vgt.s32 v3, $0x0;
	p1 =	slt.u32 s22, s21;
	v2 =	vld.idx.msk [tilespmem:v1+s2+$0x0], $0xffff  }
.Ltmp43:
0x31f: {  	v1 =	vnsel vm0, $0x0, v3;
	(pc) =	sbr.rel @p1 .LBB2_51-.Ltmp43, $4  }
0x320: {  	s23 =	sadd.s32 $0x80, s23;
	v1 =	vmin.u32 v1, $0x400  }
0x321: {  	s24 =	sadd.s32 $0x10, s24;
	s8 =	sand.u32 $0xFFFFFC00, s23  }
0x322: {  	s9 =	sand.u32 $0x70, s24;
	s8 =	sadd.s32 s8, s20  }
0x323: {  	s25 =	sadd.s32 $0xFFFFFFF0, s25;
	s8 =	sadd.s32 s9, s8  }
.Ltmp44:
0x324: {  	_ = 	snop;
	(pc) =	sbr.rel .LBB2_52-.Ltmp44, $1  }
0x325: {  	_ =	sdelay $0x3  }
.LBB2_50:
.Ltmp45:
0x326: {  	(pc) =	sbr.rel .LBB2_52-.Ltmp45, $2  }
0x327: {  	_ =	sdelay $0x2  }
0x328: {  	s23 =	smov.u32 s7;
	s24 =	smov.u32 s6  }
.LBB2_54:
0x329: {  	s0 =	sld [smem:$0x7E7];
	_ =	sdelay $0x1  }
0x32a: {  	s31 =	simm.s32 $0x0;
	s1 =	simm.s32 $0x2080  }
0x32b: {  	[hbm4b:s0+s31] =	stream.linear.scatter [tilespmem:s1], [sflag:$0x1], $0x4000, $0x38;
	[tilespmem:$0x17480] =	vst v63  }
0x32c: {  	s24 =	simm.s32 $0x7C80;
	s25 =	sld [smem:$0x7E8];
	s0 =	sadd.s32 $0x800, s0  }
0x32d: {  	[hbm4b:s0+s31] =	stream.linear.scatter [tilespmem:s24], [sflag:$0x1], $0x4000, $0x38;
	[tilespmem:$0x17480] =	vst v63  }
0x32e: {  	s6 =	simm.s32 $0x1C80  }
0x32f: {  	[hbm4b:s25+s31] =	stream.linear.scatter [tilespmem:s6], [sflag:$0x1], $0x4000, $0x38;
	[tilespmem:$0x17480] =	vst v63  }
0x330: {  	s7 =	simm.s32 $0x7880;
	s8 =	sld [smem:$0x7E9];
	s0 =	sadd.s32 $0x800, s25  }
0x331: {  	[hbm4b:s0+s31] =	stream.linear.scatter [tilespmem:s7], [sflag:$0x1], $0x4000, $0x38;
	[tilespmem:$0x17480] =	vst v63  }
0x332: {  	s9 =	simm.s32 $0x1880  }
0x333: {  	[hbm4b:s8+s31] =	stream.linear.scatter [tilespmem:s9], [sflag:$0x1], $0x4000, $0x38;
	[tilespmem:$0x17480] =	vst v63  }
0x334: {  	s20 =	simm.s32 $0x7480;
	s21 =	sld [smem:$0x7EA];
	s0 =	sadd.s32 $0x800, s8  }
0x335: {  	[hbm4b:s0+s31] =	stream.linear.scatter [tilespmem:s20], [sflag:$0x1], $0x4000, $0x38;
	[tilespmem:$0x17480] =	vst v63  }
0x336: {  	s22 =	simm.s32 $0x1480  }
0x337: {  	[hbm4b:s21+s31] =	stream.linear.scatter [tilespmem:s22], [sflag:$0x1], $0x4000, $0x38;
	[tilespmem:$0x17480] =	vst v63  }
0x338: {  	s23 =	simm.s32 $0x7080;
	s24 =	sld [smem:$0x7EB];
	s0 =	sadd.s32 $0x800, s21  }
0x339: {  	[hbm4b:s0+s31] =	stream.linear.scatter [tilespmem:s23], [sflag:$0x1], $0x4000, $0x38;
	[tilespmem:$0x17480] =	vst v63  }
0x33a: {  	s25 =	simm.s32 $0x1080  }
0x33b: {  	[hbm4b:s24+s31] =	stream.linear.scatter [tilespmem:s25], [sflag:$0x1], $0x4000, $0x38;
	[tilespmem:$0x17480] =	vst v63  }
0x33c: {  	s6 =	simm.s32 $0x6C80;
	s7 =	sld [smem:$0x7EC];
	s0 =	sadd.s32 $0x800, s24  }
0x33d: {  	[hbm4b:s0+s31] =	stream.linear.scatter [tilespmem:s6], [sflag:$0x1], $0x4000, $0x38;
	[tilespmem:$0x17480] =	vst v63  }
0x33e: {  	s8 =	simm.s32 $0xC80  }
0x33f: {  	[hbm4b:s7+s31] =	stream.linear.scatter [tilespmem:s8], [sflag:$0x1], $0x4000, $0x38;
	[tilespmem:$0x17480] =	vst v63  }
0x340: {  	s9 =	simm.s32 $0x6880;
	s20 =	sld [smem:$0x7ED];
	s0 =	sadd.s32 $0x800, s7  }
0x341: {  	[hbm4b:s0+s31] =	stream.linear.scatter [tilespmem:s9], [sflag:$0x1], $0x4000, $0x38;
	[tilespmem:$0x17480] =	vst v63  }
0x342: {  	s21 =	simm.s32 $0x880  }
0x343: {  	[hbm4b:s20+s31] =	stream.linear.scatter [tilespmem:s21], [sflag:$0x1], $0x4000, $0x38;
	[tilespmem:$0x17480] =	vst v63  }
0x344: {  	s22 =	simm.s32 $0x6480;
	s23 =	sld [smem:$0x7EE];
	s0 =	sadd.s32 $0x800, s20  }
0x345: {  	[hbm4b:s0+s31] =	stream.linear.scatter [tilespmem:s22], [sflag:$0x1], $0x4000, $0x38;
	[tilespmem:$0x17480] =	vst v63  }
0x346: {  	s24 =	simm.s32 $0x480  }
0x347: {  	[hbm4b:s23+s31] =	stream.linear.scatter [tilespmem:s24], [sflag:$0x1], $0x4000, $0x38;
	[tilespmem:$0x17480] =	vst v63  }
0x348: {  	s25 =	simm.s32 $0x6080;
	s0 =	sadd.s32 $0x800, s23  }
0x349: {  	[hbm4b:s0+s31] =	stream.linear.scatter [tilespmem:s25], [sflag:$0x1], $0x4000, $0x38;
	[tilespmem:$0x17480] =	vst v63  }
0x34a: {  	_ =	swait.ge [sflag:s29], $0x8000  }
0x34b: {  	[sflag:s29] =	ssyncset.done $0x0  }
0x34c: {  	[sflag:s29] =	ssyncadd.s32 $0xFFFF8000  }
0x34d: {  	_ =	swait.ge [sflag:s29], $0x8000  }
0x34e: {  	[sflag:s29] =	ssyncset.done $0x0  }
0x34f: {  	[sflag:s29] =	ssyncadd.s32 $0xFFFF8000  }
0x350: {  	_ =	swait.ge [sflag:s29], $0x8000  }
0x351: {  	[sflag:s29] =	ssyncset.done $0x0  }
0x352: {  	[sflag:s29] =	ssyncadd.s32 $0xFFFF8000  }
0x353: {  	_ =	swait.ge [sflag:s29], $0x8000  }
0x354: {  	[sflag:s29] =	ssyncset.done $0x0  }
0x355: {  	[sflag:s29] =	ssyncadd.s32 $0xFFFF8000  }
0x356: {  	_ =	swait.ge [sflag:s29], $0x8000  }
0x357: {  	[sflag:s29] =	ssyncset.done $0x0  }
0x358: {  	[sflag:s29] =	ssyncadd.s32 $0xFFFF8000  }
0x359: {  	_ =	swait.ge [sflag:s29], $0x8000  }
0x35a: {  	[sflag:s29] =	ssyncset.done $0x0  }
0x35b: {  	[sflag:s29] =	ssyncadd.s32 $0xFFFF8000  }
0x35c: {  	_ =	swait.ge [sflag:s29], $0x8000  }
.Ltmp46:
0x35d: {  	[sflag:s29] =	ssyncset.done $0x0;
	(pc) =	sbr.rel .LBB2_55-.Ltmp46, $4  }
0x35e: {  	[sflag:s29] =	ssyncadd.s32 $0xFFFF8000  }
0x35f: {  	_ =	swait.ge [sflag:s29], $0x8000  }
0x360: {  	[sflag:s29] =	ssyncset.done $0x0;
	s1 =	sld [smem:$0x7FD]  }
0x361: {  	s0 =	rddreg [dreg:$0x16];
	[sflag:s29] =	ssyncadd.s32 $0xFFFF8000  }
.LBB2_57:
0x362: {  	s23 =	smov.u32 s7;
	s24 =	smov.u32 s6  }
.LBB2_61:
0x363: {  	_ =	sdelay $0x2  }
0x364: {  	[tilespmem:s8+$0x0] =	vst @p0 v2  }
0x365: {  	s8 =	sadd.s32 @p0 $0x80, s23;
	v1 =	vld.idx.msk [tilespmem:v1+s2+$0x0], $0xffff  }
0x366: {  	s7 =	smov.u32 @p0 s8;
	s8 =	sadd.s32 @p0 $0x10, s24  }
0x367: {  	s7 =	sand.u32 $0xFFFFFC00, s7;
	s6 =	smov.u32 @p0 s8  }
0x368: {  	s6 =	sand.u32 $0x70, s6;
	s7 =	sadd.s32 s7, s20  }
0x369: {  	s6 =	sadd.s32 s6, s7  }
0x36a: {  	[tilespmem:s6+$0x0] =	vst v1  }
.LBB2_62:
0x36b: {  	s31 =	sadd.s32 $0x1, s31  }
0x36c: {  	p0 =	sne.s32 s31, $0x10  }
.Ltmp47:
0x36d: {  	_ = 	snop;
	(pc) =	sbr.rel @!p0 .LBB2_63-.Ltmp47, $2  }
0x36e: {  	_ =	sdelay $0x2  }
0x36f: {  	s0 =	sadd.s32 $0x1, s0;
	s1 =	sadd.s32 $0x1, s1  }
.LBB2_55:
0x370: {  	s6 =	ssub.s32 s31, s4  }
0x371: {  	s7 =	sadd.s32 $0x98F, s6  }
0x372: {  	s6 =	sadd.s32 $0x580, s6;
	s8 =	sshrl.u32 s7, $0x4  }
0x373: {  	s7 =	sshrl.u32 s6, $0x4;
	s21 =	sadd.s32 $0x2, s8  }
0x374: {  	p0 =	sge.u32 s7, s21  }
.Ltmp48:
0x375: {  	_ = 	snop;
	(pc) =	sbr.rel @p0 .LBB2_62-.Ltmp48, $1  }
0x376: {  	_ =	sdelay $0x3  }
0x377: {  	s22 =	sshll.u32 s31, $0x7  }
0x378: {  	s8 =	sshrl.u32 s31, $0x3;
	s23 =	sand.u32 $0x380, s22;
	s22 =	sadd.s32 $0x1, s7  }
0x379: {  	s6 =	sand.u32 $0xFFFFFFF0, s0;
	s8 =	smul.u32 $0x17000, s8;
	p1 =	slt.u32 s22, s21  }
.Ltmp49:
0x37a: {  	s9 =	ssub.s32 s1, s6;
	(pc) =	sbr.rel @!p1 .LBB2_57-.Ltmp49, $4  }
0x37b: {  	v1 =	vadd.s32 s9, v0  }
0x37c: {  	s8 =	sshra.s32 s8, $0x2;
	vm0 =	vgt.s32 v1, $0x0  }
0x37d: {  	s20 =	sshll.u32 s0, $0x3;
	p0 =	por $0x0, $0x0;
	s8 =	sor.u32 s23, s8;
	v1 =	vnsel vm0, $0x0, v1  }
0x37e: {  	s7 =	sand.u32 $0xFFFFFF80, s20;
	s20 =	sadd.s32 $0xBC80, s8;
	v1 =	vmin.u32 v1, $0x400;
	s8 =	sadd.s32 $0xFFFFFFF0, s9  }
0x37f: {  	_ =	sdelay $0x1  }
0x380: {  	v3 =	vadd.s32 s8, v0;
	s22 =	sadd.s32 $0x1, s22  }
0x381: {  	vm0 =	vgt.s32 v3, $0x0;
	p1 =	slt.u32 s22, s21  }
.Ltmp50:
0x382: {  	v2 =	vld.idx.msk [tilespmem:v1+s2+$0x0], $0xffff;
	v1 =	vnsel vm0, $0x0, v3;
	(pc) =	sbr.rel @!p1 .LBB2_59-.Ltmp50, $4  }
0x383: {  	v1 =	vmin.u32 v1, $0x400  }
0x384: {  	s9 =	sand.u32 $0xFFFFFC00, s7;
	s23 =	sand.u32 $0x70, s6  }
0x385: {  	s25 =	sadd.s32 $0xFFFFFFF0, s8;
	p0 =	por $0x1, $0x1;
	s9 =	sadd.s32 s9, s20  }
0x386: {  	s24 =	smov.u32 s6;
	s8 =	sadd.s32 s23, s9;
	s23 =	smov.u32 s7  }
.LBB2_60:
0x387: {  	v3 =	vadd.s32 s25, v0;
	s22 =	sadd.s32 $0x1, s22;
	[tilespmem:s8+$0x0] =	vst v2  }
0x388: {  	vm0 =	vgt.s32 v3, $0x0;
	p1 =	slt.u32 s22, s21;
	v2 =	vld.idx.msk [tilespmem:v1+s2+$0x0], $0xffff  }
.Ltmp51:
0x389: {  	v1 =	vnsel vm0, $0x0, v3;
	(pc) =	sbr.rel @p1 .LBB2_60-.Ltmp51, $4  }
0x38a: {  	s23 =	sadd.s32 $0x80, s23;
	v1 =	vmin.u32 v1, $0x400  }
0x38b: {  	s24 =	sadd.s32 $0x10, s24;
	s8 =	sand.u32 $0xFFFFFC00, s23  }
0x38c: {  	s9 =	sand.u32 $0x70, s24;
	s8 =	sadd.s32 s8, s20  }
0x38d: {  	s25 =	sadd.s32 $0xFFFFFFF0, s25;
	s8 =	sadd.s32 s9, s8  }
.Ltmp52:
0x38e: {  	_ = 	snop;
	(pc) =	sbr.rel .LBB2_61-.Ltmp52, $1  }
0x38f: {  	_ =	sdelay $0x3  }
.LBB2_59:
.Ltmp53:
0x390: {  	(pc) =	sbr.rel .LBB2_61-.Ltmp53, $2  }
0x391: {  	_ =	sdelay $0x2  }
0x392: {  	s23 =	smov.u32 s7;
	s24 =	smov.u32 s6  }
.LBB2_64:
0x393: {  	_ =	sfence.sel $0x180000  }
0x394: {  	[bflag:$0x0] =	sbarrier.arrive $0xFFFF  }
0x395: {  	_ =	strace $0x90000047  }
0x396: {  	s0 =	stileid.u32;
	[bflag:$0x2] =	sbarrier.arrive $0xFFFF  }
0x397: {  	p0 =	sne.s32 s0, $0x0;
	s0 =	rddreg [dreg:$0x2]  }
0x398: {  	s0 =	sadd.s32 @!p0 $0x100000, s0  }
0x399: {  	[sflag:s0] =	ssyncadd.tile.s32 @!p0 $0x1;
	_ =	shalt  }
.Lfunc_end2:
_tile_overlayer_lowered:
.L_overlay_start_2:
0x39a: {  	(tag) =	ssettag $0x2  }
0x39b: {  	s0 =	rddreg [dreg:$0x0];
	s2 =	stileid.u32  }
0x39c: {  	s1 =	rddreg [dreg:$0x1];
	p0 =	sne.s32 s2, $0x0  }
0x39d: {  	s3 =	rddreg [dreg:$0x2];
	[bflag:$0x3] =	sbarrier.arrive $0xFFFF;
	s2 =	simm.s32 @!p0 $0x1C03  }
0x39e: {  	[timem:s3], [sflag:s2] =	dma.local @!p0 [hbm:s0], s1  }
0x39f: {  	s0 =	simm.s32 @!p0 $0x3  }
0x3a0: {  	_ =	swait.ge @!p0 [sflag:s0], s1  }
0x3a1: {  	s1 =	ssub.s32 @!p0 $0x0, s1;
	[sflag:s0] =	ssyncset.done @!p0 $0x0  }
0x3a2: {  	[sflag:s0] =	ssyncadd.s32 @!p0 s1  }
0x3a3: {  	[bflag:$0x3] =	sbarrier.arrive $0xFFFF  }
0x3a4: {  	_ =	shalt  }

</sc_bundles>
